<compile_context>
chip_gen: v7x
topology: tpu7x:2x2x1
jax: 0.10.2.dev20260603
libtpu: 0.0.44.dev20260713+nightly
codegen_flags: <defaults>
</compile_context>

<pallas_src>
import functools

import numpy as np
import jax
import jax.numpy as jnp
from jax import lax
from jax.experimental import pallas as pl
from jax.experimental.pallas import tpu as pltpu
from jax.experimental.pallas import tpu_sc as plsc

_D = 256
_NB = 256
_F = 256
_MIN_P, _MAX_P = 80.0, 800.0
_MIN_E, _MAX_E = 0.0, 100.0


def _ln(x, g, b):
    m = jnp.mean(x, axis=-1, keepdims=True)
    v = jnp.mean((x - m) ** 2, axis=-1, keepdims=True)
    return (x - m) * jax.lax.rsqrt(v + 1e-5) * g + b


def _conv3(x, w, b):
    z = jnp.zeros((1, x.shape[1]), x.dtype)
    xm = jnp.concatenate([z, x[:-1]], axis=0)
    xp = jnp.concatenate([x[1:], z], axis=0)
    y = jnp.dot(xm, w[0], preferred_element_type=jnp.float32)
    y = y + jnp.dot(x, w[1], preferred_element_type=jnp.float32)
    y = y + jnp.dot(xp, w[2], preferred_element_type=jnp.float32)
    return y + b


def _pred_body(x, w1, b1, g1, bn1, w2, b2, g2, bn2, wl, bl):
    h = _ln(jnp.maximum(_conv3(x, w1, b1), 0.0), g1, bn1)
    h = _ln(jnp.maximum(_conv3(h, w2, b2), 0.0), g2, bn2)
    return jnp.sum(h * wl, axis=1, keepdims=True) + bl


def _two_pred_kernel(x_ref,
                     pw1, pb1, pg1, pbn1, pw2, pb2, pg2, pbn2, pwl, pbl,
                     ew1, eb1, eg1, ebn1, ew2, eb2, eg2, ebn2, ewl, ebl,
                     pout_ref, eout_ref):
    x = x_ref[0]
    pout_ref[0] = _pred_body(
        x, pw1[...], pb1[...], pg1[...], pbn1[...],
        pw2[...], pb2[...], pg2[...], pbn2[...], pwl[...], pbl[0, 0])
    eout_ref[0] = _pred_body(
        x, ew1[...], eb1[...], eg1[...], ebn1[...],
        ew2[...], eb2[...], eg2[...], ebn2[...], ewl[...], ebl[0, 0])


def _idx_dur_kernel(enc_ref, lt_ref,
                    w1, b1, g1, bn1, w2, b2, g2, bn2, wl, bl,
                    dur_ref, gidx_ref, *, t_in, mel, zrow):
    b = pl.program_id(0)
    x = enc_ref[0]
    dur_ref[0] = _pred_body(
        x, w1[...], b1[...], g1[...], bn1[...],
        w2[...], b2[...], g2[...], bn2[...], wl[...], bl[0, 0])
    lt = lt_ref[0].astype(jnp.float32)
    ii = jax.lax.broadcasted_iota(jnp.int32, (t_in, t_in), 0)
    jj = jax.lax.broadcasted_iota(jnp.int32, (t_in, t_in), 1)
    tri = (jj <= ii).astype(jnp.float32)
    cum = jnp.dot(tri, lt, preferred_element_type=jnp.float32)
    frow = jax.lax.broadcasted_iota(jnp.int32, (1, mel), 1).astype(jnp.float32)
    le = (cum <= frow).astype(jnp.int32)
    idx = jnp.minimum(jnp.sum(le, axis=0, keepdims=True), t_in - 1)
    total = jnp.sum(lt)
    keep = frow < jnp.minimum(total, float(mel))
    gidx_ref[0] = jnp.where(keep, idx + b * t_in, zrow)


_CH = 128


def _sc_gather_kernel(tab_hbm, gidx_hbm, lr_hbm,
                      idxg_v, buf0, buf1, buf2, sem0, sem1, sem2,
                      *, nch, nw):
    c = lax.axis_index("c")
    s = lax.axis_index("s")
    w = s * 2 + c
    for j in range(nch):
        pltpu.sync_copy(gidx_hbm.at[pl.ds(w + j * nw, 1)],
                        idxg_v.at[pl.ds(j, 1)])
    bufs = (buf0, buf1, buf2)
    sems = (sem0, sem1, sem2)
    cps = [None, None, None]
    for j in range(min(3, nch)):
        cps[j] = pltpu.async_copy(tab_hbm.at[idxg_v.at[j]], bufs[j], sems[j])
    for j in range(nch):
        cps[j % 3].wait()
        pltpu.sync_copy(bufs[j % 3],
                        lr_hbm.at[pl.ds((w + j * nw) * _CH, _CH)])
        if j + 3 < nch:
            cps[j % 3] = pltpu.async_copy(
                tab_hbm.at[idxg_v.at[j + 3]], bufs[j % 3], sems[j % 3])


def _assemble_kernel(lr_ref, pt_ref, et_ref, psp_ref, esp_ref,
                     pemb_ref, eemb_ref, out_ref, *, fb_size):
    lr = lr_ref[0]
    lane = jax.lax.broadcasted_iota(jnp.int32, (fb_size, _NB), 1).astype(jnp.float32)
    pv = jnp.log(pt_ref[0] + 1.0)
    pcnt = jnp.sum((psp_ref[...] < pv).astype(jnp.float32), axis=1, keepdims=True)
    pb = jnp.minimum(pcnt, float(_NB - 1))
    ohp = (pb == lane).astype(jnp.float32)
    pe = jnp.dot(ohp, pemb_ref[...], preferred_element_type=jnp.float32)
    ev = jnp.log(et_ref[0] + 1.0)
    ecnt = jnp.sum((esp_ref[...] < ev).astype(jnp.float32), axis=1, keepdims=True)
    eb = jnp.minimum(ecnt, float(_NB - 1))
    ohe = (eb == lane).astype(jnp.float32)
    ee = jnp.dot(ohe, eemb_ref[...], preferred_element_type=jnp.float32)
    out_ref[0] = lr + pe + ee


def _full(shape):
    return pl.BlockSpec(shape, lambda b, *_: tuple(0 for _ in shape))


def kernel(enc_output, mel_max_length, length_target, pitch_target,
           energy_target, params):
    B, T, D = enc_output.shape
    MEL = pitch_target.shape[1]
    NROW = B * MEL
    ZROW = B * T

    pitch_space = jnp.linspace(np.log(_MIN_P + 1.0), np.log(_MAX_P + 2.0), _NB)
    energy_space = jnp.linspace(np.log(_MIN_E + 1.0), np.log(_MAX_E + 2.0), _NB)

    def prep(pre):
        p = params
        return (p[pre + '_w1'], p[pre + '_b1'].reshape(1, _F),
                p[pre + '_g1'].reshape(1, _F), p[pre + '_bn1'].reshape(1, _F),
                p[pre + '_w2'], p[pre + '_b2'].reshape(1, _F),
                p[pre + '_g2'].reshape(1, _F), p[pre + '_bn2'].reshape(1, _F),
                p[pre + '_wl'].reshape(1, _F), p[pre + '_bl'].reshape(1, 1))

    wspecs = [_full((3, _D, _F)), _full((1, _F)), _full((1, _F)), _full((1, _F)),
              _full((3, _F, _F)), _full((1, _F)), _full((1, _F)), _full((1, _F)),
              _full((1, _F)), _full((1, 1))]

    lt3 = length_target.astype(jnp.int32).reshape(B, T, 1)
    dur3, gidx = pl.pallas_call(
        functools.partial(_idx_dur_kernel, t_in=T, mel=MEL, zrow=ZROW),
        grid=(B,),
        in_specs=[
            pl.BlockSpec((1, T, D), lambda b: (b, 0, 0)),
            pl.BlockSpec((1, T, 1), lambda b: (b, 0, 0)),
        ] + wspecs,
        out_specs=[pl.BlockSpec((1, T, 1), lambda b: (b, 0, 0)),
                   pl.BlockSpec((1, 1, MEL), lambda b: (b, 0, 0))],
        out_shape=[jax.ShapeDtypeStruct((B, T, 1), jnp.float32),
                   jax.ShapeDtypeStruct((B, 1, MEL), jnp.int32)],
    )(enc_output, lt3, *prep('dur'))

    enc_tab = jnp.concatenate(
        [enc_output.reshape(B * T, D), jnp.zeros((8, D), jnp.float32)], axis=0)
    nch = NROW // 32 // _CH
    gidx2 = gidx.reshape(NROW // _CH, _CH)
    mesh = plsc.VectorSubcoreMesh(core_axis_name="c", subcore_axis_name="s")
    lr_flat = pl.kernel(
        functools.partial(_sc_gather_kernel, nch=nch, nw=32),
        out_type=jax.ShapeDtypeStruct((NROW, D), jnp.float32),
        mesh=mesh,
        scratch_types=[
            pltpu.VMEM((nch, _CH), jnp.int32),
            pltpu.VMEM((_CH, _D), jnp.float32),
            pltpu.VMEM((_CH, _D), jnp.float32),
            pltpu.VMEM((_CH, _D), jnp.float32),
            pltpu.SemaphoreType.DMA,
            pltpu.SemaphoreType.DMA,
            pltpu.SemaphoreType.DMA,
        ],
    )(enc_tab, gidx2)
    len_reg = lr_flat.reshape(B, MEL, D)

    FB = 1024
    NFB = MEL // FB
    pt3 = pitch_target.reshape(B, MEL, 1)
    et3 = energy_target.reshape(B, MEL, 1)
    out = pl.pallas_call(
        functools.partial(_assemble_kernel, fb_size=FB),
        grid=(B, NFB),
        in_specs=[
            pl.BlockSpec((1, FB, D), lambda b, f: (b, f, 0)),
            pl.BlockSpec((1, FB, 1), lambda b, f: (b, f, 0)),
            pl.BlockSpec((1, FB, 1), lambda b, f: (b, f, 0)),
            pl.BlockSpec((1, _NB), lambda b, f: (0, 0)),
            pl.BlockSpec((1, _NB), lambda b, f: (0, 0)),
            pl.BlockSpec((_NB, _D), lambda b, f: (0, 0)),
            pl.BlockSpec((_NB, _D), lambda b, f: (0, 0)),
        ],
        out_specs=pl.BlockSpec((1, FB, D), lambda b, f: (b, f, 0)),
        out_shape=jax.ShapeDtypeStruct((B, MEL, D), jnp.float32),
    )(len_reg, pt3, et3,
      pitch_space.reshape(1, _NB), energy_space.reshape(1, _NB),
      params['pitch_emb'], params['energy_emb'])

    pitch3, energy3 = pl.pallas_call(
        _two_pred_kernel,
        grid=(B,),
        in_specs=[pl.BlockSpec((1, MEL, D), lambda b: (b, 0, 0))]
                 + wspecs + wspecs,
        out_specs=[pl.BlockSpec((1, MEL, 1), lambda b: (b, 0, 0)),
                   pl.BlockSpec((1, MEL, 1), lambda b: (b, 0, 0))],
        out_shape=[jax.ShapeDtypeStruct((B, MEL, 1), jnp.float32),
                   jax.ShapeDtypeStruct((B, MEL, 1), jnp.float32)],
    )(len_reg, *prep('pitch'), *prep('energy'))

    return (out, dur3.reshape(B, T), pitch3.reshape(B, MEL),
            energy3.reshape(B, MEL))

# --- scband reference (transcript-rebuilt; emitter-appended) ---
"""Pipeline reference for scband-variance-adaptor-81338090652174 (READ-ONLY COPY).

The authoritative reference and input builder live on the scoring server;
editing this copy changes nothing except your own understanding.
"""

import jax, jax.numpy as jnp
import numpy as np

D = 256; NB = 256; K = 3; F = 256
MIN_P, MAX_P = 80.0, 800.0
MIN_E, MAX_E = 0.0, 100.0


def _ln(x, g, b):
    m = x.mean(-1, keepdims=True)
    v = ((x - m) ** 2).mean(-1, keepdims=True)
    return (x - m) / jnp.sqrt(v + 1e-5) * g + b


def _conv1d(x, w, b):
    y = jax.lax.conv_general_dilated(x, w, (1,), 'SAME', dimension_numbers=('NWC', 'WIO', 'NWC'))
    return y + b


def _predictor(x, p, pre):
    h = jax.nn.relu(_conv1d(x, p[pre + '_w1'], p[pre + '_b1']))
    h = _ln(h, p[pre + '_g1'], p[pre + '_bn1'])
    h = jax.nn.relu(_conv1d(h, p[pre + '_w2'], p[pre + '_b2']))
    h = _ln(h, p[pre + '_g2'], p[pre + '_bn2'])
    return (h @ p[pre + '_wl'] + p[pre + '_bl'])[..., 0]


def setup_inputs(seed: int = 0):
    key = jax.random.key(seed)
    ks = jax.random.split(key, 16)
    B, T, MEL = 16, 512, 2048
    enc = jax.random.normal(ks[0], (B, T, D), jnp.float32)
    length_target = jax.random.randint(ks[1], (B, T), 0, 5)
    pitch_target = jax.random.uniform(ks[2], (B, MEL), jnp.float32) * (MAX_P - MIN_P) + MIN_P
    energy_target = jax.random.uniform(ks[3], (B, MEL), jnp.float32) * MAX_E
    params = {}
    i = 4
    for pre in ('dur', 'pitch', 'energy'):
        params[pre + '_w1'] = jax.random.normal(ks[i], (K, D, F), jnp.float32) * 0.02; i += 1
        params[pre + '_b1'] = jnp.zeros((F,), jnp.float32)
        params[pre + '_g1'] = jnp.ones((F,), jnp.float32)
        params[pre + '_bn1'] = jnp.zeros((F,), jnp.float32)
        params[pre + '_w2'] = jax.random.normal(ks[i], (K, F, F), jnp.float32) * 0.02; i += 1
        params[pre + '_b2'] = jnp.zeros((F,), jnp.float32)
        params[pre + '_g2'] = jnp.ones((F,), jnp.float32)
        params[pre + '_bn2'] = jnp.zeros((F,), jnp.float32)
        params[pre + '_wl'] = jax.random.normal(ks[i], (F, 1), jnp.float32) * 0.02; i += 1
        params[pre + '_bl'] = jnp.zeros((1,), jnp.float32)
    params['pitch_emb'] = jax.random.normal(ks[i], (NB, D), jnp.float32) * 0.02; i += 1
    params['energy_emb'] = jax.random.normal(ks[i], (NB, D), jnp.float32) * 0.02
    return {'enc_output': enc, 'mel_max_length': MEL, 'length_target': length_target,
            'pitch_target': pitch_target, 'energy_target': energy_target, 'params': params}


def reference(enc_output, mel_max_length, length_target, pitch_target, energy_target, params):
    pitch_space = jnp.linspace(np.log(MIN_P + 1.0), np.log(MAX_P + 2.0), NB)
    energy_space = jnp.linspace(np.log(MIN_E + 1.0), np.log(MAX_E + 2.0), NB)
    # LengthRegulator (training path): duration predictor + target-driven expansion
    dur_pred = _predictor(enc_output, params, 'dur')
    cum = jnp.cumsum(length_target, axis=1)
    frames = jnp.arange(pitch_target.shape[1])
    idx = jax.vmap(lambda c: jnp.searchsorted(c, frames, side='right'))(cum)
    idx = jnp.clip(idx, 0, enc_output.shape[1] - 1)
    len_reg = jnp.take_along_axis(enc_output, idx[..., None], axis=1)
    mask = (frames[None, :] < jnp.minimum(cum[:, -1:], mel_max_length)).astype(enc_output.dtype)
    len_reg = len_reg * mask[..., None]
    # pitch branch (bucketize targets -> embedding gather)
    pitch_pred = _predictor(len_reg, params, 'pitch')
    pb = jnp.clip(jnp.searchsorted(pitch_space, jnp.log(pitch_target + 1.0), side='left'), 0, NB - 1)
    pitch_emb = jnp.take(params['pitch_emb'], pb, axis=0)
    # energy branch
    energy_pred = _predictor(len_reg, params, 'energy')
    eb = jnp.clip(jnp.searchsorted(energy_space, jnp.log(energy_target + 1.0), side='left'), 0, NB - 1)
    energy_emb = jnp.take(params['energy_emb'], eb, axis=0)
    output = len_reg + pitch_emb + energy_emb
    return (output, dur_pred, pitch_pred, energy_pred)

if __name__ == "__main__":
    import jax
    _d = setup_inputs()
    print(jax.jit(kernel)(*tuple(_d.values())))

</pallas_src>

<mosaic_0001>
#map = affine_map<(d0, d1) -> (0, 0)>
module attributes {stable_mosaic.version = 14 : i64} {
  func.func @_sc_gather_kernel(%arg0: i32, %arg1: i32, %arg2: memref<8200x256xf32, #tpu.memory_space<hbm>>, %arg3: memref<256x128xi32, #tpu.memory_space<hbm>>, %arg4: memref<32768x256xf32, #tpu.memory_space<hbm>>, %arg5: memref<8x128xi32, #tpu.memory_space<vmem>>, %arg6: memref<128x256xf32, #tpu.memory_space<vmem>>, %arg7: memref<128x256xf32, #tpu.memory_space<vmem>>, %arg8: memref<128x256xf32, #tpu.memory_space<vmem>>, %arg9: memref<!tpu.dma_semaphore, #tpu.memory_space<semaphore_mem>>, %arg10: memref<!tpu.dma_semaphore, #tpu.memory_space<semaphore_mem>>, %arg11: memref<!tpu.dma_semaphore, #tpu.memory_space<semaphore_mem>>) attributes {dimension_semantics = [#tpu.dimension_semantics<core_parallel>, #tpu.dimension_semantics<subcore_parallel>], iteration_bounds = array<i64: 2, 16>, scalar_prefetch = 0 : i64, scratch_operands = 7 : i64, tpu.core_type = #tpu.core_type<sc_vector_subcore>, window_params = [{transform_indices = #map}, {transform_indices = #map}, {transform_indices = #map}]} {
    %mul3A = arith.constant 2 : i32
    %mul3A_0 = arith.muli %arg1, %mul3A : i32
    %add3A = arith.addi %mul3A_0, %arg0 : i32
    %add3A_1 = arith.constant 0 : i32
    %add3A_2 = arith.addi %add3A, %add3A_1 : i32
    "tpu.region"() ({
      %run_scoped3A = tpu.sem_alloc : memref<!tpu.dma_semaphore, #tpu.memory_space<semaphore_mem>>
      %dma_start3A_159 = arith.constant 0 : i32
      %dma_start3A_160 = arith.constant 0 : i32
      %dma_start3A_161 = tpu.memref_slice %arg5[%dma_start3A_159, %dma_start3A_160] : memref<8x128xi32, #tpu.memory_space<vmem>> -> memref<1x128xi32, #tpu.memory_space<vmem>>
      %dma_start3A_162 = arith.constant 0 : i32
      %dma_start3A_163 = tpu.memref_slice %arg3[%add3A_2, %dma_start3A_162] : memref<256x128xi32, #tpu.memory_space<hbm>> -> memref<1x128xi32, #tpu.memory_space<hbm>>
      %dma_start3A_164 = arith.constant 0 : i32
      %dma_start3A_165 = arith.constant 0 : i32
      %dma_start3A_166 = tpu.memref_slice %arg5[%dma_start3A_164, %dma_start3A_165] : memref<8x128xi32, #tpu.memory_space<vmem>> -> memref<1x128xi32, #tpu.memory_space<vmem>>
      %dma_start3A_167 = arith.constant 0 : i32
      %dma_start3A_168 = tpu.memref_slice %arg3[%add3A_2, %dma_start3A_167] : memref<256x128xi32, #tpu.memory_space<hbm>> -> memref<1x128xi32, #tpu.memory_space<hbm>>
      tpu.enqueue_dma source(%dma_start3A_168 : memref<1x128xi32, #tpu.memory_space<hbm>>) target(%dma_start3A_166 : memref<1x128xi32, #tpu.memory_space<vmem>>) target_semaphore(%run_scoped3A : memref<!tpu.dma_semaphore, #tpu.memory_space<semaphore_mem>>)
      %dma_wait3A_169 = arith.constant 0 : i32
      %dma_wait3A_170 = arith.constant 0 : i32
      %dma_wait3A_171 = tpu.memref_slice %arg5[%dma_wait3A_169, %dma_wait3A_170] : memref<8x128xi32, #tpu.memory_space<vmem>> -> memref<1x128xi32, #tpu.memory_space<vmem>>
      %dma_wait3A_172 = arith.constant 0 : i32
      %dma_wait3A_173 = tpu.memref_slice %arg3[%add3A_2, %dma_wait3A_172] : memref<256x128xi32, #tpu.memory_space<hbm>> -> memref<1x128xi32, #tpu.memory_space<hbm>>
      %dma_wait3A_174 = arith.constant 0 : i32
      %dma_wait3A_175 = arith.constant 0 : i32
      %dma_wait3A_176 = tpu.memref_slice %arg5[%dma_wait3A_174, %dma_wait3A_175] : memref<8x128xi32, #tpu.memory_space<vmem>> -> memref<1x128xi32, #tpu.memory_space<vmem>>
      %dma_wait3A_177 = arith.constant 0 : i32
      %dma_wait3A_178 = tpu.memref_slice %arg3[%add3A_2, %dma_wait3A_177] : memref<256x128xi32, #tpu.memory_space<hbm>> -> memref<1x128xi32, #tpu.memory_space<hbm>>
      tpu.wait_dma2 semaphore(%run_scoped3A : memref<!tpu.dma_semaphore, #tpu.memory_space<semaphore_mem>>) src(%dma_wait3A_178 : memref<1x128xi32, #tpu.memory_space<hbm>>) dst(%dma_wait3A_176 : memref<1x128xi32, #tpu.memory_space<vmem>>)
      tpu.yield
    }) : () -> ()
    %add3A_3 = arith.constant 32 : i32
    %add3A_4 = arith.addi %add3A, %add3A_3 : i32
    "tpu.region"() ({
      %run_scoped3A = tpu.sem_alloc : memref<!tpu.dma_semaphore, #tpu.memory_space<semaphore_mem>>
      %dma_start3A_159 = arith.constant 1 : i32
      %dma_start3A_160 = arith.constant 0 : i32
      %dma_start3A_161 = tpu.memref_slice %arg5[%dma_start3A_159, %dma_start3A_160] : memref<8x128xi32, #tpu.memory_space<vmem>> -> memref<1x128xi32, #tpu.memory_space<vmem>>
      %dma_start3A_162 = arith.constant 0 : i32
      %dma_start3A_163 = tpu.memref_slice %arg3[%add3A_4, %dma_start3A_162] : memref<256x128xi32, #tpu.memory_space<hbm>> -> memref<1x128xi32, #tpu.memory_space<hbm>>
      %dma_start3A_164 = arith.constant 1 : i32
      %dma_start3A_165 = arith.constant 0 : i32
      %dma_start3A_166 = tpu.memref_slice %arg5[%dma_start3A_164, %dma_start3A_165] : memref<8x128xi32, #tpu.memory_space<vmem>> -> memref<1x128xi32, #tpu.memory_space<vmem>>
      %dma_start3A_167 = arith.constant 0 : i32
      %dma_start3A_168 = tpu.memref_slice %arg3[%add3A_4, %dma_start3A_167] : memref<256x128xi32, #tpu.memory_space<hbm>> -> memref<1x128xi32, #tpu.memory_space<hbm>>
      tpu.enqueue_dma source(%dma_start3A_168 : memref<1x128xi32, #tpu.memory_space<hbm>>) target(%dma_start3A_166 : memref<1x128xi32, #tpu.memory_space<vmem>>) target_semaphore(%run_scoped3A : memref<!tpu.dma_semaphore, #tpu.memory_space<semaphore_mem>>)
      %dma_wait3A_169 = arith.constant 1 : i32
      %dma_wait3A_170 = arith.constant 0 : i32
      %dma_wait3A_171 = tpu.memref_slice %arg5[%dma_wait3A_169, %dma_wait3A_170] : memref<8x128xi32, #tpu.memory_space<vmem>> -> memref<1x128xi32, #tpu.memory_space<vmem>>
      %dma_wait3A_172 = arith.constant 0 : i32
      %dma_wait3A_173 = tpu.memref_slice %arg3[%add3A_4, %dma_wait3A_172] : memref<256x128xi32, #tpu.memory_space<hbm>> -> memref<1x128xi32, #tpu.memory_space<hbm>>
      %dma_wait3A_174 = arith.constant 1 : i32
      %dma_wait3A_175 = arith.constant 0 : i32
      %dma_wait3A_176 = tpu.memref_slice %arg5[%dma_wait3A_174, %dma_wait3A_175] : memref<8x128xi32, #tpu.memory_space<vmem>> -> memref<1x128xi32, #tpu.memory_space<vmem>>
      %dma_wait3A_177 = arith.constant 0 : i32
      %dma_wait3A_178 = tpu.memref_slice %arg3[%add3A_4, %dma_wait3A_177] : memref<256x128xi32, #tpu.memory_space<hbm>> -> memref<1x128xi32, #tpu.memory_space<hbm>>
      tpu.wait_dma2 semaphore(%run_scoped3A : memref<!tpu.dma_semaphore, #tpu.memory_space<semaphore_mem>>) src(%dma_wait3A_178 : memref<1x128xi32, #tpu.memory_space<hbm>>) dst(%dma_wait3A_176 : memref<1x128xi32, #tpu.memory_space<vmem>>)
      tpu.yield
    }) : () -> ()
    %add3A_5 = arith.constant 64 : i32
    %add3A_6 = arith.addi %add3A, %add3A_5 : i32
    "tpu.region"() ({
      %run_scoped3A = tpu.sem_alloc : memref<!tpu.dma_semaphore, #tpu.memory_space<semaphore_mem>>
      %dma_start3A_159 = arith.constant 2 : i32
      %dma_start3A_160 = arith.constant 0 : i32
      %dma_start3A_161 = tpu.memref_slice %arg5[%dma_start3A_159, %dma_start3A_160] : memref<8x128xi32, #tpu.memory_space<vmem>> -> memref<1x128xi32, #tpu.memory_space<vmem>>
      %dma_start3A_162 = arith.constant 0 : i32
      %dma_start3A_163 = tpu.memref_slice %arg3[%add3A_6, %dma_start3A_162] : memref<256x128xi32, #tpu.memory_space<hbm>> -> memref<1x128xi32, #tpu.memory_space<hbm>>
      %dma_start3A_164 = arith.constant 2 : i32
      %dma_start3A_165 = arith.constant 0 : i32
      %dma_start3A_166 = tpu.memref_slice %arg5[%dma_start3A_164, %dma_start3A_165] : memref<8x128xi32, #tpu.memory_space<vmem>> -> memref<1x128xi32, #tpu.memory_space<vmem>>
      %dma_start3A_167 = arith.constant 0 : i32
      %dma_start3A_168 = tpu.memref_slice %arg3[%add3A_6, %dma_start3A_167] : memref<256x128xi32, #tpu.memory_space<hbm>> -> memref<1x128xi32, #tpu.memory_space<hbm>>
      tpu.enqueue_dma source(%dma_start3A_168 : memref<1x128xi32, #tpu.memory_space<hbm>>) target(%dma_start3A_166 : memref<1x128xi32, #tpu.memory_space<vmem>>) target_semaphore(%run_scoped3A : memref<!tpu.dma_semaphore, #tpu.memory_space<semaphore_mem>>)
      %dma_wait3A_169 = arith.constant 2 : i32
      %dma_wait3A_170 = arith.constant 0 : i32
      %dma_wait3A_171 = tpu.memref_slice %arg5[%dma_wait3A_169, %dma_wait3A_170] : memref<8x128xi32, #tpu.memory_space<vmem>> -> memref<1x128xi32, #tpu.memory_space<vmem>>
      %dma_wait3A_172 = arith.constant 0 : i32
      %dma_wait3A_173 = tpu.memref_slice %arg3[%add3A_6, %dma_wait3A_172] : memref<256x128xi32, #tpu.memory_space<hbm>> -> memref<1x128xi32, #tpu.memory_space<hbm>>
      %dma_wait3A_174 = arith.constant 2 : i32
      %dma_wait3A_175 = arith.constant 0 : i32
      %dma_wait3A_176 = tpu.memref_slice %arg5[%dma_wait3A_174, %dma_wait3A_175] : memref<8x128xi32, #tpu.memory_space<vmem>> -> memref<1x128xi32, #tpu.memory_space<vmem>>
      %dma_wait3A_177 = arith.constant 0 : i32
      %dma_wait3A_178 = tpu.memref_slice %arg3[%add3A_6, %dma_wait3A_177] : memref<256x128xi32, #tpu.memory_space<hbm>> -> memref<1x128xi32, #tpu.memory_space<hbm>>
      tpu.wait_dma2 semaphore(%run_scoped3A : memref<!tpu.dma_semaphore, #tpu.memory_space<semaphore_mem>>) src(%dma_wait3A_178 : memref<1x128xi32, #tpu.memory_space<hbm>>) dst(%dma_wait3A_176 : memref<1x128xi32, #tpu.memory_space<vmem>>)
      tpu.yield
    }) : () -> ()
    %add3A_7 = arith.constant 96 : i32
    %add3A_8 = arith.addi %add3A, %add3A_7 : i32
    "tpu.region"() ({
      %run_scoped3A = tpu.sem_alloc : memref<!tpu.dma_semaphore, #tpu.memory_space<semaphore_mem>>
      %dma_start3A_159 = arith.constant 3 : i32
      %dma_start3A_160 = arith.constant 0 : i32
      %dma_start3A_161 = tpu.memref_slice %arg5[%dma_start3A_159, %dma_start3A_160] : memref<8x128xi32, #tpu.memory_space<vmem>> -> memref<1x128xi32, #tpu.memory_space<vmem>>
      %dma_start3A_162 = arith.constant 0 : i32
      %dma_start3A_163 = tpu.memref_slice %arg3[%add3A_8, %dma_start3A_162] : memref<256x128xi32, #tpu.memory_space<hbm>> -> memref<1x128xi32, #tpu.memory_space<hbm>>
      %dma_start3A_164 = arith.constant 3 : i32
      %dma_start3A_165 = arith.constant 0 : i32
      %dma_start3A_166 = tpu.memref_slice %arg5[%dma_start3A_164, %dma_start3A_165] : memref<8x128xi32, #tpu.memory_space<vmem>> -> memref<1x128xi32, #tpu.memory_space<vmem>>
      %dma_start3A_167 = arith.constant 0 : i32
      %dma_start3A_168 = tpu.memref_slice %arg3[%add3A_8, %dma_start3A_167] : memref<256x128xi32, #tpu.memory_space<hbm>> -> memref<1x128xi32, #tpu.memory_space<hbm>>
      tpu.enqueue_dma source(%dma_start3A_168 : memref<1x128xi32, #tpu.memory_space<hbm>>) target(%dma_start3A_166 : memref<1x128xi32, #tpu.memory_space<vmem>>) target_semaphore(%run_scoped3A : memref<!tpu.dma_semaphore, #tpu.memory_space<semaphore_mem>>)
      %dma_wait3A_169 = arith.constant 3 : i32
      %dma_wait3A_170 = arith.constant 0 : i32
      %dma_wait3A_171 = tpu.memref_slice %arg5[%dma_wait3A_169, %dma_wait3A_170] : memref<8x128xi32, #tpu.memory_space<vmem>> -> memref<1x128xi32, #tpu.memory_space<vmem>>
      %dma_wait3A_172 = arith.constant 0 : i32
      %dma_wait3A_173 = tpu.memref_slice %arg3[%add3A_8, %dma_wait3A_172] : memref<256x128xi32, #tpu.memory_space<hbm>> -> memref<1x128xi32, #tpu.memory_space<hbm>>
      %dma_wait3A_174 = arith.constant 3 : i32
      %dma_wait3A_175 = arith.constant 0 : i32
      %dma_wait3A_176 = tpu.memref_slice %arg5[%dma_wait3A_174, %dma_wait3A_175] : memref<8x128xi32, #tpu.memory_space<vmem>> -> memref<1x128xi32, #tpu.memory_space<vmem>>
      %dma_wait3A_177 = arith.constant 0 : i32
      %dma_wait3A_178 = tpu.memref_slice %arg3[%add3A_8, %dma_wait3A_177] : memref<256x128xi32, #tpu.memory_space<hbm>> -> memref<1x128xi32, #tpu.memory_space<hbm>>
      tpu.wait_dma2 semaphore(%run_scoped3A : memref<!tpu.dma_semaphore, #tpu.memory_space<semaphore_mem>>) src(%dma_wait3A_178 : memref<1x128xi32, #tpu.memory_space<hbm>>) dst(%dma_wait3A_176 : memref<1x128xi32, #tpu.memory_space<vmem>>)
      tpu.yield
    }) : () -> ()
    %add3A_9 = arith.constant 128 : i32
    %add3A_10 = arith.addi %add3A, %add3A_9 : i32
    "tpu.region"() ({
      %run_scoped3A = tpu.sem_alloc : memref<!tpu.dma_semaphore, #tpu.memory_space<semaphore_mem>>
      %dma_start3A_159 = arith.constant 4 : i32
      %dma_start3A_160 = arith.constant 0 : i32
      %dma_start3A_161 = tpu.memref_slice %arg5[%dma_start3A_159, %dma_start3A_160] : memref<8x128xi32, #tpu.memory_space<vmem>> -> memref<1x128xi32, #tpu.memory_space<vmem>>
      %dma_start3A_162 = arith.constant 0 : i32
      %dma_start3A_163 = tpu.memref_slice %arg3[%add3A_10, %dma_start3A_162] : memref<256x128xi32, #tpu.memory_space<hbm>> -> memref<1x128xi32, #tpu.memory_space<hbm>>
      %dma_start3A_164 = arith.constant 4 : i32
      %dma_start3A_165 = arith.constant 0 : i32
      %dma_start3A_166 = tpu.memref_slice %arg5[%dma_start3A_164, %dma_start3A_165] : memref<8x128xi32, #tpu.memory_space<vmem>> -> memref<1x128xi32, #tpu.memory_space<vmem>>
      %dma_start3A_167 = arith.constant 0 : i32
      %dma_start3A_168 = tpu.memref_slice %arg3[%add3A_10, %dma_start3A_167] : memref<256x128xi32, #tpu.memory_space<hbm>> -> memref<1x128xi32, #tpu.memory_space<hbm>>
      tpu.enqueue_dma source(%dma_start3A_168 : memref<1x128xi32, #tpu.memory_space<hbm>>) target(%dma_start3A_166 : memref<1x128xi32, #tpu.memory_space<vmem>>) target_semaphore(%run_scoped3A : memref<!tpu.dma_semaphore, #tpu.memory_space<semaphore_mem>>)
      %dma_wait3A_169 = arith.constant 4 : i32
      %dma_wait3A_170 = arith.constant 0 : i32
      %dma_wait3A_171 = tpu.memref_slice %arg5[%dma_wait3A_169, %dma_wait3A_170] : memref<8x128xi32, #tpu.memory_space<vmem>> -> memref<1x128xi32, #tpu.memory_space<vmem>>
      %dma_wait3A_172 = arith.constant 0 : i32
      %dma_wait3A_173 = tpu.memref_slice %arg3[%add3A_10, %dma_wait3A_172] : memref<256x128xi32, #tpu.memory_space<hbm>> -> memref<1x128xi32, #tpu.memory_space<hbm>>
      %dma_wait3A_174 = arith.constant 4 : i32
      %dma_wait3A_175 = arith.constant 0 : i32
      %dma_wait3A_176 = tpu.memref_slice %arg5[%dma_wait3A_174, %dma_wait3A_175] : memref<8x128xi32, #tpu.memory_space<vmem>> -> memref<1x128xi32, #tpu.memory_space<vmem>>
      %dma_wait3A_177 = arith.constant 0 : i32
      %dma_wait3A_178 = tpu.memref_slice %arg3[%add3A_10, %dma_wait3A_177] : memref<256x128xi32, #tpu.memory_space<hbm>> -> memref<1x128xi32, #tpu.memory_space<hbm>>
      tpu.wait_dma2 semaphore(%run_scoped3A : memref<!tpu.dma_semaphore, #tpu.memory_space<semaphore_mem>>) src(%dma_wait3A_178 : memref<1x128xi32, #tpu.memory_space<hbm>>) dst(%dma_wait3A_176 : memref<1x128xi32, #tpu.memory_space<vmem>>)
      tpu.yield
    }) : () -> ()
    %add3A_11 = arith.constant 160 : i32
    %add3A_12 = arith.addi %add3A, %add3A_11 : i32
    "tpu.region"() ({
      %run_scoped3A = tpu.sem_alloc : memref<!tpu.dma_semaphore, #tpu.memory_space<semaphore_mem>>
      %dma_start3A_159 = arith.constant 5 : i32
      %dma_start3A_160 = arith.constant 0 : i32
      %dma_start3A_161 = tpu.memref_slice %arg5[%dma_start3A_159, %dma_start3A_160] : memref<8x128xi32, #tpu.memory_space<vmem>> -> memref<1x128xi32, #tpu.memory_space<vmem>>
      %dma_start3A_162 = arith.constant 0 : i32
      %dma_start3A_163 = tpu.memref_slice %arg3[%add3A_12, %dma_start3A_162] : memref<256x128xi32, #tpu.memory_space<hbm>> -> memref<1x128xi32, #tpu.memory_space<hbm>>
      %dma_start3A_164 = arith.constant 5 : i32
      %dma_start3A_165 = arith.constant 0 : i32
      %dma_start3A_166 = tpu.memref_slice %arg5[%dma_start3A_164, %dma_start3A_165] : memref<8x128xi32, #tpu.memory_space<vmem>> -> memref<1x128xi32, #tpu.memory_space<vmem>>
      %dma_start3A_167 = arith.constant 0 : i32
      %dma_start3A_168 = tpu.memref_slice %arg3[%add3A_12, %dma_start3A_167] : memref<256x128xi32, #tpu.memory_space<hbm>> -> memref<1x128xi32, #tpu.memory_space<hbm>>
      tpu.enqueue_dma source(%dma_start3A_168 : memref<1x128xi32, #tpu.memory_space<hbm>>) target(%dma_start3A_166 : memref<1x128xi32, #tpu.memory_space<vmem>>) target_semaphore(%run_scoped3A : memref<!tpu.dma_semaphore, #tpu.memory_space<semaphore_mem>>)
      %dma_wait3A_169 = arith.constant 5 : i32
      %dma_wait3A_170 = arith.constant 0 : i32
      %dma_wait3A_171 = tpu.memref_slice %arg5[%dma_wait3A_169, %dma_wait3A_170] : memref<8x128xi32, #tpu.memory_space<vmem>> -> memref<1x128xi32, #tpu.memory_space<vmem>>
      %dma_wait3A_172 = arith.constant 0 : i32
      %dma_wait3A_173 = tpu.memref_slice %arg3[%add3A_12, %dma_wait3A_172] : memref<256x128xi32, #tpu.memory_space<hbm>> -> memref<1x128xi32, #tpu.memory_space<hbm>>
      %dma_wait3A_174 = arith.constant 5 : i32
      %dma_wait3A_175 = arith.constant 0 : i32
      %dma_wait3A_176 = tpu.memref_slice %arg5[%dma_wait3A_174, %dma_wait3A_175] : memref<8x128xi32, #tpu.memory_space<vmem>> -> memref<1x128xi32, #tpu.memory_space<vmem>>
      %dma_wait3A_177 = arith.constant 0 : i32
      %dma_wait3A_178 = tpu.memref_slice %arg3[%add3A_12, %dma_wait3A_177] : memref<256x128xi32, #tpu.memory_space<hbm>> -> memref<1x128xi32, #tpu.memory_space<hbm>>
      tpu.wait_dma2 semaphore(%run_scoped3A : memref<!tpu.dma_semaphore, #tpu.memory_space<semaphore_mem>>) src(%dma_wait3A_178 : memref<1x128xi32, #tpu.memory_space<hbm>>) dst(%dma_wait3A_176 : memref<1x128xi32, #tpu.memory_space<vmem>>)
      tpu.yield
    }) : () -> ()
    %add3A_13 = arith.constant 192 : i32
    %add3A_14 = arith.addi %add3A, %add3A_13 : i32
    "tpu.region"() ({
      %run_scoped3A = tpu.sem_alloc : memref<!tpu.dma_semaphore, #tpu.memory_space<semaphore_mem>>
      %dma_start3A_159 = arith.constant 6 : i32
      %dma_start3A_160 = arith.constant 0 : i32
      %dma_start3A_161 = tpu.memref_slice %arg5[%dma_start3A_159, %dma_start3A_160] : memref<8x128xi32, #tpu.memory_space<vmem>> -> memref<1x128xi32, #tpu.memory_space<vmem>>
      %dma_start3A_162 = arith.constant 0 : i32
      %dma_start3A_163 = tpu.memref_slice %arg3[%add3A_14, %dma_start3A_162] : memref<256x128xi32, #tpu.memory_space<hbm>> -> memref<1x128xi32, #tpu.memory_space<hbm>>
      %dma_start3A_164 = arith.constant 6 : i32
      %dma_start3A_165 = arith.constant 0 : i32
      %dma_start3A_166 = tpu.memref_slice %arg5[%dma_start3A_164, %dma_start3A_165] : memref<8x128xi32, #tpu.memory_space<vmem>> -> memref<1x128xi32, #tpu.memory_space<vmem>>
      %dma_start3A_167 = arith.constant 0 : i32
      %dma_start3A_168 = tpu.memref_slice %arg3[%add3A_14, %dma_start3A_167] : memref<256x128xi32, #tpu.memory_space<hbm>> -> memref<1x128xi32, #tpu.memory_space<hbm>>
      tpu.enqueue_dma source(%dma_start3A_168 : memref<1x128xi32, #tpu.memory_space<hbm>>) target(%dma_start3A_166 : memref<1x128xi32, #tpu.memory_space<vmem>>) target_semaphore(%run_scoped3A : memref<!tpu.dma_semaphore, #tpu.memory_space<semaphore_mem>>)
      %dma_wait3A_169 = arith.constant 6 : i32
      %dma_wait3A_170 = arith.constant 0 : i32
      %dma_wait3A_171 = tpu.memref_slice %arg5[%dma_wait3A_169, %dma_wait3A_170] : memref<8x128xi32, #tpu.memory_space<vmem>> -> memref<1x128xi32, #tpu.memory_space<vmem>>
      %dma_wait3A_172 = arith.constant 0 : i32
      %dma_wait3A_173 = tpu.memref_slice %arg3[%add3A_14, %dma_wait3A_172] : memref<256x128xi32, #tpu.memory_space<hbm>> -> memref<1x128xi32, #tpu.memory_space<hbm>>
      %dma_wait3A_174 = arith.constant 6 : i32
      %dma_wait3A_175 = arith.constant 0 : i32
      %dma_wait3A_176 = tpu.memref_slice %arg5[%dma_wait3A_174, %dma_wait3A_175] : memref<8x128xi32, #tpu.memory_space<vmem>> -> memref<1x128xi32, #tpu.memory_space<vmem>>
      %dma_wait3A_177 = arith.constant 0 : i32
      %dma_wait3A_178 = tpu.memref_slice %arg3[%add3A_14, %dma_wait3A_177] : memref<256x128xi32, #tpu.memory_space<hbm>> -> memref<1x128xi32, #tpu.memory_space<hbm>>
      tpu.wait_dma2 semaphore(%run_scoped3A : memref<!tpu.dma_semaphore, #tpu.memory_space<semaphore_mem>>) src(%dma_wait3A_178 : memref<1x128xi32, #tpu.memory_space<hbm>>) dst(%dma_wait3A_176 : memref<1x128xi32, #tpu.memory_space<vmem>>)
      tpu.yield
    }) : () -> ()
    %add3A_15 = arith.constant 224 : i32
    %add3A_16 = arith.addi %add3A, %add3A_15 : i32
    "tpu.region"() ({
      %run_scoped3A = tpu.sem_alloc : memref<!tpu.dma_semaphore, #tpu.memory_space<semaphore_mem>>
      %dma_start3A_159 = arith.constant 7 : i32
      %dma_start3A_160 = arith.constant 0 : i32
      %dma_start3A_161 = tpu.memref_slice %arg5[%dma_start3A_159, %dma_start3A_160] : memref<8x128xi32, #tpu.memory_space<vmem>> -> memref<1x128xi32, #tpu.memory_space<vmem>>
      %dma_start3A_162 = arith.constant 0 : i32
      %dma_start3A_163 = tpu.memref_slice %arg3[%add3A_16, %dma_start3A_162] : memref<256x128xi32, #tpu.memory_space<hbm>> -> memref<1x128xi32, #tpu.memory_space<hbm>>
      %dma_start3A_164 = arith.constant 7 : i32
      %dma_start3A_165 = arith.constant 0 : i32
      %dma_start3A_166 = tpu.memref_slice %arg5[%dma_start3A_164, %dma_start3A_165] : memref<8x128xi32, #tpu.memory_space<vmem>> -> memref<1x128xi32, #tpu.memory_space<vmem>>
      %dma_start3A_167 = arith.constant 0 : i32
      %dma_start3A_168 = tpu.memref_slice %arg3[%add3A_16, %dma_start3A_167] : memref<256x128xi32, #tpu.memory_space<hbm>> -> memref<1x128xi32, #tpu.memory_space<hbm>>
      tpu.enqueue_dma source(%dma_start3A_168 : memref<1x128xi32, #tpu.memory_space<hbm>>) target(%dma_start3A_166 : memref<1x128xi32, #tpu.memory_space<vmem>>) target_semaphore(%run_scoped3A : memref<!tpu.dma_semaphore, #tpu.memory_space<semaphore_mem>>)
      %dma_wait3A_169 = arith.constant 7 : i32
      %dma_wait3A_170 = arith.constant 0 : i32
      %dma_wait3A_171 = tpu.memref_slice %arg5[%dma_wait3A_169, %dma_wait3A_170] : memref<8x128xi32, #tpu.memory_space<vmem>> -> memref<1x128xi32, #tpu.memory_space<vmem>>
      %dma_wait3A_172 = arith.constant 0 : i32
      %dma_wait3A_173 = tpu.memref_slice %arg3[%add3A_16, %dma_wait3A_172] : memref<256x128xi32, #tpu.memory_space<hbm>> -> memref<1x128xi32, #tpu.memory_space<hbm>>
      %dma_wait3A_174 = arith.constant 7 : i32
      %dma_wait3A_175 = arith.constant 0 : i32
      %dma_wait3A_176 = tpu.memref_slice %arg5[%dma_wait3A_174, %dma_wait3A_175] : memref<8x128xi32, #tpu.memory_space<vmem>> -> memref<1x128xi32, #tpu.memory_space<vmem>>
      %dma_wait3A_177 = arith.constant 0 : i32
      %dma_wait3A_178 = tpu.memref_slice %arg3[%add3A_16, %dma_wait3A_177] : memref<256x128xi32, #tpu.memory_space<hbm>> -> memref<1x128xi32, #tpu.memory_space<hbm>>
      tpu.wait_dma2 semaphore(%run_scoped3A : memref<!tpu.dma_semaphore, #tpu.memory_space<semaphore_mem>>) src(%dma_wait3A_178 : memref<1x128xi32, #tpu.memory_space<hbm>>) dst(%dma_wait3A_176 : memref<1x128xi32, #tpu.memory_space<vmem>>)
      tpu.yield
    }) : () -> ()
    %dma_start3A = arith.constant 0 : i32
    %dma_start3A_17 = arith.constant 0 : i32
    %dma_start3A_18 = tpu.memref_slice %arg5[%dma_start3A, %dma_start3A_17] : memref<8x128xi32, #tpu.memory_space<vmem>> -> memref<1x128xi32, #tpu.memory_space<vmem>>
    %dma_start3A_19 = tpu.memref_squeeze %dma_start3A_18 : memref<1x128xi32, #tpu.memory_space<vmem>> -> memref<128xi32, #tpu.memory_space<vmem>>
    %dma_start3A_20 = arith.constant 0 : i32
    %dma_start3A_21 = arith.constant 0 : i32
    %dma_start3A_22 = tpu.memref_slice %arg2[%dma_start3A_20, %dma_start3A_21] : memref<8200x256xf32, #tpu.memory_space<hbm>> -> memref<8200x256xf32, #tpu.memory_space<hbm>>
    tpu.enqueue_indirect_dma source(%dma_start3A_22 : memref<8200x256xf32, #tpu.memory_space<hbm>>) target(%arg6 : memref<128x256xf32, #tpu.memory_space<vmem>>) offsets(%dma_start3A_19 : memref<128xi32, #tpu.memory_space<vmem>>) semaphore(%arg9 : memref<!tpu.dma_semaphore, #tpu.memory_space<semaphore_mem>>)
    %dma_start3A_23 = arith.constant 1 : i32
    %dma_start3A_24 = arith.constant 0 : i32
    %dma_start3A_25 = tpu.memref_slice %arg5[%dma_start3A_23, %dma_start3A_24] : memref<8x128xi32, #tpu.memory_space<vmem>> -> memref<1x128xi32, #tpu.memory_space<vmem>>
    %dma_start3A_26 = tpu.memref_squeeze %dma_start3A_25 : memref<1x128xi32, #tpu.memory_space<vmem>> -> memref<128xi32, #tpu.memory_space<vmem>>
    %dma_start3A_27 = arith.constant 0 : i32
    %dma_start3A_28 = arith.constant 0 : i32
    %dma_start3A_29 = tpu.memref_slice %arg2[%dma_start3A_27, %dma_start3A_28] : memref<8200x256xf32, #tpu.memory_space<hbm>> -> memref<8200x256xf32, #tpu.memory_space<hbm>>
    tpu.enqueue_indirect_dma source(%dma_start3A_29 : memref<8200x256xf32, #tpu.memory_space<hbm>>) target(%arg7 : memref<128x256xf32, #tpu.memory_space<vmem>>) offsets(%dma_start3A_26 : memref<128xi32, #tpu.memory_space<vmem>>) semaphore(%arg10 : memref<!tpu.dma_semaphore, #tpu.memory_space<semaphore_mem>>)
    %dma_start3A_30 = arith.constant 2 : i32
    %dma_start3A_31 = arith.constant 0 : i32
    %dma_start3A_32 = tpu.memref_slice %arg5[%dma_start3A_30, %dma_start3A_31] : memref<8x128xi32, #tpu.memory_space<vmem>> -> memref<1x128xi32, #tpu.memory_space<vmem>>
    %dma_start3A_33 = tpu.memref_squeeze %dma_start3A_32 : memref<1x128xi32, #tpu.memory_space<vmem>> -> memref<128xi32, #tpu.memory_space<vmem>>
    %dma_start3A_34 = arith.constant 0 : i32
    %dma_start3A_35 = arith.constant 0 : i32
    %dma_start3A_36 = tpu.memref_slice %arg2[%dma_start3A_34, %dma_start3A_35] : memref<8200x256xf32, #tpu.memory_space<hbm>> -> memref<8200x256xf32, #tpu.memory_space<hbm>>
    tpu.enqueue_indirect_dma source(%dma_start3A_36 : memref<8200x256xf32, #tpu.memory_space<hbm>>) target(%arg8 : memref<128x256xf32, #tpu.memory_space<vmem>>) offsets(%dma_start3A_33 : memref<128xi32, #tpu.memory_space<vmem>>) semaphore(%arg11 : memref<!tpu.dma_semaphore, #tpu.memory_space<semaphore_mem>>)
    %dma_wait3A = arith.constant 0 : i32
    %dma_wait3A_37 = arith.constant 0 : i32
    %dma_wait3A_38 = tpu.memref_slice %arg5[%dma_wait3A, %dma_wait3A_37] : memref<8x128xi32, #tpu.memory_space<vmem>> -> memref<1x128xi32, #tpu.memory_space<vmem>>
    %dma_wait3A_39 = tpu.memref_squeeze %dma_wait3A_38 : memref<1x128xi32, #tpu.memory_space<vmem>> -> memref<128xi32, #tpu.memory_space<vmem>>
    %dma_wait3A_40 = arith.constant 0 : i32
    %dma_wait3A_41 = arith.constant 0 : i32
    %dma_wait3A_42 = tpu.memref_slice %arg2[%dma_wait3A_40, %dma_wait3A_41] : memref<8200x256xf32, #tpu.memory_space<hbm>> -> memref<8200x256xf32, #tpu.memory_space<hbm>>
    tpu.wait_indirect_dma semaphore(%arg9 : memref<!tpu.dma_semaphore, #tpu.memory_space<semaphore_mem>>) src(%dma_wait3A_42 : memref<8200x256xf32, #tpu.memory_space<hbm>>) dst(%arg6 : memref<128x256xf32, #tpu.memory_space<vmem>>)
    %add3A_43 = arith.constant 0 : i32
    %add3A_44 = arith.addi %add3A, %add3A_43 : i32
    %mul3A_45 = arith.constant 128 : i32
    %mul3A_46 = arith.muli %add3A_44, %mul3A_45 : i32
    "tpu.region"() ({
      %run_scoped3A = tpu.sem_alloc : memref<!tpu.dma_semaphore, #tpu.memory_space<semaphore_mem>>
      %dma_start3A_159 = arith.constant 0 : i32
      %dma_start3A_160 = tpu.memref_slice %arg4[%mul3A_46, %dma_start3A_159] : memref<32768x256xf32, #tpu.memory_space<hbm>> -> memref<128x256xf32, #tpu.memory_space<hbm>>
      %dma_start3A_161 = arith.constant 0 : i32
      %dma_start3A_162 = tpu.memref_slice %arg4[%mul3A_46, %dma_start3A_161] : memref<32768x256xf32, #tpu.memory_space<hbm>> -> memref<128x256xf32, #tpu.memory_space<hbm>>
      tpu.enqueue_dma source(%arg6 : memref<128x256xf32, #tpu.memory_space<vmem>>) target(%dma_start3A_162 : memref<128x256xf32, #tpu.memory_space<hbm>>) target_semaphore(%run_scoped3A : memref<!tpu.dma_semaphore, #tpu.memory_space<semaphore_mem>>)
      %dma_wait3A_163 = arith.constant 0 : i32
      %dma_wait3A_164 = tpu.memref_slice %arg4[%mul3A_46, %dma_wait3A_163] : memref<32768x256xf32, #tpu.memory_space<hbm>> -> memref<128x256xf32, #tpu.memory_space<hbm>>
      %dma_wait3A_165 = arith.constant 0 : i32
      %dma_wait3A_166 = tpu.memref_slice %arg4[%mul3A_46, %dma_wait3A_165] : memref<32768x256xf32, #tpu.memory_space<hbm>> -> memref<128x256xf32, #tpu.memory_space<hbm>>
      tpu.wait_dma2 semaphore(%run_scoped3A : memref<!tpu.dma_semaphore, #tpu.memory_space<semaphore_mem>>) src(%arg6 : memref<128x256xf32, #tpu.memory_space<vmem>>) dst(%dma_wait3A_166 : memref<128x256xf32, #tpu.memory_space<hbm>>)
      tpu.yield
    }) : () -> ()
    %dma_start3A_47 = arith.constant 3 : i32
    %dma_start3A_48 = arith.constant 0 : i32
    %dma_start3A_49 = tpu.memref_slice %arg5[%dma_start3A_47, %dma_start3A_48] : memref<8x128xi32, #tpu.memory_space<vmem>> -> memref<1x128xi32, #tpu.memory_space<vmem>>
    %dma_start3A_50 = tpu.memref_squeeze %dma_start3A_49 : memref<1x128xi32, #tpu.memory_space<vmem>> -> memref<128xi32, #tpu.memory_space<vmem>>
    %dma_start3A_51 = arith.constant 0 : i32
    %dma_start3A_52 = arith.constant 0 : i32
    %dma_start3A_53 = tpu.memref_slice %arg2[%dma_start3A_51, %dma_start3A_52] : memref<8200x256xf32, #tpu.memory_space<hbm>> -> memref<8200x256xf32, #tpu.memory_space<hbm>>
    tpu.enqueue_indirect_dma source(%dma_start3A_53 : memref<8200x256xf32, #tpu.memory_space<hbm>>) target(%arg6 : memref<128x256xf32, #tpu.memory_space<vmem>>) offsets(%dma_start3A_50 : memref<128xi32, #tpu.memory_space<vmem>>) semaphore(%arg9 : memref<!tpu.dma_semaphore, #tpu.memory_space<semaphore_mem>>)
    %dma_wait3A_54 = arith.constant 1 : i32
    %dma_wait3A_55 = arith.constant 0 : i32
    %dma_wait3A_56 = tpu.memref_slice %arg5[%dma_wait3A_54, %dma_wait3A_55] : memref<8x128xi32, #tpu.memory_space<vmem>> -> memref<1x128xi32, #tpu.memory_space<vmem>>
    %dma_wait3A_57 = tpu.memref_squeeze %dma_wait3A_56 : memref<1x128xi32, #tpu.memory_space<vmem>> -> memref<128xi32, #tpu.memory_space<vmem>>
    %dma_wait3A_58 = arith.constant 0 : i32
    %dma_wait3A_59 = arith.constant 0 : i32
    %dma_wait3A_60 = tpu.memref_slice %arg2[%dma_wait3A_58, %dma_wait3A_59] : memref<8200x256xf32, #tpu.memory_space<hbm>> -> memref<8200x256xf32, #tpu.memory_space<hbm>>
    tpu.wait_indirect_dma semaphore(%arg10 : memref<!tpu.dma_semaphore, #tpu.memory_space<semaphore_mem>>) src(%dma_wait3A_60 : memref<8200x256xf32, #tpu.memory_space<hbm>>) dst(%arg7 : memref<128x256xf32, #tpu.memory_space<vmem>>)
    %add3A_61 = arith.constant 32 : i32
    %add3A_62 = arith.addi %add3A, %add3A_61 : i32
    %mul3A_63 = arith.constant 128 : i32
    %mul3A_64 = arith.muli %add3A_62, %mul3A_63 : i32
    "tpu.region"() ({
      %run_scoped3A = tpu.sem_alloc : memref<!tpu.dma_semaphore, #tpu.memory_space<semaphore_mem>>
      %dma_start3A_159 = arith.constant 0 : i32
      %dma_start3A_160 = tpu.memref_slice %arg4[%mul3A_64, %dma_start3A_159] : memref<32768x256xf32, #tpu.memory_space<hbm>> -> memref<128x256xf32, #tpu.memory_space<hbm>>
      %dma_start3A_161 = arith.constant 0 : i32
      %dma_start3A_162 = tpu.memref_slice %arg4[%mul3A_64, %dma_start3A_161] : memref<32768x256xf32, #tpu.memory_space<hbm>> -> memref<128x256xf32, #tpu.memory_space<hbm>>
      tpu.enqueue_dma source(%arg7 : memref<128x256xf32, #tpu.memory_space<vmem>>) target(%dma_start3A_162 : memref<128x256xf32, #tpu.memory_space<hbm>>) target_semaphore(%run_scoped3A : memref<!tpu.dma_semaphore, #tpu.memory_space<semaphore_mem>>)
      %dma_wait3A_163 = arith.constant 0 : i32
      %dma_wait3A_164 = tpu.memref_slice %arg4[%mul3A_64, %dma_wait3A_163] : memref<32768x256xf32, #tpu.memory_space<hbm>> -> memref<128x256xf32, #tpu.memory_space<hbm>>
      %dma_wait3A_165 = arith.constant 0 : i32
      %dma_wait3A_166 = tpu.memref_slice %arg4[%mul3A_64, %dma_wait3A_165] : memref<32768x256xf32, #tpu.memory_space<hbm>> -> memref<128x256xf32, #tpu.memory_space<hbm>>
      tpu.wait_dma2 semaphore(%run_scoped3A : memref<!tpu.dma_semaphore, #tpu.memory_space<semaphore_mem>>) src(%arg7 : memref<128x256xf32, #tpu.memory_space<vmem>>) dst(%dma_wait3A_166 : memref<128x256xf32, #tpu.memory_space<hbm>>)
      tpu.yield
    }) : () -> ()
    %dma_start3A_65 = arith.constant 4 : i32
    %dma_start3A_66 = arith.constant 0 : i32
    %dma_start3A_67 = tpu.memref_slice %arg5[%dma_start3A_65, %dma_start3A_66] : memref<8x128xi32, #tpu.memory_space<vmem>> -> memref<1x128xi32, #tpu.memory_space<vmem>>
    %dma_start3A_68 = tpu.memref_squeeze %dma_start3A_67 : memref<1x128xi32, #tpu.memory_space<vmem>> -> memref<128xi32, #tpu.memory_space<vmem>>
    %dma_start3A_69 = arith.constant 0 : i32
    %dma_start3A_70 = arith.constant 0 : i32
    %dma_start3A_71 = tpu.memref_slice %arg2[%dma_start3A_69, %dma_start3A_70] : memref<8200x256xf32, #tpu.memory_space<hbm>> -> memref<8200x256xf32, #tpu.memory_space<hbm>>
    tpu.enqueue_indirect_dma source(%dma_start3A_71 : memref<8200x256xf32, #tpu.memory_space<hbm>>) target(%arg7 : memref<128x256xf32, #tpu.memory_space<vmem>>) offsets(%dma_start3A_68 : memref<128xi32, #tpu.memory_space<vmem>>) semaphore(%arg10 : memref<!tpu.dma_semaphore, #tpu.memory_space<semaphore_mem>>)
    %dma_wait3A_72 = arith.constant 2 : i32
    %dma_wait3A_73 = arith.constant 0 : i32
    %dma_wait3A_74 = tpu.memref_slice %arg5[%dma_wait3A_72, %dma_wait3A_73] : memref<8x128xi32, #tpu.memory_space<vmem>> -> memref<1x128xi32, #tpu.memory_space<vmem>>
    %dma_wait3A_75 = tpu.memref_squeeze %dma_wait3A_74 : memref<1x128xi32, #tpu.memory_space<vmem>> -> memref<128xi32, #tpu.memory_space<vmem>>
    %dma_wait3A_76 = arith.constant 0 : i32
    %dma_wait3A_77 = arith.constant 0 : i32
    %dma_wait3A_78 = tpu.memref_slice %arg2[%dma_wait3A_76, %dma_wait3A_77] : memref<8200x256xf32, #tpu.memory_space<hbm>> -> memref<8200x256xf32, #tpu.memory_space<hbm>>
    tpu.wait_indirect_dma semaphore(%arg11 : memref<!tpu.dma_semaphore, #tpu.memory_space<semaphore_mem>>) src(%dma_wait3A_78 : memref<8200x256xf32, #tpu.memory_space<hbm>>) dst(%arg8 : memref<128x256xf32, #tpu.memory_space<vmem>>)
    %add3A_79 = arith.constant 64 : i32
    %add3A_80 = arith.addi %add3A, %add3A_79 : i32
    %mul3A_81 = arith.constant 128 : i32
    %mul3A_82 = arith.muli %add3A_80, %mul3A_81 : i32
    "tpu.region"() ({
      %run_scoped3A = tpu.sem_alloc : memref<!tpu.dma_semaphore, #tpu.memory_space<semaphore_mem>>
      %dma_start3A_159 = arith.constant 0 : i32
      %dma_start3A_160 = tpu.memref_slice %arg4[%mul3A_82, %dma_start3A_159] : memref<32768x256xf32, #tpu.memory_space<hbm>> -> memref<128x256xf32, #tpu.memory_space<hbm>>
      %dma_start3A_161 = arith.constant 0 : i32
      %dma_start3A_162 = tpu.memref_slice %arg4[%mul3A_82, %dma_start3A_161] : memref<32768x256xf32, #tpu.memory_space<hbm>> -> memref<128x256xf32, #tpu.memory_space<hbm>>
      tpu.enqueue_dma source(%arg8 : memref<128x256xf32, #tpu.memory_space<vmem>>) target(%dma_start3A_162 : memref<128x256xf32, #tpu.memory_space<hbm>>) target_semaphore(%run_scoped3A : memref<!tpu.dma_semaphore, #tpu.memory_space<semaphore_mem>>)
      %dma_wait3A_163 = arith.constant 0 : i32
      %dma_wait3A_164 = tpu.memref_slice %arg4[%mul3A_82, %dma_wait3A_163] : memref<32768x256xf32, #tpu.memory_space<hbm>> -> memref<128x256xf32, #tpu.memory_space<hbm>>
      %dma_wait3A_165 = arith.constant 0 : i32
      %dma_wait3A_166 = tpu.memref_slice %arg4[%mul3A_82, %dma_wait3A_165] : memref<32768x256xf32, #tpu.memory_space<hbm>> -> memref<128x256xf32, #tpu.memory_space<hbm>>
      tpu.wait_dma2 semaphore(%run_scoped3A : memref<!tpu.dma_semaphore, #tpu.memory_space<semaphore_mem>>) src(%arg8 : memref<128x256xf32, #tpu.memory_space<vmem>>) dst(%dma_wait3A_166 : memref<128x256xf32, #tpu.memory_space<hbm>>)
      tpu.yield
    }) : () -> ()
    %dma_start3A_83 = arith.constant 5 : i32
    %dma_start3A_84 = arith.constant 0 : i32
    %dma_start3A_85 = tpu.memref_slice %arg5[%dma_start3A_83, %dma_start3A_84] : memref<8x128xi32, #tpu.memory_space<vmem>> -> memref<1x128xi32, #tpu.memory_space<vmem>>
    %dma_start3A_86 = tpu.memref_squeeze %dma_start3A_85 : memref<1x128xi32, #tpu.memory_space<vmem>> -> memref<128xi32, #tpu.memory_space<vmem>>
    %dma_start3A_87 = arith.constant 0 : i32
    %dma_start3A_88 = arith.constant 0 : i32
    %dma_start3A_89 = tpu.memref_slice %arg2[%dma_start3A_87, %dma_start3A_88] : memref<8200x256xf32, #tpu.memory_space<hbm>> -> memref<8200x256xf32, #tpu.memory_space<hbm>>
    tpu.enqueue_indirect_dma source(%dma_start3A_89 : memref<8200x256xf32, #tpu.memory_space<hbm>>) target(%arg8 : memref<128x256xf32, #tpu.memory_space<vmem>>) offsets(%dma_start3A_86 : memref<128xi32, #tpu.memory_space<vmem>>) semaphore(%arg11 : memref<!tpu.dma_semaphore, #tpu.memory_space<semaphore_mem>>)
    %dma_wait3A_90 = arith.constant 3 : i32
    %dma_wait3A_91 = arith.constant 0 : i32
    %dma_wait3A_92 = tpu.memref_slice %arg5[%dma_wait3A_90, %dma_wait3A_91] : memref<8x128xi32, #tpu.memory_space<vmem>> -> memref<1x128xi32, #tpu.memory_space<vmem>>
    %dma_wait3A_93 = tpu.memref_squeeze %dma_wait3A_92 : memref<1x128xi32, #tpu.memory_space<vmem>> -> memref<128xi32, #tpu.memory_space<vmem>>
    %dma_wait3A_94 = arith.constant 0 : i32
    %dma_wait3A_95 = arith.constant 0 : i32
    %dma_wait3A_96 = tpu.memref_slice %arg2[%dma_wait3A_94, %dma_wait3A_95] : memref<8200x256xf32, #tpu.memory_space<hbm>> -> memref<8200x256xf32, #tpu.memory_space<hbm>>
    tpu.wait_indirect_dma semaphore(%arg9 : memref<!tpu.dma_semaphore, #tpu.memory_space<semaphore_mem>>) src(%dma_wait3A_96 : memref<8200x256xf32, #tpu.memory_space<hbm>>) dst(%arg6 : memref<128x256xf32, #tpu.memory_space<vmem>>)
    %add3A_97 = arith.constant 96 : i32
    %add3A_98 = arith.addi %add3A, %add3A_97 : i32
    %mul3A_99 = arith.constant 128 : i32
    %mul3A_100 = arith.muli %add3A_98, %mul3A_99 : i32
    "tpu.region"() ({
      %run_scoped3A = tpu.sem_alloc : memref<!tpu.dma_semaphore, #tpu.memory_space<semaphore_mem>>
      %dma_start3A_159 = arith.constant 0 : i32
      %dma_start3A_160 = tpu.memref_slice %arg4[%mul3A_100, %dma_start3A_159] : memref<32768x256xf32, #tpu.memory_space<hbm>> -> memref<128x256xf32, #tpu.memory_space<hbm>>
      %dma_start3A_161 = arith.constant 0 : i32
      %dma_start3A_162 = tpu.memref_slice %arg4[%mul3A_100, %dma_start3A_161] : memref<32768x256xf32, #tpu.memory_space<hbm>> -> memref<128x256xf32, #tpu.memory_space<hbm>>
      tpu.enqueue_dma source(%arg6 : memref<128x256xf32, #tpu.memory_space<vmem>>) target(%dma_start3A_162 : memref<128x256xf32, #tpu.memory_space<hbm>>) target_semaphore(%run_scoped3A : memref<!tpu.dma_semaphore, #tpu.memory_space<semaphore_mem>>)
      %dma_wait3A_163 = arith.constant 0 : i32
      %dma_wait3A_164 = tpu.memref_slice %arg4[%mul3A_100, %dma_wait3A_163] : memref<32768x256xf32, #tpu.memory_space<hbm>> -> memref<128x256xf32, #tpu.memory_space<hbm>>
      %dma_wait3A_165 = arith.constant 0 : i32
      %dma_wait3A_166 = tpu.memref_slice %arg4[%mul3A_100, %dma_wait3A_165] : memref<32768x256xf32, #tpu.memory_space<hbm>> -> memref<128x256xf32, #tpu.memory_space<hbm>>
      tpu.wait_dma2 semaphore(%run_scoped3A : memref<!tpu.dma_semaphore, #tpu.memory_space<semaphore_mem>>) src(%arg6 : memref<128x256xf32, #tpu.memory_space<vmem>>) dst(%dma_wait3A_166 : memref<128x256xf32, #tpu.memory_space<hbm>>)
      tpu.yield
    }) : () -> ()
    %dma_start3A_101 = arith.constant 6 : i32
    %dma_start3A_102 = arith.constant 0 : i32
    %dma_start3A_103 = tpu.memref_slice %arg5[%dma_start3A_101, %dma_start3A_102] : memref<8x128xi32, #tpu.memory_space<vmem>> -> memref<1x128xi32, #tpu.memory_space<vmem>>
    %dma_start3A_104 = tpu.memref_squeeze %dma_start3A_103 : memref<1x128xi32, #tpu.memory_space<vmem>> -> memref<128xi32, #tpu.memory_space<vmem>>
    %dma_start3A_105 = arith.constant 0 : i32
    %dma_start3A_106 = arith.constant 0 : i32
    %dma_start3A_107 = tpu.memref_slice %arg2[%dma_start3A_105, %dma_start3A_106] : memref<8200x256xf32, #tpu.memory_space<hbm>> -> memref<8200x256xf32, #tpu.memory_space<hbm>>
    tpu.enqueue_indirect_dma source(%dma_start3A_107 : memref<8200x256xf32, #tpu.memory_space<hbm>>) target(%arg6 : memref<128x256xf32, #tpu.memory_space<vmem>>) offsets(%dma_start3A_104 : memref<128xi32, #tpu.memory_space<vmem>>) semaphore(%arg9 : memref<!tpu.dma_semaphore, #tpu.memory_space<semaphore_mem>>)
    %dma_wait3A_108 = arith.constant 4 : i32
    %dma_wait3A_109 = arith.constant 0 : i32
    %dma_wait3A_110 = tpu.memref_slice %arg5[%dma_wait3A_108, %dma_wait3A_109] : memref<8x128xi32, #tpu.memory_space<vmem>> -> memref<1x128xi32, #tpu.memory_space<vmem>>
    %dma_wait3A_111 = tpu.memref_squeeze %dma_wait3A_110 : memref<1x128xi32, #tpu.memory_space<vmem>> -> memref<128xi32, #tpu.memory_space<vmem>>
    %dma_wait3A_112 = arith.constant 0 : i32
    %dma_wait3A_113 = arith.constant 0 : i32
    %dma_wait3A_114 = tpu.memref_slice %arg2[%dma_wait3A_112, %dma_wait3A_113] : memref<8200x256xf32, #tpu.memory_space<hbm>> -> memref<8200x256xf32, #tpu.memory_space<hbm>>
    tpu.wait_indirect_dma semaphore(%arg10 : memref<!tpu.dma_semaphore, #tpu.memory_space<semaphore_mem>>) src(%dma_wait3A_114 : memref<8200x256xf32, #tpu.memory_space<hbm>>) dst(%arg7 : memref<128x256xf32, #tpu.memory_space<vmem>>)
    %add3A_115 = arith.constant 128 : i32
    %add3A_116 = arith.addi %add3A, %add3A_115 : i32
    %mul3A_117 = arith.constant 128 : i32
    %mul3A_118 = arith.muli %add3A_116, %mul3A_117 : i32
    "tpu.region"() ({
      %run_scoped3A = tpu.sem_alloc : memref<!tpu.dma_semaphore, #tpu.memory_space<semaphore_mem>>
      %dma_start3A_159 = arith.constant 0 : i32
      %dma_start3A_160 = tpu.memref_slice %arg4[%mul3A_118, %dma_start3A_159] : memref<32768x256xf32, #tpu.memory_space<hbm>> -> memref<128x256xf32, #tpu.memory_space<hbm>>
      %dma_start3A_161 = arith.constant 0 : i32
      %dma_start3A_162 = tpu.memref_slice %arg4[%mul3A_118, %dma_start3A_161] : memref<32768x256xf32, #tpu.memory_space<hbm>> -> memref<128x256xf32, #tpu.memory_space<hbm>>
      tpu.enqueue_dma source(%arg7 : memref<128x256xf32, #tpu.memory_space<vmem>>) target(%dma_start3A_162 : memref<128x256xf32, #tpu.memory_space<hbm>>) target_semaphore(%run_scoped3A : memref<!tpu.dma_semaphore, #tpu.memory_space<semaphore_mem>>)
      %dma_wait3A_163 = arith.constant 0 : i32
      %dma_wait3A_164 = tpu.memref_slice %arg4[%mul3A_118, %dma_wait3A_163] : memref<32768x256xf32, #tpu.memory_space<hbm>> -> memref<128x256xf32, #tpu.memory_space<hbm>>
      %dma_wait3A_165 = arith.constant 0 : i32
      %dma_wait3A_166 = tpu.memref_slice %arg4[%mul3A_118, %dma_wait3A_165] : memref<32768x256xf32, #tpu.memory_space<hbm>> -> memref<128x256xf32, #tpu.memory_space<hbm>>
      tpu.wait_dma2 semaphore(%run_scoped3A : memref<!tpu.dma_semaphore, #tpu.memory_space<semaphore_mem>>) src(%arg7 : memref<128x256xf32, #tpu.memory_space<vmem>>) dst(%dma_wait3A_166 : memref<128x256xf32, #tpu.memory_space<hbm>>)
      tpu.yield
    }) : () -> ()
    %dma_start3A_119 = arith.constant 7 : i32
    %dma_start3A_120 = arith.constant 0 : i32
    %dma_start3A_121 = tpu.memref_slice %arg5[%dma_start3A_119, %dma_start3A_120] : memref<8x128xi32, #tpu.memory_space<vmem>> -> memref<1x128xi32, #tpu.memory_space<vmem>>
    %dma_start3A_122 = tpu.memref_squeeze %dma_start3A_121 : memref<1x128xi32, #tpu.memory_space<vmem>> -> memref<128xi32, #tpu.memory_space<vmem>>
    %dma_start3A_123 = arith.constant 0 : i32
    %dma_start3A_124 = arith.constant 0 : i32
    %dma_start3A_125 = tpu.memref_slice %arg2[%dma_start3A_123, %dma_start3A_124] : memref<8200x256xf32, #tpu.memory_space<hbm>> -> memref<8200x256xf32, #tpu.memory_space<hbm>>
    tpu.enqueue_indirect_dma source(%dma_start3A_125 : memref<8200x256xf32, #tpu.memory_space<hbm>>) target(%arg7 : memref<128x256xf32, #tpu.memory_space<vmem>>) offsets(%dma_start3A_122 : memref<128xi32, #tpu.memory_space<vmem>>) semaphore(%arg10 : memref<!tpu.dma_semaphore, #tpu.memory_space<semaphore_mem>>)
    %dma_wait3A_126 = arith.constant 5 : i32
    %dma_wait3A_127 = arith.constant 0 : i32
    %dma_wait3A_128 = tpu.memref_slice %arg5[%dma_wait3A_126, %dma_wait3A_127] : memref<8x128xi32, #tpu.memory_space<vmem>> -> memref<1x128xi32, #tpu.memory_space<vmem>>
    %dma_wait3A_129 = tpu.memref_squeeze %dma_wait3A_128 : memref<1x128xi32, #tpu.memory_space<vmem>> -> memref<128xi32, #tpu.memory_space<vmem>>
    %dma_wait3A_130 = arith.constant 0 : i32
    %dma_wait3A_131 = arith.constant 0 : i32
    %dma_wait3A_132 = tpu.memref_slice %arg2[%dma_wait3A_130, %dma_wait3A_131] : memref<8200x256xf32, #tpu.memory_space<hbm>> -> memref<8200x256xf32, #tpu.memory_space<hbm>>
    tpu.wait_indirect_dma semaphore(%arg11 : memref<!tpu.dma_semaphore, #tpu.memory_space<semaphore_mem>>) src(%dma_wait3A_132 : memref<8200x256xf32, #tpu.memory_space<hbm>>) dst(%arg8 : memref<128x256xf32, #tpu.memory_space<vmem>>)
    %add3A_133 = arith.constant 160 : i32
    %add3A_134 = arith.addi %add3A, %add3A_133 : i32
    %mul3A_135 = arith.constant 128 : i32
    %mul3A_136 = arith.muli %add3A_134, %mul3A_135 : i32
    "tpu.region"() ({
      %run_scoped3A = tpu.sem_alloc : memref<!tpu.dma_semaphore, #tpu.memory_space<semaphore_mem>>
      %dma_start3A_159 = arith.constant 0 : i32
      %dma_start3A_160 = tpu.memref_slice %arg4[%mul3A_136, %dma_start3A_159] : memref<32768x256xf32, #tpu.memory_space<hbm>> -> memref<128x256xf32, #tpu.memory_space<hbm>>
      %dma_start3A_161 = arith.constant 0 : i32
      %dma_start3A_162 = tpu.memref_slice %arg4[%mul3A_136, %dma_start3A_161] : memref<32768x256xf32, #tpu.memory_space<hbm>> -> memref<128x256xf32, #tpu.memory_space<hbm>>
      tpu.enqueue_dma source(%arg8 : memref<128x256xf32, #tpu.memory_space<vmem>>) target(%dma_start3A_162 : memref<128x256xf32, #tpu.memory_space<hbm>>) target_semaphore(%run_scoped3A : memref<!tpu.dma_semaphore, #tpu.memory_space<semaphore_mem>>)
      %dma_wait3A_163 = arith.constant 0 : i32
      %dma_wait3A_164 = tpu.memref_slice %arg4[%mul3A_136, %dma_wait3A_163] : memref<32768x256xf32, #tpu.memory_space<hbm>> -> memref<128x256xf32, #tpu.memory_space<hbm>>
      %dma_wait3A_165 = arith.constant 0 : i32
      %dma_wait3A_166 = tpu.memref_slice %arg4[%mul3A_136, %dma_wait3A_165] : memref<32768x256xf32, #tpu.memory_space<hbm>> -> memref<128x256xf32, #tpu.memory_space<hbm>>
      tpu.wait_dma2 semaphore(%run_scoped3A : memref<!tpu.dma_semaphore, #tpu.memory_space<semaphore_mem>>) src(%arg8 : memref<128x256xf32, #tpu.memory_space<vmem>>) dst(%dma_wait3A_166 : memref<128x256xf32, #tpu.memory_space<hbm>>)
      tpu.yield
    }) : () -> ()
    %dma_wait3A_137 = arith.constant 6 : i32
    %dma_wait3A_138 = arith.constant 0 : i32
    %dma_wait3A_139 = tpu.memref_slice %arg5[%dma_wait3A_137, %dma_wait3A_138] : memref<8x128xi32, #tpu.memory_space<vmem>> -> memref<1x128xi32, #tpu.memory_space<vmem>>
    %dma_wait3A_140 = tpu.memref_squeeze %dma_wait3A_139 : memref<1x128xi32, #tpu.memory_space<vmem>> -> memref<128xi32, #tpu.memory_space<vmem>>
    %dma_wait3A_141 = arith.constant 0 : i32
    %dma_wait3A_142 = arith.constant 0 : i32
    %dma_wait3A_143 = tpu.memref_slice %arg2[%dma_wait3A_141, %dma_wait3A_142] : memref<8200x256xf32, #tpu.memory_space<hbm>> -> memref<8200x256xf32, #tpu.memory_space<hbm>>
    tpu.wait_indirect_dma semaphore(%arg9 : memref<!tpu.dma_semaphore, #tpu.memory_space<semaphore_mem>>) src(%dma_wait3A_143 : memref<8200x256xf32, #tpu.memory_space<hbm>>) dst(%arg6 : memref<128x256xf32, #tpu.memory_space<vmem>>)
    %add3A_144 = arith.constant 192 : i32
    %add3A_145 = arith.addi %add3A, %add3A_144 : i32
    %mul3A_146 = arith.constant 128 : i32
    %mul3A_147 = arith.muli %add3A_145, %mul3A_146 : i32
    "tpu.region"() ({
      %run_scoped3A = tpu.sem_alloc : memref<!tpu.dma_semaphore, #tpu.memory_space<semaphore_mem>>
      %dma_start3A_159 = arith.constant 0 : i32
      %dma_start3A_160 = tpu.memref_slice %arg4[%mul3A_147, %dma_start3A_159] : memref<32768x256xf32, #tpu.memory_space<hbm>> -> memref<128x256xf32, #tpu.memory_space<hbm>>
      %dma_start3A_161 = arith.constant 0 : i32
      %dma_start3A_162 = tpu.memref_slice %arg4[%mul3A_147, %dma_start3A_161] : memref<32768x256xf32, #tpu.memory_space<hbm>> -> memref<128x256xf32, #tpu.memory_space<hbm>>
      tpu.enqueue_dma source(%arg6 : memref<128x256xf32, #tpu.memory_space<vmem>>) target(%dma_start3A_162 : memref<128x256xf32, #tpu.memory_space<hbm>>) target_semaphore(%run_scoped3A : memref<!tpu.dma_semaphore, #tpu.memory_space<semaphore_mem>>)
      %dma_wait3A_163 = arith.constant 0 : i32
      %dma_wait3A_164 = tpu.memref_slice %arg4[%mul3A_147, %dma_wait3A_163] : memref<32768x256xf32, #tpu.memory_space<hbm>> -> memref<128x256xf32, #tpu.memory_space<hbm>>
      %dma_wait3A_165 = arith.constant 0 : i32
      %dma_wait3A_166 = tpu.memref_slice %arg4[%mul3A_147, %dma_wait3A_165] : memref<32768x256xf32, #tpu.memory_space<hbm>> -> memref<128x256xf32, #tpu.memory_space<hbm>>
      tpu.wait_dma2 semaphore(%run_scoped3A : memref<!tpu.dma_semaphore, #tpu.memory_space<semaphore_mem>>) src(%arg6 : memref<128x256xf32, #tpu.memory_space<vmem>>) dst(%dma_wait3A_166 : memref<128x256xf32, #tpu.memory_space<hbm>>)
      tpu.yield
    }) : () -> ()
    %dma_wait3A_148 = arith.constant 7 : i32
    %dma_wait3A_149 = arith.constant 0 : i32
    %dma_wait3A_150 = tpu.memref_slice %arg5[%dma_wait3A_148, %dma_wait3A_149] : memref<8x128xi32, #tpu.memory_space<vmem>> -> memref<1x128xi32, #tpu.memory_space<vmem>>
    %dma_wait3A_151 = tpu.memref_squeeze %dma_wait3A_150 : memref<1x128xi32, #tpu.memory_space<vmem>> -> memref<128xi32, #tpu.memory_space<vmem>>
    %dma_wait3A_152 = arith.constant 0 : i32
    %dma_wait3A_153 = arith.constant 0 : i32
    %dma_wait3A_154 = tpu.memref_slice %arg2[%dma_wait3A_152, %dma_wait3A_153] : memref<8200x256xf32, #tpu.memory_space<hbm>> -> memref<8200x256xf32, #tpu.memory_space<hbm>>
    tpu.wait_indirect_dma semaphore(%arg10 : memref<!tpu.dma_semaphore, #tpu.memory_space<semaphore_mem>>) src(%dma_wait3A_154 : memref<8200x256xf32, #tpu.memory_space<hbm>>) dst(%arg7 : memref<128x256xf32, #tpu.memory_space<vmem>>)
    %add3A_155 = arith.constant 224 : i32
    %add3A_156 = arith.addi %add3A, %add3A_155 : i32
    %mul3A_157 = arith.constant 128 : i32
    %mul3A_158 = arith.muli %add3A_156, %mul3A_157 : i32
    "tpu.region"() ({
      %run_scoped3A = tpu.sem_alloc : memref<!tpu.dma_semaphore, #tpu.memory_space<semaphore_mem>>
      %dma_start3A_159 = arith.constant 0 : i32
      %dma_start3A_160 = tpu.memref_slice %arg4[%mul3A_158, %dma_start3A_159] : memref<32768x256xf32, #tpu.memory_space<hbm>> -> memref<128x256xf32, #tpu.memory_space<hbm>>
      %dma_start3A_161 = arith.constant 0 : i32
      %dma_start3A_162 = tpu.memref_slice %arg4[%mul3A_158, %dma_start3A_161] : memref<32768x256xf32, #tpu.memory_space<hbm>> -> memref<128x256xf32, #tpu.memory_space<hbm>>
      tpu.enqueue_dma source(%arg7 : memref<128x256xf32, #tpu.memory_space<vmem>>) target(%dma_start3A_162 : memref<128x256xf32, #tpu.memory_space<hbm>>) target_semaphore(%run_scoped3A : memref<!tpu.dma_semaphore, #tpu.memory_space<semaphore_mem>>)
      %dma_wait3A_163 = arith.constant 0 : i32
      %dma_wait3A_164 = tpu.memref_slice %arg4[%mul3A_158, %dma_wait3A_163] : memref<32768x256xf32, #tpu.memory_space<hbm>> -> memref<128x256xf32, #tpu.memory_space<hbm>>
      %dma_wait3A_165 = arith.constant 0 : i32
      %dma_wait3A_166 = tpu.memref_slice %arg4[%mul3A_158, %dma_wait3A_165] : memref<32768x256xf32, #tpu.memory_space<hbm>> -> memref<128x256xf32, #tpu.memory_space<hbm>>
      tpu.wait_dma2 semaphore(%run_scoped3A : memref<!tpu.dma_semaphore, #tpu.memory_space<semaphore_mem>>) src(%arg7 : memref<128x256xf32, #tpu.memory_space<vmem>>) dst(%dma_wait3A_166 : memref<128x256xf32, #tpu.memory_space<hbm>>)
      tpu.yield
    }) : () -> ()
    return
  }
}

module attributes {stable_mosaic.version = 14 : i64} {
  func.func @_idx_dur_kernel(%arg0: i32, %arg1: memref<1x512x256xf32, #tpu.memory_space<vmem>>, %arg2: memref<1x512x1xi32, #tpu.memory_space<vmem>>, %arg3: memref<3x256x256xf32, #tpu.memory_space<vmem>>, %arg4: memref<1x256xf32, #tpu.memory_space<vmem>>, %arg5: memref<1x256xf32, #tpu.memory_space<vmem>>, %arg6: memref<1x256xf32, #tpu.memory_space<vmem>>, %arg7: memref<3x256x256xf32, #tpu.memory_space<vmem>>, %arg8: memref<1x256xf32, #tpu.memory_space<vmem>>, %arg9: memref<1x256xf32, #tpu.memory_space<vmem>>, %arg10: memref<1x256xf32, #tpu.memory_space<vmem>>, %arg11: memref<1x256xf32, #tpu.memory_space<vmem>>, %arg12: memref<1x1xf32, #tpu.memory_space<vmem>>, %arg13: memref<1x512x1xf32, #tpu.memory_space<vmem>>, %arg14: memref<1x1x2048xi32, #tpu.memory_space<vmem>>) attributes {dimension_semantics = [#tpu.dimension_semantics<arbitrary>], iteration_bounds = array<i64: 16>, scalar_prefetch = 0 : i64, scratch_operands = 0 : i64, tpu.core_type = #tpu.core_type<tc>, window_params = [{transform_indices = @transform_0, window_bounds = array<i64: 1, 512, 256>}, {transform_indices = @transform_1, window_bounds = array<i64: 1, 512, 1>}, {pipeline_mode = #tpu.pipeline_mode<synchronous>, transform_indices = @transform_2, window_bounds = array<i64: 3, 256, 256>}, {pipeline_mode = #tpu.pipeline_mode<synchronous>, transform_indices = @transform_3, window_bounds = array<i64: 1, 256>}, {pipeline_mode = #tpu.pipeline_mode<synchronous>, transform_indices = @transform_4, window_bounds = array<i64: 1, 256>}, {pipeline_mode = #tpu.pipeline_mode<synchronous>, transform_indices = @transform_5, window_bounds = array<i64: 1, 256>}, {pipeline_mode = #tpu.pipeline_mode<synchronous>, transform_indices = @transform_6, window_bounds = array<i64: 3, 256, 256>}, {pipeline_mode = #tpu.pipeline_mode<synchronous>, transform_indices = @transform_7, window_bounds = array<i64: 1, 256>}, {pipeline_mode = #tpu.pipeline_mode<synchronous>, transform_indices = @transform_8, window_bounds = array<i64: 1, 256>}, {pipeline_mode = #tpu.pipeline_mode<synchronous>, transform_indices = @transform_9, window_bounds = array<i64: 1, 256>}, {pipeline_mode = #tpu.pipeline_mode<synchronous>, transform_indices = @transform_10, window_bounds = array<i64: 1, 256>}, {pipeline_mode = #tpu.pipeline_mode<synchronous>, transform_indices = @transform_11, window_bounds = array<i64: 1, 1>}, {transform_indices = @transform_12, window_bounds = array<i64: 1, 512, 1>}, {transform_indices = @transform_13, window_bounds = array<i64: 1, 1, 2048>}]} {
    %get3A = arith.constant 0 : index
    %get3A_0 = arith.constant 0 : index
    %get3A_1 = arith.constant 0 : index
    %get3A_2 = vector.load %arg1[%get3A, %get3A_0, %get3A_1] : memref<1x512x256xf32, #tpu.memory_space<vmem>>, vector<1x512x256xf32>
    %get3A_3 = vector.shape_cast %get3A_2 : vector<1x512x256xf32> to vector<512x256xf32>
    %get3A_4 = arith.constant 0 : index
    %get3A_5 = arith.constant 0 : index
    %get3A_6 = arith.constant 0 : index
    %get3A_7 = vector.load %arg3[%get3A_4, %get3A_5, %get3A_6] : memref<3x256x256xf32, #tpu.memory_space<vmem>>, vector<3x256x256xf32>
    %get3A_8 = arith.constant 0 : index
    %get3A_9 = arith.constant 0 : index
    %get3A_10 = vector.load %arg4[%get3A_8, %get3A_9] : memref<1x256xf32, #tpu.memory_space<vmem>>, vector<1x256xf32>
    %get3A_11 = arith.constant 0 : index
    %get3A_12 = arith.constant 0 : index
    %get3A_13 = vector.load %arg5[%get3A_11, %get3A_12] : memref<1x256xf32, #tpu.memory_space<vmem>>, vector<1x256xf32>
    %get3A_14 = arith.constant 0 : index
    %get3A_15 = arith.constant 0 : index
    %get3A_16 = vector.load %arg6[%get3A_14, %get3A_15] : memref<1x256xf32, #tpu.memory_space<vmem>>, vector<1x256xf32>
    %get3A_17 = arith.constant 0 : index
    %get3A_18 = arith.constant 0 : index
    %get3A_19 = arith.constant 0 : index
    %get3A_20 = vector.load %arg7[%get3A_17, %get3A_18, %get3A_19] : memref<3x256x256xf32, #tpu.memory_space<vmem>>, vector<3x256x256xf32>
    %get3A_21 = arith.constant 0 : index
    %get3A_22 = arith.constant 0 : index
    %get3A_23 = vector.load %arg8[%get3A_21, %get3A_22] : memref<1x256xf32, #tpu.memory_space<vmem>>, vector<1x256xf32>
    %get3A_24 = arith.constant 0 : index
    %get3A_25 = arith.constant 0 : index
    %get3A_26 = vector.load %arg9[%get3A_24, %get3A_25] : memref<1x256xf32, #tpu.memory_space<vmem>>, vector<1x256xf32>
    %get3A_27 = arith.constant 0 : index
    %get3A_28 = arith.constant 0 : index
    %get3A_29 = vector.load %arg10[%get3A_27, %get3A_28] : memref<1x256xf32, #tpu.memory_space<vmem>>, vector<1x256xf32>
    %get3A_30 = arith.constant 0 : index
    %get3A_31 = arith.constant 0 : index
    %get3A_32 = vector.load %arg11[%get3A_30, %get3A_31] : memref<1x256xf32, #tpu.memory_space<vmem>>, vector<1x256xf32>
    %get3A_33 = arith.constant 0 : index
    %get3A_34 = arith.constant 0 : index
    %get3A_35 = vector.load %arg12[%get3A_33, %get3A_34] : memref<1x1xf32, #tpu.memory_space<vmem>>, vector<1x1xf32>
    %get3A_36 = vector.extract %get3A_35[0, 0] : f32 from vector<1x1xf32>
    %broadcast_in_dim3A = arith.constant 0.000000e+00 : f32
    %broadcast_in_dim3A_37 = vector.broadcast %broadcast_in_dim3A : f32 to vector<1x256xf32>
    %slice3A = vector.extract_strided_slice %get3A_3 {offsets = [0, 0], sizes = [511, 256], strides = [1, 1]} : vector<512x256xf32> to vector<511x256xf32>
    %concatenate3A = tpu.concatenate %broadcast_in_dim3A_37, %slice3A in 0 : vector<1x256xf32>, vector<511x256xf32> -> vector<512x256xf32>
    %slice3A_38 = vector.extract_strided_slice %get3A_3 {offsets = [1, 0], sizes = [511, 256], strides = [1, 1]} : vector<512x256xf32> to vector<511x256xf32>
    %concatenate3A_39 = tpu.concatenate %slice3A_38, %broadcast_in_dim3A_37 in 0 : vector<511x256xf32>, vector<1x256xf32> -> vector<512x256xf32>
    %slice3A_40 = vector.extract_strided_slice %get3A_7 {offsets = [0, 0, 0], sizes = [1, 256, 256], strides = [1, 1, 1]} : vector<3x256x256xf32> to vector<1x256x256xf32>
    %squeeze3A = vector.shape_cast %slice3A_40 : vector<1x256x256xf32> to vector<256x256xf32>
    %dot_general3A = arith.constant dense<0.000000e+00> : vector<512x256xf32>
    %dot_general3A_41 = tpu.matmul %concatenate3A, %squeeze3A, %dot_general3A {dimension_numbers = #tpu.dot_dimension_numbers<[1], [0], [0], [1], [0, 0, 1, 1], [], []>, transpose_lhs_hint = false} : vector<512x256xf32>, vector<256x256xf32>, vector<512x256xf32> -> vector<512x256xf32>
    %slice3A_42 = vector.extract_strided_slice %get3A_7 {offsets = [1, 0, 0], sizes = [1, 256, 256], strides = [1, 1, 1]} : vector<3x256x256xf32> to vector<1x256x256xf32>
    %squeeze3A_43 = vector.shape_cast %slice3A_42 : vector<1x256x256xf32> to vector<256x256xf32>
    %dot_general3A_44 = arith.constant dense<0.000000e+00> : vector<512x256xf32>
    %dot_general3A_45 = tpu.matmul %get3A_3, %squeeze3A_43, %dot_general3A_44 {dimension_numbers = #tpu.dot_dimension_numbers<[1], [0], [0], [1], [0, 0, 1, 1], [], []>, transpose_lhs_hint = false} : vector<512x256xf32>, vector<256x256xf32>, vector<512x256xf32> -> vector<512x256xf32>
    %add3A = arith.addf %dot_general3A_41, %dot_general3A_45 : vector<512x256xf32>
    %slice3A_46 = vector.extract_strided_slice %get3A_7 {offsets = [2, 0, 0], sizes = [1, 256, 256], strides = [1, 1, 1]} : vector<3x256x256xf32> to vector<1x256x256xf32>
    %squeeze3A_47 = vector.shape_cast %slice3A_46 : vector<1x256x256xf32> to vector<256x256xf32>
    %dot_general3A_48 = arith.constant dense<0.000000e+00> : vector<512x256xf32>
    %dot_general3A_49 = tpu.matmul %concatenate3A_39, %squeeze3A_47, %dot_general3A_48 {dimension_numbers = #tpu.dot_dimension_numbers<[1], [0], [0], [1], [0, 0, 1, 1], [], []>, transpose_lhs_hint = false} : vector<512x256xf32>, vector<256x256xf32>, vector<512x256xf32> -> vector<512x256xf32>
    %add3A_50 = arith.addf %add3A, %dot_general3A_49 : vector<512x256xf32>
    %add3A_51 = vector.broadcast %get3A_10 : vector<1x256xf32> to vector<512x256xf32>
    %add3A_52 = arith.addf %add3A_50, %add3A_51 : vector<512x256xf32>
    %max3A = arith.constant 0.000000e+00 : f32
    %max3A_53 = vector.broadcast %max3A : f32 to vector<512x256xf32>
    %max3A_54 = arith.maximumf %add3A_52, %max3A_53 : vector<512x256xf32>
    %reduce_sum3A = arith.constant dense<0.000000e+00> : vector<512xf32>
    %reduce_sum3A_55 = vector.multi_reduction <add>, %max3A_54, %reduce_sum3A [1] : vector<512x256xf32> to vector<512xf32>
    %broadcast_in_dim3A_56 = vector.shape_cast %reduce_sum3A_55 : vector<512xf32> to vector<512x1xf32>
    %div3A = arith.constant 2.560000e+02 : f32
    %div3A_57 = vector.broadcast %div3A : f32 to vector<512x1xf32>
    %div3A_58 = arith.divf %broadcast_in_dim3A_56, %div3A_57 : vector<512x1xf32>
    %sub3A = vector.broadcast %div3A_58 : vector<512x1xf32> to vector<512x256xf32>
    %sub3A_59 = arith.subf %max3A_54, %sub3A : vector<512x256xf32>
    %integer_pow3A = arith.mulf %sub3A_59, %sub3A_59 : vector<512x256xf32>
    %reduce_sum3A_60 = arith.constant dense<0.000000e+00> : vector<512xf32>
    %reduce_sum3A_61 = vector.multi_reduction <add>, %integer_pow3A, %reduce_sum3A_60 [1] : vector<512x256xf32> to vector<512xf32>
    %broadcast_in_dim3A_62 = vector.shape_cast %reduce_sum3A_61 : vector<512xf32> to vector<512x1xf32>
    %div3A_63 = arith.constant 2.560000e+02 : f32
    %div3A_64 = vector.broadcast %div3A_63 : f32 to vector<512x1xf32>
    %div3A_65 = arith.divf %broadcast_in_dim3A_62, %div3A_64 : vector<512x1xf32>
    %sub3A_66 = vector.broadcast %div3A_58 : vector<512x1xf32> to vector<512x256xf32>
    %sub3A_67 = arith.subf %max3A_54, %sub3A_66 : vector<512x256xf32>
    %add3A_68 = arith.constant 9.99999974E-6 : f32
    %add3A_69 = vector.broadcast %add3A_68 : f32 to vector<512x1xf32>
    %add3A_70 = arith.addf %div3A_65, %add3A_69 : vector<512x1xf32>
    %sqrt3A = math.sqrt %add3A_70 : vector<512x1xf32>
    %div3A_71 = vector.broadcast %sqrt3A : vector<512x1xf32> to vector<512x256xf32>
    %div3A_72 = arith.divf %sub3A_67, %div3A_71 : vector<512x256xf32>
    %mul3A = vector.broadcast %get3A_13 : vector<1x256xf32> to vector<512x256xf32>
    %mul3A_73 = arith.mulf %div3A_72, %mul3A : vector<512x256xf32>
    %add3A_74 = vector.broadcast %get3A_16 : vector<1x256xf32> to vector<512x256xf32>
    %add3A_75 = arith.addf %mul3A_73, %add3A_74 : vector<512x256xf32>
    %broadcast_in_dim3A_76 = arith.constant 0.000000e+00 : f32
    %broadcast_in_dim3A_77 = vector.broadcast %broadcast_in_dim3A_76 : f32 to vector<1x256xf32>
    %slice3A_78 = vector.extract_strided_slice %add3A_75 {offsets = [0, 0], sizes = [511, 256], strides = [1, 1]} : vector<512x256xf32> to vector<511x256xf32>
    %concatenate3A_79 = tpu.concatenate %broadcast_in_dim3A_77, %slice3A_78 in 0 : vector<1x256xf32>, vector<511x256xf32> -> vector<512x256xf32>
    %slice3A_80 = vector.extract_strided_slice %add3A_75 {offsets = [1, 0], sizes = [511, 256], strides = [1, 1]} : vector<512x256xf32> to vector<511x256xf32>
    %concatenate3A_81 = tpu.concatenate %slice3A_80, %broadcast_in_dim3A_77 in 0 : vector<511x256xf32>, vector<1x256xf32> -> vector<512x256xf32>
    %slice3A_82 = vector.extract_strided_slice %get3A_20 {offsets = [0, 0, 0], sizes = [1, 256, 256], strides = [1, 1, 1]} : vector<3x256x256xf32> to vector<1x256x256xf32>
    %squeeze3A_83 = vector.shape_cast %slice3A_82 : vector<1x256x256xf32> to vector<256x256xf32>
    %dot_general3A_84 = arith.constant dense<0.000000e+00> : vector<512x256xf32>
    %dot_general3A_85 = tpu.matmul %concatenate3A_79, %squeeze3A_83, %dot_general3A_84 {dimension_numbers = #tpu.dot_dimension_numbers<[1], [0], [0], [1], [0, 0, 1, 1], [], []>, transpose_lhs_hint = false} : vector<512x256xf32>, vector<256x256xf32>, vector<512x256xf32> -> vector<512x256xf32>
    %slice3A_86 = vector.extract_strided_slice %get3A_20 {offsets = [1, 0, 0], sizes = [1, 256, 256], strides = [1, 1, 1]} : vector<3x256x256xf32> to vector<1x256x256xf32>
    %squeeze3A_87 = vector.shape_cast %slice3A_86 : vector<1x256x256xf32> to vector<256x256xf32>
    %dot_general3A_88 = arith.constant dense<0.000000e+00> : vector<512x256xf32>
    %dot_general3A_89 = tpu.matmul %add3A_75, %squeeze3A_87, %dot_general3A_88 {dimension_numbers = #tpu.dot_dimension_numbers<[1], [0], [0], [1], [0, 0, 1, 1], [], []>, transpose_lhs_hint = false} : vector<512x256xf32>, vector<256x256xf32>, vector<512x256xf32> -> vector<512x256xf32>
    %add3A_90 = arith.addf %dot_general3A_85, %dot_general3A_89 : vector<512x256xf32>
    %slice3A_91 = vector.extract_strided_slice %get3A_20 {offsets = [2, 0, 0], sizes = [1, 256, 256], strides = [1, 1, 1]} : vector<3x256x256xf32> to vector<1x256x256xf32>
    %squeeze3A_92 = vector.shape_cast %slice3A_91 : vector<1x256x256xf32> to vector<256x256xf32>
    %dot_general3A_93 = arith.constant dense<0.000000e+00> : vector<512x256xf32>
    %dot_general3A_94 = tpu.matmul %concatenate3A_81, %squeeze3A_92, %dot_general3A_93 {dimension_numbers = #tpu.dot_dimension_numbers<[1], [0], [0], [1], [0, 0, 1, 1], [], []>, transpose_lhs_hint = false} : vector<512x256xf32>, vector<256x256xf32>, vector<512x256xf32> -> vector<512x256xf32>
    %add3A_95 = arith.addf %add3A_90, %dot_general3A_94 : vector<512x256xf32>
    %add3A_96 = vector.broadcast %get3A_23 : vector<1x256xf32> to vector<512x256xf32>
    %add3A_97 = arith.addf %add3A_95, %add3A_96 : vector<512x256xf32>
    %max3A_98 = arith.constant 0.000000e+00 : f32
    %max3A_99 = vector.broadcast %max3A_98 : f32 to vector<512x256xf32>
    %max3A_100 = arith.maximumf %add3A_97, %max3A_99 : vector<512x256xf32>
    %reduce_sum3A_101 = arith.constant dense<0.000000e+00> : vector<512xf32>
    %reduce_sum3A_102 = vector.multi_reduction <add>, %max3A_100, %reduce_sum3A_101 [1] : vector<512x256xf32> to vector<512xf32>
    %broadcast_in_dim3A_103 = vector.shape_cast %reduce_sum3A_102 : vector<512xf32> to vector<512x1xf32>
    %div3A_104 = arith.constant 2.560000e+02 : f32
    %div3A_105 = vector.broadcast %div3A_104 : f32 to vector<512x1xf32>
    %div3A_106 = arith.divf %broadcast_in_dim3A_103, %div3A_105 : vector<512x1xf32>
    %sub3A_107 = vector.broadcast %div3A_106 : vector<512x1xf32> to vector<512x256xf32>
    %sub3A_108 = arith.subf %max3A_100, %sub3A_107 : vector<512x256xf32>
    %integer_pow3A_109 = arith.mulf %sub3A_108, %sub3A_108 : vector<512x256xf32>
    %reduce_sum3A_110 = arith.constant dense<0.000000e+00> : vector<512xf32>
    %reduce_sum3A_111 = vector.multi_reduction <add>, %integer_pow3A_109, %reduce_sum3A_110 [1] : vector<512x256xf32> to vector<512xf32>
    %broadcast_in_dim3A_112 = vector.shape_cast %reduce_sum3A_111 : vector<512xf32> to vector<512x1xf32>
    %div3A_113 = arith.constant 2.560000e+02 : f32
    %div3A_114 = vector.broadcast %div3A_113 : f32 to vector<512x1xf32>
    %div3A_115 = arith.divf %broadcast_in_dim3A_112, %div3A_114 : vector<512x1xf32>
    %sub3A_116 = vector.broadcast %div3A_106 : vector<512x1xf32> to vector<512x256xf32>
    %sub3A_117 = arith.subf %max3A_100, %sub3A_116 : vector<512x256xf32>
    %add3A_118 = arith.constant 9.99999974E-6 : f32
    %add3A_119 = vector.broadcast %add3A_118 : f32 to vector<512x1xf32>
    %add3A_120 = arith.addf %div3A_115, %add3A_119 : vector<512x1xf32>
    %sqrt3A_121 = math.sqrt %add3A_120 : vector<512x1xf32>
    %div3A_122 = vector.broadcast %sqrt3A_121 : vector<512x1xf32> to vector<512x256xf32>
    %div3A_123 = arith.divf %sub3A_117, %div3A_122 : vector<512x256xf32>
    %mul3A_124 = vector.broadcast %get3A_26 : vector<1x256xf32> to vector<512x256xf32>
    %mul3A_125 = arith.mulf %div3A_123, %mul3A_124 : vector<512x256xf32>
    %add3A_126 = vector.broadcast %get3A_29 : vector<1x256xf32> to vector<512x256xf32>
    %add3A_127 = arith.addf %mul3A_125, %add3A_126 : vector<512x256xf32>
    %mul3A_128 = vector.broadcast %get3A_32 : vector<1x256xf32> to vector<512x256xf32>
    %mul3A_129 = arith.mulf %add3A_127, %mul3A_128 : vector<512x256xf32>
    %reduce_sum3A_130 = arith.constant dense<0.000000e+00> : vector<512xf32>
    %reduce_sum3A_131 = vector.multi_reduction <add>, %mul3A_129, %reduce_sum3A_130 [1] : vector<512x256xf32> to vector<512xf32>
    %broadcast_in_dim3A_132 = vector.shape_cast %reduce_sum3A_131 : vector<512xf32> to vector<512x1xf32>
    %add3A_133 = vector.broadcast %get3A_36 : f32 to vector<512x1xf32>
    %add3A_134 = arith.addf %broadcast_in_dim3A_132, %add3A_133 : vector<512x1xf32>
    %swap3A = arith.constant 0 : index
    %swap3A_135 = arith.constant 0 : index
    %swap3A_136 = arith.constant 0 : index
    %swap3A_137 = vector.load %arg13[%swap3A, %swap3A_135, %swap3A_136] : memref<1x512x1xf32, #tpu.memory_space<vmem>>, vector<1x512x1xf32>
    %swap3A_138 = vector.shape_cast %swap3A_137 : vector<1x512x1xf32> to vector<512x1xf32>
    %swap3A_139 = vector.shape_cast %add3A_134 : vector<512x1xf32> to vector<1x512x1xf32>
    tpu.vector_store %arg13[%swap3A, %swap3A_135, %swap3A_136], %swap3A_139 {strides = array<i32>} : memref<1x512x1xf32, #tpu.memory_space<vmem>>, vector<1x512x1xf32>,
    %get3A_140 = arith.constant 0 : index
    %get3A_141 = arith.constant 0 : index
    %get3A_142 = arith.constant 0 : index
    %get3A_143 = vector.load %arg2[%get3A_140, %get3A_141, %get3A_142] : memref<1x512x1xi32, #tpu.memory_space<vmem>>, vector<1x512x1xi32>
    %get3A_144 = vector.shape_cast %get3A_143 : vector<1x512x1xi32> to vector<512x1xi32>
    %convert_element_type3A = arith.sitofp %get3A_144 : vector<512x1xi32> to vector<512x1xf32>
    %iota3A = tpu.iota {dimensions = array<i32: 0>} : vector<512x512xi32>
    %iota3A_145 = tpu.iota {dimensions = array<i32: 1>} : vector<512x512xi32>
    %le3A = arith.cmpi sle, %iota3A_145, %iota3A : vector<512x512xi32>
    %convert_element_type3A_146 = arith.extui %le3A : vector<512x512xi1> to vector<512x512xi32>
    %convert_element_type3A_147 = arith.sitofp %convert_element_type3A_146 : vector<512x512xi32> to vector<512x512xf32>
    %dot_general3A_148 = arith.constant dense<0.000000e+00> : vector<512x1xf32>
    %dot_general3A_149 = tpu.matmul %convert_element_type3A_147, %convert_element_type3A, %dot_general3A_148 {dimension_numbers = #tpu.dot_dimension_numbers<[1], [0], [0], [1], [0, 0, 1, 1], [], []>, transpose_lhs_hint = false} : vector<512x512xf32>, vector<512x1xf32>, vector<512x1xf32> -> vector<512x1xf32>
    %iota3A_150 = tpu.iota {dimensions = array<i32: 1>} : vector<1x2048xi32>
    %convert_element_type3A_151 = arith.sitofp %iota3A_150 : vector<1x2048xi32> to vector<1x2048xf32>
    %le3A_152 = vector.broadcast %dot_general3A_149 : vector<512x1xf32> to vector<512x2048xf32>
    %le3A_153 = vector.broadcast %convert_element_type3A_151 : vector<1x2048xf32> to vector<512x2048xf32>
    %le3A_154 = arith.cmpf ole, %le3A_152, %le3A_153 : vector<512x2048xf32>
    %convert_element_type3A_155 = arith.extui %le3A_154 : vector<512x2048xi1> to vector<512x2048xi32>
    %reduce_sum3A_156 = arith.constant dense<0> : vector<2048xi32>
    %reduce_sum3A_157 = vector.multi_reduction <add>, %convert_element_type3A_155, %reduce_sum3A_156 [0] : vector<512x2048xi32> to vector<2048xi32>
    %broadcast_in_dim3A_158 = vector.shape_cast %reduce_sum3A_157 : vector<2048xi32> to vector<1x2048xi32>
    %min3A = arith.constant 511 : i32
    %min3A_159 = vector.broadcast %min3A : i32 to vector<1x2048xi32>
    %min3A_160 = arith.minsi %broadcast_in_dim3A_158, %min3A_159 : vector<1x2048xi32>
    %reduce_sum3A_161 = vector.shape_cast %convert_element_type3A : vector<512x1xf32> to vector<1x512x1xf32>
    %reduce_sum3A_162 = arith.constant dense<0.000000e+00> : vector<1xf32>
    %reduce_sum3A_163 = vector.multi_reduction <add>, %reduce_sum3A_161, %reduce_sum3A_162 [1, 2] : vector<1x512x1xf32> to vector<1xf32>
    %reduce_sum3A_164 = vector.shape_cast %reduce_sum3A_163 : vector<1xf32> to vector<1x1x1xf32>
    %reduce_sum3A_165 = vector.extract %reduce_sum3A_164[0, 0, 0] : f32 from vector<1x1x1xf32>
    %min3A_166 = arith.constant 2.048000e+03 : f32
    %min3A_167 = arith.minimumf %reduce_sum3A_165, %min3A_166 : f32
    %lt3A = vector.broadcast %min3A_167 : f32 to vector<1x2048xf32>
    %lt3A_168 = arith.cmpf olt, %convert_element_type3A_151, %lt3A : vector<1x2048xf32>
    %mul3A_169 = arith.constant 512 : i32
    %mul3A_170 = arith.muli %arg0, %mul3A_169 : i32
    %add3A_171 = vector.broadcast %mul3A_170 : i32 to vector<1x2048xi32>
    %add3A_172 = arith.addi %min3A_160, %add3A_171 : vector<1x2048xi32>
    %jit3A = arith.constant 8192 : i32
    %broadcast_in_dim3A_173 = vector.broadcast %jit3A : i32 to vector<1x2048xi32>
    %select_n3A = arith.select %lt3A_168, %add3A_172, %broadcast_in_dim3A_173 : vector<1x2048xi1>, vector<1x2048xi32>
    %swap3A_174 = arith.constant 0 : index
    %swap3A_175 = arith.constant 0 : index
    %swap3A_176 = arith.constant 0 : index
    %swap3A_177 = vector.load %arg14[%swap3A_174, %swap3A_175, %swap3A_176] : memref<1x1x2048xi32, #tpu.memory_space<vmem>>, vector<1x1x2048xi32>
    %swap3A_178 = vector.shape_cast %swap3A_177 : vector<1x1x2048xi32> to vector<1x2048xi32>
    %swap3A_179 = vector.shape_cast %select_n3A : vector<1x2048xi32> to vector<1x1x2048xi32>
    tpu.vector_store %arg14[%swap3A_174, %swap3A_175, %swap3A_176], %swap3A_179 {strides = array<i32>} : memref<1x1x2048xi32, #tpu.memory_space<vmem>>, vector<1x1x2048xi32>,
    return
  }
  func.func @transform_0(%arg0: i32) -> (i32, i32, i32) {
    %c0_i32 = arith.constant 0 : i32
    %c0_i32_0 = arith.constant 0 : i32
    %c0_i32_1 = arith.constant 0 : i32
    return %arg0, %c0_i32, %c0_i32_0 : i32, i32, i32
  }
  func.func @transform_1(%arg0: i32) -> (i32, i32, i32) {
    %c0_i32 = arith.constant 0 : i32
    %c0_i32_0 = arith.constant 0 : i32
    %c0_i32_1 = arith.constant 0 : i32
    return %arg0, %c0_i32, %c0_i32_0 : i32, i32, i32
  }
  func.func @transform_2(%arg0: i32) -> (i32, i32, i32) {
    %c0_i32 = arith.constant 0 : i32
    %c0_i32_0 = arith.constant 0 : i32
    %c0_i32_1 = arith.constant 0 : i32
    %c0_i32_2 = arith.constant 0 : i32
    return %c0_i32, %c0_i32_0, %c0_i32_1 : i32, i32, i32
  }
  func.func @transform_3(%arg0: i32) -> (i32, i32) {
    %c0_i32 = arith.constant 0 : i32
    %c0_i32_0 = arith.constant 0 : i32
    %c0_i32_1 = arith.constant 0 : i32
    return %c0_i32, %c0_i32_0 : i32, i32
  }
  func.func @transform_4(%arg0: i32) -> (i32, i32) {
    %c0_i32 = arith.constant 0 : i32
    %c0_i32_0 = arith.constant 0 : i32
    %c0_i32_1 = arith.constant 0 : i32
    return %c0_i32, %c0_i32_0 : i32, i32
  }
  func.func @transform_5(%arg0: i32) -> (i32, i32) {
    %c0_i32 = arith.constant 0 : i32
    %c0_i32_0 = arith.constant 0 : i32
    %c0_i32_1 = arith.constant 0 : i32
    return %c0_i32, %c0_i32_0 : i32, i32
  }
  func.func @transform_6(%arg0: i32) -> (i32, i32, i32) {
    %c0_i32 = arith.constant 0 : i32
    %c0_i32_0 = arith.constant 0 : i32
    %c0_i32_1 = arith.constant 0 : i32
    %c0_i32_2 = arith.constant 0 : i32
    return %c0_i32, %c0_i32_0, %c0_i32_1 : i32, i32, i32
  }
  func.func @transform_7(%arg0: i32) -> (i32, i32) {
    %c0_i32 = arith.constant 0 : i32
    %c0_i32_0 = arith.constant 0 : i32
    %c0_i32_1 = arith.constant 0 : i32
    return %c0_i32, %c0_i32_0 : i32, i32
  }
  func.func @transform_8(%arg0: i32) -> (i32, i32) {
    %c0_i32 = arith.constant 0 : i32
    %c0_i32_0 = arith.constant 0 : i32
    %c0_i32_1 = arith.constant 0 : i32
    return %c0_i32, %c0_i32_0 : i32, i32
  }
  func.func @transform_9(%arg0: i32) -> (i32, i32) {
    %c0_i32 = arith.constant 0 : i32
    %c0_i32_0 = arith.constant 0 : i32
    %c0_i32_1 = arith.constant 0 : i32
    return %c0_i32, %c0_i32_0 : i32, i32
  }
  func.func @transform_10(%arg0: i32) -> (i32, i32) {
    %c0_i32 = arith.constant 0 : i32
    %c0_i32_0 = arith.constant 0 : i32
    %c0_i32_1 = arith.constant 0 : i32
    return %c0_i32, %c0_i32_0 : i32, i32
  }
  func.func @transform_11(%arg0: i32) -> (i32, i32) {
    %c0_i32 = arith.constant 0 : i32
    %c0_i32_0 = arith.constant 0 : i32
    %c0_i32_1 = arith.constant 0 : i32
    return %c0_i32, %c0_i32_0 : i32, i32
  }
  func.func @transform_12(%arg0: i32) -> (i32, i32, i32) {
    %c0_i32 = arith.constant 0 : i32
    %c0_i32_0 = arith.constant 0 : i32
    %c0_i32_1 = arith.constant 0 : i32
    return %arg0, %c0_i32, %c0_i32_0 : i32, i32, i32
  }
  func.func @transform_13(%arg0: i32) -> (i32, i32, i32) {
    %c0_i32 = arith.constant 0 : i32
    %c0_i32_0 = arith.constant 0 : i32
    %c0_i32_1 = arith.constant 0 : i32
    return %arg0, %c0_i32, %c0_i32_0 : i32, i32, i32
  }
}

module attributes {stable_mosaic.version = 14 : i64} {
  func.func @_two_pred_kernel(%arg0: i32, %arg1: memref<1x2048x256xf32, #tpu.memory_space<vmem>>, %arg2: memref<3x256x256xf32, #tpu.memory_space<vmem>>, %arg3: memref<1x256xf32, #tpu.memory_space<vmem>>, %arg4: memref<1x256xf32, #tpu.memory_space<vmem>>, %arg5: memref<1x256xf32, #tpu.memory_space<vmem>>, %arg6: memref<3x256x256xf32, #tpu.memory_space<vmem>>, %arg7: memref<1x256xf32, #tpu.memory_space<vmem>>, %arg8: memref<1x256xf32, #tpu.memory_space<vmem>>, %arg9: memref<1x256xf32, #tpu.memory_space<vmem>>, %arg10: memref<1x256xf32, #tpu.memory_space<vmem>>, %arg11: memref<1x1xf32, #tpu.memory_space<vmem>>, %arg12: memref<3x256x256xf32, #tpu.memory_space<vmem>>, %arg13: memref<1x256xf32, #tpu.memory_space<vmem>>, %arg14: memref<1x256xf32, #tpu.memory_space<vmem>>, %arg15: memref<1x256xf32, #tpu.memory_space<vmem>>, %arg16: memref<3x256x256xf32, #tpu.memory_space<vmem>>, %arg17: memref<1x256xf32, #tpu.memory_space<vmem>>, %arg18: memref<1x256xf32, #tpu.memory_space<vmem>>, %arg19: memref<1x256xf32, #tpu.memory_space<vmem>>, %arg20: memref<1x256xf32, #tpu.memory_space<vmem>>, %arg21: memref<1x1xf32, #tpu.memory_space<vmem>>, %arg22: memref<1x2048x1xf32, #tpu.memory_space<vmem>>, %arg23: memref<1x2048x1xf32, #tpu.memory_space<vmem>>) attributes {dimension_semantics = [#tpu.dimension_semantics<arbitrary>], iteration_bounds = array<i64: 16>, scalar_prefetch = 0 : i64, scratch_operands = 0 : i64, tpu.core_type = #tpu.core_type<tc>, window_params = [{transform_indices = @transform_0, window_bounds = array<i64: 1, 2048, 256>}, {pipeline_mode = #tpu.pipeline_mode<synchronous>, transform_indices = @transform_1, window_bounds = array<i64: 3, 256, 256>}, {pipeline_mode = #tpu.pipeline_mode<synchronous>, transform_indices = @transform_2, window_bounds = array<i64: 1, 256>}, {pipeline_mode = #tpu.pipeline_mode<synchronous>, transform_indices = @transform_3, window_bounds = array<i64: 1, 256>}, {pipeline_mode = #tpu.pipeline_mode<synchronous>, transform_indices = @transform_4, window_bounds = array<i64: 1, 256>}, {pipeline_mode = #tpu.pipeline_mode<synchronous>, transform_indices = @transform_5, window_bounds = array<i64: 3, 256, 256>}, {pipeline_mode = #tpu.pipeline_mode<synchronous>, transform_indices = @transform_6, window_bounds = array<i64: 1, 256>}, {pipeline_mode = #tpu.pipeline_mode<synchronous>, transform_indices = @transform_7, window_bounds = array<i64: 1, 256>}, {pipeline_mode = #tpu.pipeline_mode<synchronous>, transform_indices = @transform_8, window_bounds = array<i64: 1, 256>}, {pipeline_mode = #tpu.pipeline_mode<synchronous>, transform_indices = @transform_9, window_bounds = array<i64: 1, 256>}, {pipeline_mode = #tpu.pipeline_mode<synchronous>, transform_indices = @transform_10, window_bounds = array<i64: 1, 1>}, {pipeline_mode = #tpu.pipeline_mode<synchronous>, transform_indices = @transform_11, window_bounds = array<i64: 3, 256, 256>}, {pipeline_mode = #tpu.pipeline_mode<synchronous>, transform_indices = @transform_12, window_bounds = array<i64: 1, 256>}, {pipeline_mode = #tpu.pipeline_mode<synchronous>, transform_indices = @transform_13, window_bounds = array<i64: 1, 256>}, {pipeline_mode = #tpu.pipeline_mode<synchronous>, transform_indices = @transform_14, window_bounds = array<i64: 1, 256>}, {pipeline_mode = #tpu.pipeline_mode<synchronous>, transform_indices = @transform_15, window_bounds = array<i64: 3, 256, 256>}, {pipeline_mode = #tpu.pipeline_mode<synchronous>, transform_indices = @transform_16, window_bounds = array<i64: 1, 256>}, {pipeline_mode = #tpu.pipeline_mode<synchronous>, transform_indices = @transform_17, window_bounds = array<i64: 1, 256>}, {pipeline_mode = #tpu.pipeline_mode<synchronous>, transform_indices = @transform_18, window_bounds = array<i64: 1, 256>}, {pipeline_mode = #tpu.pipeline_mode<synchronous>, transform_indices = @transform_19, window_bounds = array<i64: 1, 256>}, {pipeline_mode = #tpu.pipeline_mode<synchronous>, transform_indices = @transform_20, window_bounds = array<i64: 1, 1>}, {transform_indices = @transform_21, window_bounds = array<i64: 1, 2048, 1>}, {transform_indices = @transform_22, window_bounds = array<i64: 1, 2048, 1>}]} {
    %get3A = arith.constant 0 : index
    %get3A_0 = arith.constant 0 : index
    %get3A_1 = arith.constant 0 : index
    %get3A_2 = vector.load %arg1[%get3A, %get3A_0, %get3A_1] : memref<1x2048x256xf32, #tpu.memory_space<vmem>>, vector<1x2048x256xf32>
    %get3A_3 = vector.shape_cast %get3A_2 : vector<1x2048x256xf32> to vector<2048x256xf32>
    %get3A_4 = arith.constant 0 : index
    %get3A_5 = arith.constant 0 : index
    %get3A_6 = arith.constant 0 : index
    %get3A_7 = vector.load %arg2[%get3A_4, %get3A_5, %get3A_6] : memref<3x256x256xf32, #tpu.memory_space<vmem>>, vector<3x256x256xf32>
    %get3A_8 = arith.constant 0 : index
    %get3A_9 = arith.constant 0 : index
    %get3A_10 = vector.load %arg3[%get3A_8, %get3A_9] : memref<1x256xf32, #tpu.memory_space<vmem>>, vector<1x256xf32>
    %get3A_11 = arith.constant 0 : index
    %get3A_12 = arith.constant 0 : index
    %get3A_13 = vector.load %arg4[%get3A_11, %get3A_12] : memref<1x256xf32, #tpu.memory_space<vmem>>, vector<1x256xf32>
    %get3A_14 = arith.constant 0 : index
    %get3A_15 = arith.constant 0 : index
    %get3A_16 = vector.load %arg5[%get3A_14, %get3A_15] : memref<1x256xf32, #tpu.memory_space<vmem>>, vector<1x256xf32>
    %get3A_17 = arith.constant 0 : index
    %get3A_18 = arith.constant 0 : index
    %get3A_19 = arith.constant 0 : index
    %get3A_20 = vector.load %arg6[%get3A_17, %get3A_18, %get3A_19] : memref<3x256x256xf32, #tpu.memory_space<vmem>>, vector<3x256x256xf32>
    %get3A_21 = arith.constant 0 : index
    %get3A_22 = arith.constant 0 : index
    %get3A_23 = vector.load %arg7[%get3A_21, %get3A_22] : memref<1x256xf32, #tpu.memory_space<vmem>>, vector<1x256xf32>
    %get3A_24 = arith.constant 0 : index
    %get3A_25 = arith.constant 0 : index
    %get3A_26 = vector.load %arg8[%get3A_24, %get3A_25] : memref<1x256xf32, #tpu.memory_space<vmem>>, vector<1x256xf32>
    %get3A_27 = arith.constant 0 : index
    %get3A_28 = arith.constant 0 : index
    %get3A_29 = vector.load %arg9[%get3A_27, %get3A_28] : memref<1x256xf32, #tpu.memory_space<vmem>>, vector<1x256xf32>
    %get3A_30 = arith.constant 0 : index
    %get3A_31 = arith.constant 0 : index
    %get3A_32 = vector.load %arg10[%get3A_30, %get3A_31] : memref<1x256xf32, #tpu.memory_space<vmem>>, vector<1x256xf32>
    %get3A_33 = arith.constant 0 : index
    %get3A_34 = arith.constant 0 : index
    %get3A_35 = vector.load %arg11[%get3A_33, %get3A_34] : memref<1x1xf32, #tpu.memory_space<vmem>>, vector<1x1xf32>
    %get3A_36 = vector.extract %get3A_35[0, 0] : f32 from vector<1x1xf32>
    %broadcast_in_dim3A = arith.constant 0.000000e+00 : f32
    %broadcast_in_dim3A_37 = vector.broadcast %broadcast_in_dim3A : f32 to vector<1x256xf32>
    %slice3A = vector.extract_strided_slice %get3A_3 {offsets = [0, 0], sizes = [2047, 256], strides = [1, 1]} : vector<2048x256xf32> to vector<2047x256xf32>
    %concatenate3A = tpu.concatenate %broadcast_in_dim3A_37, %slice3A in 0 : vector<1x256xf32>, vector<2047x256xf32> -> vector<2048x256xf32>
    %slice3A_38 = vector.extract_strided_slice %get3A_3 {offsets = [1, 0], sizes = [2047, 256], strides = [1, 1]} : vector<2048x256xf32> to vector<2047x256xf32>
    %concatenate3A_39 = tpu.concatenate %slice3A_38, %broadcast_in_dim3A_37 in 0 : vector<2047x256xf32>, vector<1x256xf32> -> vector<2048x256xf32>
    %slice3A_40 = vector.extract_strided_slice %get3A_7 {offsets = [0, 0, 0], sizes = [1, 256, 256], strides = [1, 1, 1]} : vector<3x256x256xf32> to vector<1x256x256xf32>
    %squeeze3A = vector.shape_cast %slice3A_40 : vector<1x256x256xf32> to vector<256x256xf32>
    %dot_general3A = arith.constant dense<0.000000e+00> : vector<2048x256xf32>
    %dot_general3A_41 = tpu.matmul %concatenate3A, %squeeze3A, %dot_general3A {dimension_numbers = #tpu.dot_dimension_numbers<[1], [0], [0], [1], [0, 0, 1, 1], [], []>, transpose_lhs_hint = false} : vector<2048x256xf32>, vector<256x256xf32>, vector<2048x256xf32> -> vector<2048x256xf32>
    %slice3A_42 = vector.extract_strided_slice %get3A_7 {offsets = [1, 0, 0], sizes = [1, 256, 256], strides = [1, 1, 1]} : vector<3x256x256xf32> to vector<1x256x256xf32>
    %squeeze3A_43 = vector.shape_cast %slice3A_42 : vector<1x256x256xf32> to vector<256x256xf32>
    %dot_general3A_44 = arith.constant dense<0.000000e+00> : vector<2048x256xf32>
    %dot_general3A_45 = tpu.matmul %get3A_3, %squeeze3A_43, %dot_general3A_44 {dimension_numbers = #tpu.dot_dimension_numbers<[1], [0], [0], [1], [0, 0, 1, 1], [], []>, transpose_lhs_hint = false} : vector<2048x256xf32>, vector<256x256xf32>, vector<2048x256xf32> -> vector<2048x256xf32>
    %add3A = arith.addf %dot_general3A_41, %dot_general3A_45 : vector<2048x256xf32>
    %slice3A_46 = vector.extract_strided_slice %get3A_7 {offsets = [2, 0, 0], sizes = [1, 256, 256], strides = [1, 1, 1]} : vector<3x256x256xf32> to vector<1x256x256xf32>
    %squeeze3A_47 = vector.shape_cast %slice3A_46 : vector<1x256x256xf32> to vector<256x256xf32>
    %dot_general3A_48 = arith.constant dense<0.000000e+00> : vector<2048x256xf32>
    %dot_general3A_49 = tpu.matmul %concatenate3A_39, %squeeze3A_47, %dot_general3A_48 {dimension_numbers = #tpu.dot_dimension_numbers<[1], [0], [0], [1], [0, 0, 1, 1], [], []>, transpose_lhs_hint = false} : vector<2048x256xf32>, vector<256x256xf32>, vector<2048x256xf32> -> vector<2048x256xf32>
    %add3A_50 = arith.addf %add3A, %dot_general3A_49 : vector<2048x256xf32>
    %add3A_51 = vector.broadcast %get3A_10 : vector<1x256xf32> to vector<2048x256xf32>
    %add3A_52 = arith.addf %add3A_50, %add3A_51 : vector<2048x256xf32>
    %max3A = arith.constant 0.000000e+00 : f32
    %max3A_53 = vector.broadcast %max3A : f32 to vector<2048x256xf32>
    %max3A_54 = arith.maximumf %add3A_52, %max3A_53 : vector<2048x256xf32>
    %reduce_sum3A = arith.constant dense<0.000000e+00> : vector<2048xf32>
    %reduce_sum3A_55 = vector.multi_reduction <add>, %max3A_54, %reduce_sum3A [1] : vector<2048x256xf32> to vector<2048xf32>
    %broadcast_in_dim3A_56 = vector.shape_cast %reduce_sum3A_55 : vector<2048xf32> to vector<2048x1xf32>
    %div3A = arith.constant 2.560000e+02 : f32
    %div3A_57 = vector.broadcast %div3A : f32 to vector<2048x1xf32>
    %div3A_58 = arith.divf %broadcast_in_dim3A_56, %div3A_57 : vector<2048x1xf32>
    %sub3A = vector.broadcast %div3A_58 : vector<2048x1xf32> to vector<2048x256xf32>
    %sub3A_59 = arith.subf %max3A_54, %sub3A : vector<2048x256xf32>
    %integer_pow3A = arith.mulf %sub3A_59, %sub3A_59 : vector<2048x256xf32>
    %reduce_sum3A_60 = arith.constant dense<0.000000e+00> : vector<2048xf32>
    %reduce_sum3A_61 = vector.multi_reduction <add>, %integer_pow3A, %reduce_sum3A_60 [1] : vector<2048x256xf32> to vector<2048xf32>
    %broadcast_in_dim3A_62 = vector.shape_cast %reduce_sum3A_61 : vector<2048xf32> to vector<2048x1xf32>
    %div3A_63 = arith.constant 2.560000e+02 : f32
    %div3A_64 = vector.broadcast %div3A_63 : f32 to vector<2048x1xf32>
    %div3A_65 = arith.divf %broadcast_in_dim3A_62, %div3A_64 : vector<2048x1xf32>
    %sub3A_66 = vector.broadcast %div3A_58 : vector<2048x1xf32> to vector<2048x256xf32>
    %sub3A_67 = arith.subf %max3A_54, %sub3A_66 : vector<2048x256xf32>
    %add3A_68 = arith.constant 9.99999974E-6 : f32
    %add3A_69 = vector.broadcast %add3A_68 : f32 to vector<2048x1xf32>
    %add3A_70 = arith.addf %div3A_65, %add3A_69 : vector<2048x1xf32>
    %sqrt3A = math.sqrt %add3A_70 : vector<2048x1xf32>
    %div3A_71 = vector.broadcast %sqrt3A : vector<2048x1xf32> to vector<2048x256xf32>
    %div3A_72 = arith.divf %sub3A_67, %div3A_71 : vector<2048x256xf32>
    %mul3A = vector.broadcast %get3A_13 : vector<1x256xf32> to vector<2048x256xf32>
    %mul3A_73 = arith.mulf %div3A_72, %mul3A : vector<2048x256xf32>
    %add3A_74 = vector.broadcast %get3A_16 : vector<1x256xf32> to vector<2048x256xf32>
    %add3A_75 = arith.addf %mul3A_73, %add3A_74 : vector<2048x256xf32>
    %broadcast_in_dim3A_76 = arith.constant 0.000000e+00 : f32
    %broadcast_in_dim3A_77 = vector.broadcast %broadcast_in_dim3A_76 : f32 to vector<1x256xf32>
    %slice3A_78 = vector.extract_strided_slice %add3A_75 {offsets = [0, 0], sizes = [2047, 256], strides = [1, 1]} : vector<2048x256xf32> to vector<2047x256xf32>
    %concatenate3A_79 = tpu.concatenate %broadcast_in_dim3A_77, %slice3A_78 in 0 : vector<1x256xf32>, vector<2047x256xf32> -> vector<2048x256xf32>
    %slice3A_80 = vector.extract_strided_slice %add3A_75 {offsets = [1, 0], sizes = [2047, 256], strides = [1, 1]} : vector<2048x256xf32> to vector<2047x256xf32>
    %concatenate3A_81 = tpu.concatenate %slice3A_80, %broadcast_in_dim3A_77 in 0 : vector<2047x256xf32>, vector<1x256xf32> -> vector<2048x256xf32>
    %slice3A_82 = vector.extract_strided_slice %get3A_20 {offsets = [0, 0, 0], sizes = [1, 256, 256], strides = [1, 1, 1]} : vector<3x256x256xf32> to vector<1x256x256xf32>
    %squeeze3A_83 = vector.shape_cast %slice3A_82 : vector<1x256x256xf32> to vector<256x256xf32>
    %dot_general3A_84 = arith.constant dense<0.000000e+00> : vector<2048x256xf32>
    %dot_general3A_85 = tpu.matmul %concatenate3A_79, %squeeze3A_83, %dot_general3A_84 {dimension_numbers = #tpu.dot_dimension_numbers<[1], [0], [0], [1], [0, 0, 1, 1], [], []>, transpose_lhs_hint = false} : vector<2048x256xf32>, vector<256x256xf32>, vector<2048x256xf32> -> vector<2048x256xf32>
    %slice3A_86 = vector.extract_strided_slice %get3A_20 {offsets = [1, 0, 0], sizes = [1, 256, 256], strides = [1, 1, 1]} : vector<3x256x256xf32> to vector<1x256x256xf32>
    %squeeze3A_87 = vector.shape_cast %slice3A_86 : vector<1x256x256xf32> to vector<256x256xf32>
    %dot_general3A_88 = arith.constant dense<0.000000e+00> : vector<2048x256xf32>
    %dot_general3A_89 = tpu.matmul %add3A_75, %squeeze3A_87, %dot_general3A_88 {dimension_numbers = #tpu.dot_dimension_numbers<[1], [0], [0], [1], [0, 0, 1, 1], [], []>, transpose_lhs_hint = false} : vector<2048x256xf32>, vector<256x256xf32>, vector<2048x256xf32> -> vector<2048x256xf32>
    %add3A_90 = arith.addf %dot_general3A_85, %dot_general3A_89 : vector<2048x256xf32>
    %slice3A_91 = vector.extract_strided_slice %get3A_20 {offsets = [2, 0, 0], sizes = [1, 256, 256], strides = [1, 1, 1]} : vector<3x256x256xf32> to vector<1x256x256xf32>
    %squeeze3A_92 = vector.shape_cast %slice3A_91 : vector<1x256x256xf32> to vector<256x256xf32>
    %dot_general3A_93 = arith.constant dense<0.000000e+00> : vector<2048x256xf32>
    %dot_general3A_94 = tpu.matmul %concatenate3A_81, %squeeze3A_92, %dot_general3A_93 {dimension_numbers = #tpu.dot_dimension_numbers<[1], [0], [0], [1], [0, 0, 1, 1], [], []>, transpose_lhs_hint = false} : vector<2048x256xf32>, vector<256x256xf32>, vector<2048x256xf32> -> vector<2048x256xf32>
    %add3A_95 = arith.addf %add3A_90, %dot_general3A_94 : vector<2048x256xf32>
    %add3A_96 = vector.broadcast %get3A_23 : vector<1x256xf32> to vector<2048x256xf32>
    %add3A_97 = arith.addf %add3A_95, %add3A_96 : vector<2048x256xf32>
    %max3A_98 = arith.constant 0.000000e+00 : f32
    %max3A_99 = vector.broadcast %max3A_98 : f32 to vector<2048x256xf32>
    %max3A_100 = arith.maximumf %add3A_97, %max3A_99 : vector<2048x256xf32>
    %reduce_sum3A_101 = arith.constant dense<0.000000e+00> : vector<2048xf32>
    %reduce_sum3A_102 = vector.multi_reduction <add>, %max3A_100, %reduce_sum3A_101 [1] : vector<2048x256xf32> to vector<2048xf32>
    %broadcast_in_dim3A_103 = vector.shape_cast %reduce_sum3A_102 : vector<2048xf32> to vector<2048x1xf32>
    %div3A_104 = arith.constant 2.560000e+02 : f32
    %div3A_105 = vector.broadcast %div3A_104 : f32 to vector<2048x1xf32>
    %div3A_106 = arith.divf %broadcast_in_dim3A_103, %div3A_105 : vector<2048x1xf32>
    %sub3A_107 = vector.broadcast %div3A_106 : vector<2048x1xf32> to vector<2048x256xf32>
    %sub3A_108 = arith.subf %max3A_100, %sub3A_107 : vector<2048x256xf32>
    %integer_pow3A_109 = arith.mulf %sub3A_108, %sub3A_108 : vector<2048x256xf32>
    %reduce_sum3A_110 = arith.constant dense<0.000000e+00> : vector<2048xf32>
    %reduce_sum3A_111 = vector.multi_reduction <add>, %integer_pow3A_109, %reduce_sum3A_110 [1] : vector<2048x256xf32> to vector<2048xf32>
    %broadcast_in_dim3A_112 = vector.shape_cast %reduce_sum3A_111 : vector<2048xf32> to vector<2048x1xf32>
    %div3A_113 = arith.constant 2.560000e+02 : f32
    %div3A_114 = vector.broadcast %div3A_113 : f32 to vector<2048x1xf32>
    %div3A_115 = arith.divf %broadcast_in_dim3A_112, %div3A_114 : vector<2048x1xf32>
    %sub3A_116 = vector.broadcast %div3A_106 : vector<2048x1xf32> to vector<2048x256xf32>
    %sub3A_117 = arith.subf %max3A_100, %sub3A_116 : vector<2048x256xf32>
    %add3A_118 = arith.constant 9.99999974E-6 : f32
    %add3A_119 = vector.broadcast %add3A_118 : f32 to vector<2048x1xf32>
    %add3A_120 = arith.addf %div3A_115, %add3A_119 : vector<2048x1xf32>
    %sqrt3A_121 = math.sqrt %add3A_120 : vector<2048x1xf32>
    %div3A_122 = vector.broadcast %sqrt3A_121 : vector<2048x1xf32> to vector<2048x256xf32>
    %div3A_123 = arith.divf %sub3A_117, %div3A_122 : vector<2048x256xf32>
    %mul3A_124 = vector.broadcast %get3A_26 : vector<1x256xf32> to vector<2048x256xf32>
    %mul3A_125 = arith.mulf %div3A_123, %mul3A_124 : vector<2048x256xf32>
    %add3A_126 = vector.broadcast %get3A_29 : vector<1x256xf32> to vector<2048x256xf32>
    %add3A_127 = arith.addf %mul3A_125, %add3A_126 : vector<2048x256xf32>
    %mul3A_128 = vector.broadcast %get3A_32 : vector<1x256xf32> to vector<2048x256xf32>
    %mul3A_129 = arith.mulf %add3A_127, %mul3A_128 : vector<2048x256xf32>
    %reduce_sum3A_130 = arith.constant dense<0.000000e+00> : vector<2048xf32>
    %reduce_sum3A_131 = vector.multi_reduction <add>, %mul3A_129, %reduce_sum3A_130 [1] : vector<2048x256xf32> to vector<2048xf32>
    %broadcast_in_dim3A_132 = vector.shape_cast %reduce_sum3A_131 : vector<2048xf32> to vector<2048x1xf32>
    %add3A_133 = vector.broadcast %get3A_36 : f32 to vector<2048x1xf32>
    %add3A_134 = arith.addf %broadcast_in_dim3A_132, %add3A_133 : vector<2048x1xf32>
    %swap3A = arith.constant 0 : index
    %swap3A_135 = arith.constant 0 : index
    %swap3A_136 = arith.constant 0 : index
    %swap3A_137 = vector.load %arg22[%swap3A, %swap3A_135, %swap3A_136] : memref<1x2048x1xf32, #tpu.memory_space<vmem>>, vector<1x2048x1xf32>
    %swap3A_138 = vector.shape_cast %swap3A_137 : vector<1x2048x1xf32> to vector<2048x1xf32>
    %swap3A_139 = vector.shape_cast %add3A_134 : vector<2048x1xf32> to vector<1x2048x1xf32>
    tpu.vector_store %arg22[%swap3A, %swap3A_135, %swap3A_136], %swap3A_139 {strides = array<i32>} : memref<1x2048x1xf32, #tpu.memory_space<vmem>>, vector<1x2048x1xf32>,
    %get3A_140 = arith.constant 0 : index
    %get3A_141 = arith.constant 0 : index
    %get3A_142 = arith.constant 0 : index
    %get3A_143 = vector.load %arg12[%get3A_140, %get3A_141, %get3A_142] : memref<3x256x256xf32, #tpu.memory_space<vmem>>, vector<3x256x256xf32>
    %get3A_144 = arith.constant 0 : index
    %get3A_145 = arith.constant 0 : index
    %get3A_146 = vector.load %arg13[%get3A_144, %get3A_145] : memref<1x256xf32, #tpu.memory_space<vmem>>, vector<1x256xf32>
    %get3A_147 = arith.constant 0 : index
    %get3A_148 = arith.constant 0 : index
    %get3A_149 = vector.load %arg14[%get3A_147, %get3A_148] : memref<1x256xf32, #tpu.memory_space<vmem>>, vector<1x256xf32>
    %get3A_150 = arith.constant 0 : index
    %get3A_151 = arith.constant 0 : index
    %get3A_152 = vector.load %arg15[%get3A_150, %get3A_151] : memref<1x256xf32, #tpu.memory_space<vmem>>, vector<1x256xf32>
    %get3A_153 = arith.constant 0 : index
    %get3A_154 = arith.constant 0 : index
    %get3A_155 = arith.constant 0 : index
    %get3A_156 = vector.load %arg16[%get3A_153, %get3A_154, %get3A_155] : memref<3x256x256xf32, #tpu.memory_space<vmem>>, vector<3x256x256xf32>
    %get3A_157 = arith.constant 0 : index
    %get3A_158 = arith.constant 0 : index
    %get3A_159 = vector.load %arg17[%get3A_157, %get3A_158] : memref<1x256xf32, #tpu.memory_space<vmem>>, vector<1x256xf32>
    %get3A_160 = arith.constant 0 : index
    %get3A_161 = arith.constant 0 : index
    %get3A_162 = vector.load %arg18[%get3A_160, %get3A_161] : memref<1x256xf32, #tpu.memory_space<vmem>>, vector<1x256xf32>
    %get3A_163 = arith.constant 0 : index
    %get3A_164 = arith.constant 0 : index
    %get3A_165 = vector.load %arg19[%get3A_163, %get3A_164] : memref<1x256xf32, #tpu.memory_space<vmem>>, vector<1x256xf32>
    %get3A_166 = arith.constant 0 : index
    %get3A_167 = arith.constant 0 : index
    %get3A_168 = vector.load %arg20[%get3A_166, %get3A_167] : memref<1x256xf32, #tpu.memory_space<vmem>>, vector<1x256xf32>
    %get3A_169 = arith.constant 0 : index
    %get3A_170 = arith.constant 0 : index
    %get3A_171 = vector.load %arg21[%get3A_169, %get3A_170] : memref<1x1xf32, #tpu.memory_space<vmem>>, vector<1x1xf32>
    %get3A_172 = vector.extract %get3A_171[0, 0] : f32 from vector<1x1xf32>
    %broadcast_in_dim3A_173 = arith.constant 0.000000e+00 : f32
    %broadcast_in_dim3A_174 = vector.broadcast %broadcast_in_dim3A_173 : f32 to vector<1x256xf32>
    %slice3A_175 = vector.extract_strided_slice %get3A_3 {offsets = [0, 0], sizes = [2047, 256], strides = [1, 1]} : vector<2048x256xf32> to vector<2047x256xf32>
    %concatenate3A_176 = tpu.concatenate %broadcast_in_dim3A_174, %slice3A_175 in 0 : vector<1x256xf32>, vector<2047x256xf32> -> vector<2048x256xf32>
    %slice3A_177 = vector.extract_strided_slice %get3A_3 {offsets = [1, 0], sizes = [2047, 256], strides = [1, 1]} : vector<2048x256xf32> to vector<2047x256xf32>
    %concatenate3A_178 = tpu.concatenate %slice3A_177, %broadcast_in_dim3A_174 in 0 : vector<2047x256xf32>, vector<1x256xf32> -> vector<2048x256xf32>
    %slice3A_179 = vector.extract_strided_slice %get3A_143 {offsets = [0, 0, 0], sizes = [1, 256, 256], strides = [1, 1, 1]} : vector<3x256x256xf32> to vector<1x256x256xf32>
    %squeeze3A_180 = vector.shape_cast %slice3A_179 : vector<1x256x256xf32> to vector<256x256xf32>
    %dot_general3A_181 = arith.constant dense<0.000000e+00> : vector<2048x256xf32>
    %dot_general3A_182 = tpu.matmul %concatenate3A_176, %squeeze3A_180, %dot_general3A_181 {dimension_numbers = #tpu.dot_dimension_numbers<[1], [0], [0], [1], [0, 0, 1, 1], [], []>, transpose_lhs_hint = false} : vector<2048x256xf32>, vector<256x256xf32>, vector<2048x256xf32> -> vector<2048x256xf32>
    %slice3A_183 = vector.extract_strided_slice %get3A_143 {offsets = [1, 0, 0], sizes = [1, 256, 256], strides = [1, 1, 1]} : vector<3x256x256xf32> to vector<1x256x256xf32>
    %squeeze3A_184 = vector.shape_cast %slice3A_183 : vector<1x256x256xf32> to vector<256x256xf32>
    %dot_general3A_185 = arith.constant dense<0.000000e+00> : vector<2048x256xf32>
    %dot_general3A_186 = tpu.matmul %get3A_3, %squeeze3A_184, %dot_general3A_185 {dimension_numbers = #tpu.dot_dimension_numbers<[1], [0], [0], [1], [0, 0, 1, 1], [], []>, transpose_lhs_hint = false} : vector<2048x256xf32>, vector<256x256xf32>, vector<2048x256xf32> -> vector<2048x256xf32>
    %add3A_187 = arith.addf %dot_general3A_182, %dot_general3A_186 : vector<2048x256xf32>
    %slice3A_188 = vector.extract_strided_slice %get3A_143 {offsets = [2, 0, 0], sizes = [1, 256, 256], strides = [1, 1, 1]} : vector<3x256x256xf32> to vector<1x256x256xf32>
    %squeeze3A_189 = vector.shape_cast %slice3A_188 : vector<1x256x256xf32> to vector<256x256xf32>
    %dot_general3A_190 = arith.constant dense<0.000000e+00> : vector<2048x256xf32>
    %dot_general3A_191 = tpu.matmul %concatenate3A_178, %squeeze3A_189, %dot_general3A_190 {dimension_numbers = #tpu.dot_dimension_numbers<[1], [0], [0], [1], [0, 0, 1, 1], [], []>, transpose_lhs_hint = false} : vector<2048x256xf32>, vector<256x256xf32>, vector<2048x256xf32> -> vector<2048x256xf32>
    %add3A_192 = arith.addf %add3A_187, %dot_general3A_191 : vector<2048x256xf32>
    %add3A_193 = vector.broadcast %get3A_146 : vector<1x256xf32> to vector<2048x256xf32>
    %add3A_194 = arith.addf %add3A_192, %add3A_193 : vector<2048x256xf32>
    %max3A_195 = arith.constant 0.000000e+00 : f32
    %max3A_196 = vector.broadcast %max3A_195 : f32 to vector<2048x256xf32>
    %max3A_197 = arith.maximumf %add3A_194, %max3A_196 : vector<2048x256xf32>
    %reduce_sum3A_198 = arith.constant dense<0.000000e+00> : vector<2048xf32>
    %reduce_sum3A_199 = vector.multi_reduction <add>, %max3A_197, %reduce_sum3A_198 [1] : vector<2048x256xf32> to vector<2048xf32>
    %broadcast_in_dim3A_200 = vector.shape_cast %reduce_sum3A_199 : vector<2048xf32> to vector<2048x1xf32>
    %div3A_201 = arith.constant 2.560000e+02 : f32
    %div3A_202 = vector.broadcast %div3A_201 : f32 to vector<2048x1xf32>
    %div3A_203 = arith.divf %broadcast_in_dim3A_200, %div3A_202 : vector<2048x1xf32>
    %sub3A_204 = vector.broadcast %div3A_203 : vector<2048x1xf32> to vector<2048x256xf32>
    %sub3A_205 = arith.subf %max3A_197, %sub3A_204 : vector<2048x256xf32>
    %integer_pow3A_206 = arith.mulf %sub3A_205, %sub3A_205 : vector<2048x256xf32>
    %reduce_sum3A_207 = arith.constant dense<0.000000e+00> : vector<2048xf32>
    %reduce_sum3A_208 = vector.multi_reduction <add>, %integer_pow3A_206, %reduce_sum3A_207 [1] : vector<2048x256xf32> to vector<2048xf32>
    %broadcast_in_dim3A_209 = vector.shape_cast %reduce_sum3A_208 : vector<2048xf32> to vector<2048x1xf32>
    %div3A_210 = arith.constant 2.560000e+02 : f32
    %div3A_211 = vector.broadcast %div3A_210 : f32 to vector<2048x1xf32>
    %div3A_212 = arith.divf %broadcast_in_dim3A_209, %div3A_211 : vector<2048x1xf32>
    %sub3A_213 = vector.broadcast %div3A_203 : vector<2048x1xf32> to vector<2048x256xf32>
    %sub3A_214 = arith.subf %max3A_197, %sub3A_213 : vector<2048x256xf32>
    %add3A_215 = arith.constant 9.99999974E-6 : f32
    %add3A_216 = vector.broadcast %add3A_215 : f32 to vector<2048x1xf32>
    %add3A_217 = arith.addf %div3A_212, %add3A_216 : vector<2048x1xf32>
    %sqrt3A_218 = math.sqrt %add3A_217 : vector<2048x1xf32>
    %div3A_219 = vector.broadcast %sqrt3A_218 : vector<2048x1xf32> to vector<2048x256xf32>
    %div3A_220 = arith.divf %sub3A_214, %div3A_219 : vector<2048x256xf32>
    %mul3A_221 = vector.broadcast %get3A_149 : vector<1x256xf32> to vector<2048x256xf32>
    %mul3A_222 = arith.mulf %div3A_220, %mul3A_221 : vector<2048x256xf32>
    %add3A_223 = vector.broadcast %get3A_152 : vector<1x256xf32> to vector<2048x256xf32>
    %add3A_224 = arith.addf %mul3A_222, %add3A_223 : vector<2048x256xf32>
    %broadcast_in_dim3A_225 = arith.constant 0.000000e+00 : f32
    %broadcast_in_dim3A_226 = vector.broadcast %broadcast_in_dim3A_225 : f32 to vector<1x256xf32>
    %slice3A_227 = vector.extract_strided_slice %add3A_224 {offsets = [0, 0], sizes = [2047, 256], strides = [1, 1]} : vector<2048x256xf32> to vector<2047x256xf32>
    %concatenate3A_228 = tpu.concatenate %broadcast_in_dim3A_226, %slice3A_227 in 0 : vector<1x256xf32>, vector<2047x256xf32> -> vector<2048x256xf32>
    %slice3A_229 = vector.extract_strided_slice %add3A_224 {offsets = [1, 0], sizes = [2047, 256], strides = [1, 1]} : vector<2048x256xf32> to vector<2047x256xf32>
    %concatenate3A_230 = tpu.concatenate %slice3A_229, %broadcast_in_dim3A_226 in 0 : vector<2047x256xf32>, vector<1x256xf32> -> vector<2048x256xf32>
    %slice3A_231 = vector.extract_strided_slice %get3A_156 {offsets = [0, 0, 0], sizes = [1, 256, 256], strides = [1, 1, 1]} : vector<3x256x256xf32> to vector<1x256x256xf32>
    %squeeze3A_232 = vector.shape_cast %slice3A_231 : vector<1x256x256xf32> to vector<256x256xf32>
    %dot_general3A_233 = arith.constant dense<0.000000e+00> : vector<2048x256xf32>
    %dot_general3A_234 = tpu.matmul %concatenate3A_228, %squeeze3A_232, %dot_general3A_233 {dimension_numbers = #tpu.dot_dimension_numbers<[1], [0], [0], [1], [0, 0, 1, 1], [], []>, transpose_lhs_hint = false} : vector<2048x256xf32>, vector<256x256xf32>, vector<2048x256xf32> -> vector<2048x256xf32>
    %slice3A_235 = vector.extract_strided_slice %get3A_156 {offsets = [1, 0, 0], sizes = [1, 256, 256], strides = [1, 1, 1]} : vector<3x256x256xf32> to vector<1x256x256xf32>
    %squeeze3A_236 = vector.shape_cast %slice3A_235 : vector<1x256x256xf32> to vector<256x256xf32>
    %dot_general3A_237 = arith.constant dense<0.000000e+00> : vector<2048x256xf32>
    %dot_general3A_238 = tpu.matmul %add3A_224, %squeeze3A_236, %dot_general3A_237 {dimension_numbers = #tpu.dot_dimension_numbers<[1], [0], [0], [1], [0, 0, 1, 1], [], []>, transpose_lhs_hint = false} : vector<2048x256xf32>, vector<256x256xf32>, vector<2048x256xf32> -> vector<2048x256xf32>
    %add3A_239 = arith.addf %dot_general3A_234, %dot_general3A_238 : vector<2048x256xf32>
    %slice3A_240 = vector.extract_strided_slice %get3A_156 {offsets = [2, 0, 0], sizes = [1, 256, 256], strides = [1, 1, 1]} : vector<3x256x256xf32> to vector<1x256x256xf32>
    %squeeze3A_241 = vector.shape_cast %slice3A_240 : vector<1x256x256xf32> to vector<256x256xf32>
    %dot_general3A_242 = arith.constant dense<0.000000e+00> : vector<2048x256xf32>
    %dot_general3A_243 = tpu.matmul %concatenate3A_230, %squeeze3A_241, %dot_general3A_242 {dimension_numbers = #tpu.dot_dimension_numbers<[1], [0], [0], [1], [0, 0, 1, 1], [], []>, transpose_lhs_hint = false} : vector<2048x256xf32>, vector<256x256xf32>, vector<2048x256xf32> -> vector<2048x256xf32>
    %add3A_244 = arith.addf %add3A_239, %dot_general3A_243 : vector<2048x256xf32>
    %add3A_245 = vector.broadcast %get3A_159 : vector<1x256xf32> to vector<2048x256xf32>
    %add3A_246 = arith.addf %add3A_244, %add3A_245 : vector<2048x256xf32>
    %max3A_247 = arith.constant 0.000000e+00 : f32
    %max3A_248 = vector.broadcast %max3A_247 : f32 to vector<2048x256xf32>
    %max3A_249 = arith.maximumf %add3A_246, %max3A_248 : vector<2048x256xf32>
    %reduce_sum3A_250 = arith.constant dense<0.000000e+00> : vector<2048xf32>
    %reduce_sum3A_251 = vector.multi_reduction <add>, %max3A_249, %reduce_sum3A_250 [1] : vector<2048x256xf32> to vector<2048xf32>
    %broadcast_in_dim3A_252 = vector.shape_cast %reduce_sum3A_251 : vector<2048xf32> to vector<2048x1xf32>
    %div3A_253 = arith.constant 2.560000e+02 : f32
    %div3A_254 = vector.broadcast %div3A_253 : f32 to vector<2048x1xf32>
    %div3A_255 = arith.divf %broadcast_in_dim3A_252, %div3A_254 : vector<2048x1xf32>
    %sub3A_256 = vector.broadcast %div3A_255 : vector<2048x1xf32> to vector<2048x256xf32>
    %sub3A_257 = arith.subf %max3A_249, %sub3A_256 : vector<2048x256xf32>
    %integer_pow3A_258 = arith.mulf %sub3A_257, %sub3A_257 : vector<2048x256xf32>
    %reduce_sum3A_259 = arith.constant dense<0.000000e+00> : vector<2048xf32>
    %reduce_sum3A_260 = vector.multi_reduction <add>, %integer_pow3A_258, %reduce_sum3A_259 [1] : vector<2048x256xf32> to vector<2048xf32>
    %broadcast_in_dim3A_261 = vector.shape_cast %reduce_sum3A_260 : vector<2048xf32> to vector<2048x1xf32>
    %div3A_262 = arith.constant 2.560000e+02 : f32
    %div3A_263 = vector.broadcast %div3A_262 : f32 to vector<2048x1xf32>
    %div3A_264 = arith.divf %broadcast_in_dim3A_261, %div3A_263 : vector<2048x1xf32>
    %sub3A_265 = vector.broadcast %div3A_255 : vector<2048x1xf32> to vector<2048x256xf32>
    %sub3A_266 = arith.subf %max3A_249, %sub3A_265 : vector<2048x256xf32>
    %add3A_267 = arith.constant 9.99999974E-6 : f32
    %add3A_268 = vector.broadcast %add3A_267 : f32 to vector<2048x1xf32>
    %add3A_269 = arith.addf %div3A_264, %add3A_268 : vector<2048x1xf32>
    %sqrt3A_270 = math.sqrt %add3A_269 : vector<2048x1xf32>
    %div3A_271 = vector.broadcast %sqrt3A_270 : vector<2048x1xf32> to vector<2048x256xf32>
    %div3A_272 = arith.divf %sub3A_266, %div3A_271 : vector<2048x256xf32>
    %mul3A_273 = vector.broadcast %get3A_162 : vector<1x256xf32> to vector<2048x256xf32>
    %mul3A_274 = arith.mulf %div3A_272, %mul3A_273 : vector<2048x256xf32>
    %add3A_275 = vector.broadcast %get3A_165 : vector<1x256xf32> to vector<2048x256xf32>
    %add3A_276 = arith.addf %mul3A_274, %add3A_275 : vector<2048x256xf32>
    %mul3A_277 = vector.broadcast %get3A_168 : vector<1x256xf32> to vector<2048x256xf32>
    %mul3A_278 = arith.mulf %add3A_276, %mul3A_277 : vector<2048x256xf32>
    %reduce_sum3A_279 = arith.constant dense<0.000000e+00> : vector<2048xf32>
    %reduce_sum3A_280 = vector.multi_reduction <add>, %mul3A_278, %reduce_sum3A_279 [1] : vector<2048x256xf32> to vector<2048xf32>
    %broadcast_in_dim3A_281 = vector.shape_cast %reduce_sum3A_280 : vector<2048xf32> to vector<2048x1xf32>
    %add3A_282 = vector.broadcast %get3A_172 : f32 to vector<2048x1xf32>
    %add3A_283 = arith.addf %broadcast_in_dim3A_281, %add3A_282 : vector<2048x1xf32>
    %swap3A_284 = arith.constant 0 : index
    %swap3A_285 = arith.constant 0 : index
    %swap3A_286 = arith.constant 0 : index
    %swap3A_287 = vector.load %arg23[%swap3A_284, %swap3A_285, %swap3A_286] : memref<1x2048x1xf32, #tpu.memory_space<vmem>>, vector<1x2048x1xf32>
    %swap3A_288 = vector.shape_cast %swap3A_287 : vector<1x2048x1xf32> to vector<2048x1xf32>
    %swap3A_289 = vector.shape_cast %add3A_283 : vector<2048x1xf32> to vector<1x2048x1xf32>
    tpu.vector_store %arg23[%swap3A_284, %swap3A_285, %swap3A_286], %swap3A_289 {strides = array<i32>} : memref<1x2048x1xf32, #tpu.memory_space<vmem>>, vector<1x2048x1xf32>,
    return
  }
  func.func @transform_0(%arg0: i32) -> (i32, i32, i32) {
    %c0_i32 = arith.constant 0 : i32
    %c0_i32_0 = arith.constant 0 : i32
    %c0_i32_1 = arith.constant 0 : i32
    return %arg0, %c0_i32, %c0_i32_0 : i32, i32, i32
  }
  func.func @transform_1(%arg0: i32) -> (i32, i32, i32) {
    %c0_i32 = arith.constant 0 : i32
    %c0_i32_0 = arith.constant 0 : i32
    %c0_i32_1 = arith.constant 0 : i32
    %c0_i32_2 = arith.constant 0 : i32
    return %c0_i32, %c0_i32_0, %c0_i32_1 : i32, i32, i32
  }
  func.func @transform_2(%arg0: i32) -> (i32, i32) {
    %c0_i32 = arith.constant 0 : i32
    %c0_i32_0 = arith.constant 0 : i32
    %c0_i32_1 = arith.constant 0 : i32
    return %c0_i32, %c0_i32_0 : i32, i32
  }
  func.func @transform_3(%arg0: i32) -> (i32, i32) {
    %c0_i32 = arith.constant 0 : i32
    %c0_i32_0 = arith.constant 0 : i32
    %c0_i32_1 = arith.constant 0 : i32
    return %c0_i32, %c0_i32_0 : i32, i32
  }
  func.func @transform_4(%arg0: i32) -> (i32, i32) {
    %c0_i32 = arith.constant 0 : i32
    %c0_i32_0 = arith.constant 0 : i32
    %c0_i32_1 = arith.constant 0 : i32
    return %c0_i32, %c0_i32_0 : i32, i32
  }
  func.func @transform_5(%arg0: i32) -> (i32, i32, i32) {
    %c0_i32 = arith.constant 0 : i32
    %c0_i32_0 = arith.constant 0 : i32
    %c0_i32_1 = arith.constant 0 : i32
    %c0_i32_2 = arith.constant 0 : i32
    return %c0_i32, %c0_i32_0, %c0_i32_1 : i32, i32, i32
  }
  func.func @transform_6(%arg0: i32) -> (i32, i32) {
    %c0_i32 = arith.constant 0 : i32
    %c0_i32_0 = arith.constant 0 : i32
    %c0_i32_1 = arith.constant 0 : i32
    return %c0_i32, %c0_i32_0 : i32, i32
  }
  func.func @transform_7(%arg0: i32) -> (i32, i32) {
    %c0_i32 = arith.constant 0 : i32
    %c0_i32_0 = arith.constant 0 : i32
    %c0_i32_1 = arith.constant 0 : i32
    return %c0_i32, %c0_i32_0 : i32, i32
  }
  func.func @transform_8(%arg0: i32) -> (i32, i32) {
    %c0_i32 = arith.constant 0 : i32
    %c0_i32_0 = arith.constant 0 : i32
    %c0_i32_1 = arith.constant 0 : i32
    return %c0_i32, %c0_i32_0 : i32, i32
  }
  func.func @transform_9(%arg0: i32) -> (i32, i32) {
    %c0_i32 = arith.constant 0 : i32
    %c0_i32_0 = arith.constant 0 : i32
    %c0_i32_1 = arith.constant 0 : i32
    return %c0_i32, %c0_i32_0 : i32, i32
  }
  func.func @transform_10(%arg0: i32) -> (i32, i32) {
    %c0_i32 = arith.constant 0 : i32
    %c0_i32_0 = arith.constant 0 : i32
    %c0_i32_1 = arith.constant 0 : i32
    return %c0_i32, %c0_i32_0 : i32, i32
  }
  func.func @transform_11(%arg0: i32) -> (i32, i32, i32) {
    %c0_i32 = arith.constant 0 : i32
    %c0_i32_0 = arith.constant 0 : i32
    %c0_i32_1 = arith.constant 0 : i32
    %c0_i32_2 = arith.constant 0 : i32
    return %c0_i32, %c0_i32_0, %c0_i32_1 : i32, i32, i32
  }
  func.func @transform_12(%arg0: i32) -> (i32, i32) {
    %c0_i32 = arith.constant 0 : i32
    %c0_i32_0 = arith.constant 0 : i32
    %c0_i32_1 = arith.constant 0 : i32
    return %c0_i32, %c0_i32_0 : i32, i32
  }
  func.func @transform_13(%arg0: i32) -> (i32, i32) {
    %c0_i32 = arith.constant 0 : i32
    %c0_i32_0 = arith.constant 0 : i32
    %c0_i32_1 = arith.constant 0 : i32
    return %c0_i32, %c0_i32_0 : i32, i32
  }
  func.func @transform_14(%arg0: i32) -> (i32, i32) {
    %c0_i32 = arith.constant 0 : i32
    %c0_i32_0 = arith.constant 0 : i32
    %c0_i32_1 = arith.constant 0 : i32
    return %c0_i32, %c0_i32_0 : i32, i32
  }
  func.func @transform_15(%arg0: i32) -> (i32, i32, i32) {
    %c0_i32 = arith.constant 0 : i32
    %c0_i32_0 = arith.constant 0 : i32
    %c0_i32_1 = arith.constant 0 : i32
    %c0_i32_2 = arith.constant 0 : i32
    return %c0_i32, %c0_i32_0, %c0_i32_1 : i32, i32, i32
  }
  func.func @transform_16(%arg0: i32) -> (i32, i32) {
    %c0_i32 = arith.constant 0 : i32
    %c0_i32_0 = arith.constant 0 : i32
    %c0_i32_1 = arith.constant 0 : i32
    return %c0_i32, %c0_i32_0 : i32, i32
  }
  func.func @transform_17(%arg0: i32) -> (i32, i32) {
    %c0_i32 = arith.constant 0 : i32
    %c0_i32_0 = arith.constant 0 : i32
    %c0_i32_1 = arith.constant 0 : i32
    return %c0_i32, %c0_i32_0 : i32, i32
  }
  func.func @transform_18(%arg0: i32) -> (i32, i32) {
    %c0_i32 = arith.constant 0 : i32
    %c0_i32_0 = arith.constant 0 : i32
    %c0_i32_1 = arith.constant 0 : i32
    return %c0_i32, %c0_i32_0 : i32, i32
  }
  func.func @transform_19(%arg0: i32) -> (i32, i32) {
    %c0_i32 = arith.constant 0 : i32
    %c0_i32_0 = arith.constant 0 : i32
    %c0_i32_1 = arith.constant 0 : i32
    return %c0_i32, %c0_i32_0 : i32, i32
  }
  func.func @transform_20(%arg0: i32) -> (i32, i32) {
    %c0_i32 = arith.constant 0 : i32
    %c0_i32_0 = arith.constant 0 : i32
    %c0_i32_1 = arith.constant 0 : i32
    return %c0_i32, %c0_i32_0 : i32, i32
  }
  func.func @transform_21(%arg0: i32) -> (i32, i32, i32) {
    %c0_i32 = arith.constant 0 : i32
    %c0_i32_0 = arith.constant 0 : i32
    %c0_i32_1 = arith.constant 0 : i32
    return %arg0, %c0_i32, %c0_i32_0 : i32, i32, i32
  }
  func.func @transform_22(%arg0: i32) -> (i32, i32, i32) {
    %c0_i32 = arith.constant 0 : i32
    %c0_i32_0 = arith.constant 0 : i32
    %c0_i32_1 = arith.constant 0 : i32
    return %arg0, %c0_i32, %c0_i32_0 : i32, i32, i32
  }
}

module attributes {stable_mosaic.version = 14 : i64} {
  func.func @_assemble_kernel(%arg0: i32, %arg1: i32, %arg2: memref<1x1024x256xf32, #tpu.memory_space<vmem>>, %arg3: memref<1x1024x1xf32, #tpu.memory_space<vmem>>, %arg4: memref<1x1024x1xf32, #tpu.memory_space<vmem>>, %arg5: memref<1x256xf32, #tpu.memory_space<vmem>>, %arg6: memref<1x256xf32, #tpu.memory_space<vmem>>, %arg7: memref<256x256xf32, #tpu.memory_space<vmem>>, %arg8: memref<256x256xf32, #tpu.memory_space<vmem>>, %arg9: memref<1x1024x256xf32, #tpu.memory_space<vmem>>) attributes {dimension_semantics = [#tpu.dimension_semantics<arbitrary>, #tpu.dimension_semantics<arbitrary>], iteration_bounds = array<i64: 16, 2>, scalar_prefetch = 0 : i64, scratch_operands = 0 : i64, tpu.core_type = #tpu.core_type<tc>, window_params = [{transform_indices = @transform_0, window_bounds = array<i64: 1, 1024, 256>}, {transform_indices = @transform_1, window_bounds = array<i64: 1, 1024, 1>}, {transform_indices = @transform_2, window_bounds = array<i64: 1, 1024, 1>}, {pipeline_mode = #tpu.pipeline_mode<synchronous>, transform_indices = @transform_3, window_bounds = array<i64: 1, 256>}, {pipeline_mode = #tpu.pipeline_mode<synchronous>, transform_indices = @transform_4, window_bounds = array<i64: 1, 256>}, {pipeline_mode = #tpu.pipeline_mode<synchronous>, transform_indices = @transform_5, window_bounds = array<i64: 256, 256>}, {pipeline_mode = #tpu.pipeline_mode<synchronous>, transform_indices = @transform_6, window_bounds = array<i64: 256, 256>}, {transform_indices = @transform_7, window_bounds = array<i64: 1, 1024, 256>}]} {
    %get3A = arith.constant 0 : index
    %get3A_0 = arith.constant 0 : index
    %get3A_1 = arith.constant 0 : index
    %get3A_2 = vector.load %arg2[%get3A, %get3A_0, %get3A_1] : memref<1x1024x256xf32, #tpu.memory_space<vmem>>, vector<1x1024x256xf32>
    %get3A_3 = vector.shape_cast %get3A_2 : vector<1x1024x256xf32> to vector<1024x256xf32>
    %iota3A = tpu.iota {dimensions = array<i32: 1>} : vector<1024x256xi32>
    %convert_element_type3A = arith.sitofp %iota3A : vector<1024x256xi32> to vector<1024x256xf32>
    %get3A_4 = arith.constant 0 : index
    %get3A_5 = arith.constant 0 : index
    %get3A_6 = arith.constant 0 : index
    %get3A_7 = vector.load %arg3[%get3A_4, %get3A_5, %get3A_6] : memref<1x1024x1xf32, #tpu.memory_space<vmem>>, vector<1x1024x1xf32>
    %get3A_8 = vector.shape_cast %get3A_7 : vector<1x1024x1xf32> to vector<1024x1xf32>
    %add3A = arith.constant 1.000000e+00 : f32
    %add3A_9 = vector.broadcast %add3A : f32 to vector<1024x1xf32>
    %add3A_10 = arith.addf %get3A_8, %add3A_9 : vector<1024x1xf32>
    %log3A = math.log %add3A_10 : vector<1024x1xf32>
    %get3A_11 = arith.constant 0 : index
    %get3A_12 = arith.constant 0 : index
    %get3A_13 = vector.load %arg5[%get3A_11, %get3A_12] : memref<1x256xf32, #tpu.memory_space<vmem>>, vector<1x256xf32>
    %lt3A = vector.broadcast %get3A_13 : vector<1x256xf32> to vector<1024x256xf32>
    %lt3A_14 = vector.broadcast %log3A : vector<1024x1xf32> to vector<1024x256xf32>
    %lt3A_15 = arith.cmpf olt, %lt3A, %lt3A_14 : vector<1024x256xf32>
    %convert_element_type3A_16 = arith.extui %lt3A_15 : vector<1024x256xi1> to vector<1024x256xi32>
    %convert_element_type3A_17 = arith.sitofp %convert_element_type3A_16 : vector<1024x256xi32> to vector<1024x256xf32>
    %reduce_sum3A = arith.constant dense<0.000000e+00> : vector<1024xf32>
    %reduce_sum3A_18 = vector.multi_reduction <add>, %convert_element_type3A_17, %reduce_sum3A [1] : vector<1024x256xf32> to vector<1024xf32>
    %broadcast_in_dim3A = vector.shape_cast %reduce_sum3A_18 : vector<1024xf32> to vector<1024x1xf32>
    %min3A = arith.constant 2.550000e+02 : f32
    %min3A_19 = vector.broadcast %min3A : f32 to vector<1024x1xf32>
    %min3A_20 = arith.minimumf %broadcast_in_dim3A, %min3A_19 : vector<1024x1xf32>
    %eq3A = vector.broadcast %min3A_20 : vector<1024x1xf32> to vector<1024x256xf32>
    %eq3A_21 = arith.cmpf oeq, %eq3A, %convert_element_type3A : vector<1024x256xf32>
    %convert_element_type3A_22 = arith.extui %eq3A_21 : vector<1024x256xi1> to vector<1024x256xi32>
    %convert_element_type3A_23 = arith.sitofp %convert_element_type3A_22 : vector<1024x256xi32> to vector<1024x256xf32>
    %get3A_24 = arith.constant 0 : index
    %get3A_25 = arith.constant 0 : index
    %get3A_26 = vector.load %arg7[%get3A_24, %get3A_25] : memref<256x256xf32, #tpu.memory_space<vmem>>, vector<256x256xf32>
    %dot_general3A = arith.constant dense<0.000000e+00> : vector<1024x256xf32>
    %dot_general3A_27 = tpu.matmul %convert_element_type3A_23, %get3A_26, %dot_general3A {dimension_numbers = #tpu.dot_dimension_numbers<[1], [0], [0], [1], [0, 0, 1, 1], [], []>, transpose_lhs_hint = false} : vector<1024x256xf32>, vector<256x256xf32>, vector<1024x256xf32> -> vector<1024x256xf32>
    %get3A_28 = arith.constant 0 : index
    %get3A_29 = arith.constant 0 : index
    %get3A_30 = arith.constant 0 : index
    %get3A_31 = vector.load %arg4[%get3A_28, %get3A_29, %get3A_30] : memref<1x1024x1xf32, #tpu.memory_space<vmem>>, vector<1x1024x1xf32>
    %get3A_32 = vector.shape_cast %get3A_31 : vector<1x1024x1xf32> to vector<1024x1xf32>
    %add3A_33 = arith.constant 1.000000e+00 : f32
    %add3A_34 = vector.broadcast %add3A_33 : f32 to vector<1024x1xf32>
    %add3A_35 = arith.addf %get3A_32, %add3A_34 : vector<1024x1xf32>
    %log3A_36 = math.log %add3A_35 : vector<1024x1xf32>
    %get3A_37 = arith.constant 0 : index
    %get3A_38 = arith.constant 0 : index
    %get3A_39 = vector.load %arg6[%get3A_37, %get3A_38] : memref<1x256xf32, #tpu.memory_space<vmem>>, vector<1x256xf32>
    %lt3A_40 = vector.broadcast %get3A_39 : vector<1x256xf32> to vector<1024x256xf32>
    %lt3A_41 = vector.broadcast %log3A_36 : vector<1024x1xf32> to vector<1024x256xf32>
    %lt3A_42 = arith.cmpf olt, %lt3A_40, %lt3A_41 : vector<1024x256xf32>
    %convert_element_type3A_43 = arith.extui %lt3A_42 : vector<1024x256xi1> to vector<1024x256xi32>
    %convert_element_type3A_44 = arith.sitofp %convert_element_type3A_43 : vector<1024x256xi32> to vector<1024x256xf32>
    %reduce_sum3A_45 = arith.constant dense<0.000000e+00> : vector<1024xf32>
    %reduce_sum3A_46 = vector.multi_reduction <add>, %convert_element_type3A_44, %reduce_sum3A_45 [1] : vector<1024x256xf32> to vector<1024xf32>
    %broadcast_in_dim3A_47 = vector.shape_cast %reduce_sum3A_46 : vector<1024xf32> to vector<1024x1xf32>
    %min3A_48 = arith.constant 2.550000e+02 : f32
    %min3A_49 = vector.broadcast %min3A_48 : f32 to vector<1024x1xf32>
    %min3A_50 = arith.minimumf %broadcast_in_dim3A_47, %min3A_49 : vector<1024x1xf32>
    %eq3A_51 = vector.broadcast %min3A_50 : vector<1024x1xf32> to vector<1024x256xf32>
    %eq3A_52 = arith.cmpf oeq, %eq3A_51, %convert_element_type3A : vector<1024x256xf32>
    %convert_element_type3A_53 = arith.extui %eq3A_52 : vector<1024x256xi1> to vector<1024x256xi32>
    %convert_element_type3A_54 = arith.sitofp %convert_element_type3A_53 : vector<1024x256xi32> to vector<1024x256xf32>
    %get3A_55 = arith.constant 0 : index
    %get3A_56 = arith.constant 0 : index
    %get3A_57 = vector.load %arg8[%get3A_55, %get3A_56] : memref<256x256xf32, #tpu.memory_space<vmem>>, vector<256x256xf32>
    %dot_general3A_58 = arith.constant dense<0.000000e+00> : vector<1024x256xf32>
    %dot_general3A_59 = tpu.matmul %convert_element_type3A_54, %get3A_57, %dot_general3A_58 {dimension_numbers = #tpu.dot_dimension_numbers<[1], [0], [0], [1], [0, 0, 1, 1], [], []>, transpose_lhs_hint = false} : vector<1024x256xf32>, vector<256x256xf32>, vector<1024x256xf32> -> vector<1024x256xf32>
    %add3A_60 = arith.addf %get3A_3, %dot_general3A_27 : vector<1024x256xf32>
    %add3A_61 = arith.addf %add3A_60, %dot_general3A_59 : vector<1024x256xf32>
    %swap3A = arith.constant 0 : index
    %swap3A_62 = arith.constant 0 : index
    %swap3A_63 = arith.constant 0 : index
    %swap3A_64 = vector.load %arg9[%swap3A, %swap3A_62, %swap3A_63] : memref<1x1024x256xf32, #tpu.memory_space<vmem>>, vector<1x1024x256xf32>
    %swap3A_65 = vector.shape_cast %swap3A_64 : vector<1x1024x256xf32> to vector<1024x256xf32>
    %swap3A_66 = vector.shape_cast %add3A_61 : vector<1024x256xf32> to vector<1x1024x256xf32>
    tpu.vector_store %arg9[%swap3A, %swap3A_62, %swap3A_63], %swap3A_66 {strides = array<i32>} : memref<1x1024x256xf32, #tpu.memory_space<vmem>>, vector<1x1024x256xf32>,
    return
  }
  func.func @transform_0(%arg0: i32, %arg1: i32) -> (i32, i32, i32) {
    %c0_i32 = arith.constant 0 : i32
    %c0_i32_0 = arith.constant 0 : i32
    return %arg0, %arg1, %c0_i32 : i32, i32, i32
  }
  func.func @transform_1(%arg0: i32, %arg1: i32) -> (i32, i32, i32) {
    %c0_i32 = arith.constant 0 : i32
    %c0_i32_0 = arith.constant 0 : i32
    return %arg0, %arg1, %c0_i32 : i32, i32, i32
  }
  func.func @transform_2(%arg0: i32, %arg1: i32) -> (i32, i32, i32) {
    %c0_i32 = arith.constant 0 : i32
    %c0_i32_0 = arith.constant 0 : i32
    return %arg0, %arg1, %c0_i32 : i32, i32, i32
  }
  func.func @transform_3(%arg0: i32, %arg1: i32) -> (i32, i32) {
    %c0_i32 = arith.constant 0 : i32
    %c0_i32_0 = arith.constant 0 : i32
    %c0_i32_1 = arith.constant 0 : i32
    return %c0_i32, %c0_i32_0 : i32, i32
  }
  func.func @transform_4(%arg0: i32, %arg1: i32) -> (i32, i32) {
    %c0_i32 = arith.constant 0 : i32
    %c0_i32_0 = arith.constant 0 : i32
    %c0_i32_1 = arith.constant 0 : i32
    return %c0_i32, %c0_i32_0 : i32, i32
  }
  func.func @transform_5(%arg0: i32, %arg1: i32) -> (i32, i32) {
    %c0_i32 = arith.constant 0 : i32
    %c0_i32_0 = arith.constant 0 : i32
    %c0_i32_1 = arith.constant 0 : i32
    return %c0_i32, %c0_i32_0 : i32, i32
  }
  func.func @transform_6(%arg0: i32, %arg1: i32) -> (i32, i32) {
    %c0_i32 = arith.constant 0 : i32
    %c0_i32_0 = arith.constant 0 : i32
    %c0_i32_1 = arith.constant 0 : i32
    return %c0_i32, %c0_i32_0 : i32, i32
  }
  func.func @transform_7(%arg0: i32, %arg1: i32) -> (i32, i32, i32) {
    %c0_i32 = arith.constant 0 : i32
    %c0_i32_0 = arith.constant 0 : i32
    return %arg0, %arg1, %c0_i32 : i32, i32, i32
  }
}

</mosaic_0001>

<sc_bundles>
// kernel: kernel.6.cloned.1.call-start
scs
__scs_entry_jumppad:
0x0: {  	(pc) =	sbr.rel $0x88, $3  }
0x1: {  	(tag) =	ssettag $0x0;
	lr =	simm.s32 $0x1  }
0x2: {  	[smem:$0x3F7D] =	sst lr;
	_ =	strace $0xD0000000  }
0x3: {  	_ = 	snop  }
0x4: {  	_ = 	snop  }
0x5: {  	_ = 	snop  }
0x6: {  	_ = 	snop  }
0x7: {  	_ = 	snop  }
__scs_overlays_trampoline_lowered:
0x8: {  	[smem:$0x3F8C] =	sst s0  }
0x9: {  	[smem:$0x3F8D] =	sst s1  }
0xa: {  	[smem:$0x3F8E] =	sst s2  }
0xb: {  	[smem:$0x3F8F] =	sst s3  }
0xc: {  	[smem:$0x3F90] =	sst s4  }
0xd: {  	[smem:$0x3F91] =	sst s5  }
0xe: {  	[smem:$0x3F92] =	sst s6  }
0xf: {  	[smem:$0x3F93] =	sst s7  }
0x10: {  	[smem:$0x3F94] =	sst s8  }
0x11: {  	[smem:$0x3F95] =	sst s9;
	s0 =	simm.s32 @!p0 $0x0  }
0x12: {  	s1 =	sld [smem:$0x3F7B];
	s0 =	simm.s32 @p0 $0x1  }
0x13: {  	[smem:$0x3F96] =	sst s0;
	s0 =	simm.s32 @!p1 $0x0  }
0x14: {  	s2 =	sld [smem:$0x3F7A];
	s0 =	simm.s32 @p1 $0x1  }
0x15: {  	[smem:$0x3F97] =	sst s0;
	s0 =	simm.s32 @!p2 $0x0  }
0x16: {  	s3 =	sld [smem:$0x3FDB];
	s0 =	simm.s32 @p2 $0x1  }
0x17: {  	s4 =	simm.s32 $0x1BF5;
	[smem:$0x3F99] =	sst s0  }
0x18: {  	s0 =	sld [smem:$0x3F7C];
	_ =	swait.ge [sflag:s4], $0x0  }
0x19: {  	s7 =	sld [smem:$0x3F7D]  }
0x1a: {  	s8 =	sadd.s32 $0xFFFFE003, lr  }
0x1b: {  	s9 =	sadd.s32 $0xFFFFFEF7, lr;
	s5 =	simm.s32 $0xFFFFFFFF;
	p2 =	slt.u32 s8, $0xFFFFF086  }
0x1c: {  	p1 =	slt.u32 s9, $0xF7A;
	s5 =	simm.s32 @!p2 $0x0  }
0x1d: {  	s5 =	simm.s32 @p1 $0x1;
	p0 =	seq.s32 s7, s2  }
0x1e: {  	s7 =	smul.u32 @!p0 $0xF7A, s2;
	p2 =	seq.s32 @!p0 s5, $0x0  }
0x1f: {  	s9 =	smul.u32 $0xF7A, s1;
	s8 =	simm.s32 @!p0 $0x1BF5;
	p2 =	por !p2, p0  }
0x20: {  	[sflag:s8] =	ssyncset.s32 @!p0 $0xFFFFF086;
	s6 =	sadd.s32 @!p0 s3, s7;
	s7 =	simm.s32 @!p0 $0x108  }
0x21: {  	s3 =	sadd.s32 s3, s9;
	s6 =	sadd.s32 @!p0 $0x88, s6;
	s7 =	simm.s32 @p2 $0x1082  }
0x22: {  	[simem:s7], [sflag:s8] =	dma.local @!p0 [hbm:s6], $0xF7A  }
0x23: {  	s9 =	sor.u32 $0xD0000000, s2;
	s6 =	simm.s32 $0x108;
	_ =	swait.ge @!p0 [sflag:s8], $0x0  }
0x24: {  	s3 =	sadd.s32 $0x88, s3;
	s6 =	simm.s32 @!p1 $0x1082;
	[sflag:s4] =	ssyncset.s32 $0xFFFFF086  }
0x25: {  	[simem:s6], [sflag:s4] =	dma.local [hbm:s3], $0xF7A  }
0x26: {  	[smem:$0x3F7D] =	sst s1;
	(tag) =	ssettag s2;
	_ =	strace s9  }
0x27: {  	s1 =	sld [smem:$0x3F8D]  }
0x28: {  	s2 =	sld [smem:$0x3F8E]  }
0x29: {  	s4 =	sld [smem:$0x3F90]  }
0x2a: {  	p0 =	seq.s32 s5, $0x0;
	s5 =	sld [smem:$0x3F91]  }
0x2b: {  	s6 =	sld [smem:$0x3F92]  }
0x2c: {  	s7 =	sld [smem:$0x3F93]  }
0x2d: {  	s3 =	simm.s32 $0x108;
	s8 =	sld [smem:$0x3F94]  }
0x2e: {  	s3 =	simm.s32 @!p0 $0x1082;
	s9 =	sld [smem:$0x3F95]  }
0x2f: {  	lr =	sadd.s32 s0, s3;
	s0 =	sld [smem:$0x3F8C]  }
0x30: {  	s3 =	sld [smem:$0x3F8F]  }
0x31: {  	[smem:$0x3F98] =	sst s10  }
0x32: {  	s10 =	sld [smem:$0x3F96];
	_ =	sdelay $0x3  }
0x33: {  	p0 =	seq.s32 s10, $0x1;
	s10 =	sld [smem:$0x3F98];
	_ =	sdelay $0x3  }
0x34: {  	[smem:$0x3F98] =	sst s10  }
0x35: {  	s10 =	sld [smem:$0x3F97];
	_ =	sdelay $0x3  }
0x36: {  	p1 =	seq.s32 s10, $0x1;
	s10 =	sld [smem:$0x3F98];
	_ =	sdelay $0x3  }
0x37: {  	[smem:$0x3F98] =	sst s10  }
0x38: {  	s10 =	sld [smem:$0x3F99]  }
0x39: {  	_ = 	snop;
	(pc) =	sbr.ind lr, $3  }
0x3a: {  	_ = 	snop  }
0x3b: {  	_ = 	snop  }
0x3c: {  	p2 =	seq.s32 s10, $0x1;
	s10 =	sld [smem:$0x3F98]  }
0x3d: {  	_ =	shalt  }
0x3e: {  	_ =	shalt  }
0x3f: {  	_ =	shalt  }
0x40: {  	_ =	shalt  }
0x41: {  	_ =	shalt  }
0x42: {  	_ =	shalt  }
0x43: {  	_ =	shalt  }
0x44: {  	_ =	shalt  }
0x45: {  	_ =	shalt  }
0x46: {  	_ =	shalt  }
0x47: {  	_ =	shalt  }
0x48: {  	_ =	shalt  }
0x49: {  	_ =	shalt  }
0x4a: {  	_ =	shalt  }
0x4b: {  	_ =	shalt  }
0x4c: {  	_ =	shalt  }
0x4d: {  	_ =	shalt  }
0x4e: {  	_ =	shalt  }
0x4f: {  	_ =	shalt  }
0x50: {  	_ =	shalt  }
0x51: {  	_ =	shalt  }
0x52: {  	_ =	shalt  }
0x53: {  	_ =	shalt  }
0x54: {  	_ =	shalt  }
0x55: {  	_ =	shalt  }
0x56: {  	_ =	shalt  }
0x57: {  	_ =	shalt  }
0x58: {  	_ =	shalt  }
0x59: {  	_ =	shalt  }
0x5a: {  	_ =	shalt  }
0x5b: {  	_ =	shalt  }
0x5c: {  	_ =	shalt  }
0x5d: {  	_ =	shalt  }
0x5e: {  	_ =	shalt  }
0x5f: {  	_ =	shalt  }
0x60: {  	_ =	shalt  }
0x61: {  	_ =	shalt  }
0x62: {  	_ =	shalt  }
0x63: {  	_ =	shalt  }
0x64: {  	_ =	shalt  }
0x65: {  	_ =	shalt  }
0x66: {  	_ =	shalt  }
0x67: {  	_ =	shalt  }
0x68: {  	_ =	shalt  }
0x69: {  	_ =	shalt  }
0x6a: {  	_ =	shalt  }
0x6b: {  	_ =	shalt  }
0x6c: {  	_ =	shalt  }
0x6d: {  	_ =	shalt  }
0x6e: {  	_ =	shalt  }
0x6f: {  	_ =	shalt  }
0x70: {  	_ =	shalt  }
0x71: {  	_ =	shalt  }
0x72: {  	_ =	shalt  }
0x73: {  	_ =	shalt  }
0x74: {  	_ =	shalt  }
0x75: {  	_ =	shalt  }
0x76: {  	_ =	shalt  }
0x77: {  	_ =	shalt  }
0x78: {  	_ =	shalt  }
0x79: {  	_ =	shalt  }
0x7a: {  	_ =	shalt  }
0x7b: {  	_ =	shalt  }
0x7c: {  	_ =	shalt  }
0x7d: {  	_ =	shalt  }
0x7e: {  	_ =	shalt  }
0x7f: {  	_ =	shalt  }
0x80: {  	_ =	shalt  }
0x81: {  	_ =	shalt  }
0x82: {  	_ =	shalt  }
0x83: {  	_ =	shalt  }
0x84: {  	_ =	shalt  }
0x85: {  	_ =	shalt  }
0x86: {  	_ =	shalt  }
0x87: {  	_ =	shalt  }
.Lfunc_end0:
.L_simem_size_0:
called_computation_lowered:
.L_overlay_start_0:
0x88: {  	s2 =	sld [smem:$0x3FD9]  }
0x89: {  	s3 =	sld [smem:$0x3FFE];
	_ =	sdelay $0x1  }
0x8a: {  	s1 =	srdreg.scid  }
0x8b: {  	s0 =	sand.u32 $0x1, s1  }
0x8c: {  	s14 =	sshll.u32 s0, $0xA;
	s2 =	sadd.s32 s3, s2  }
0x8d: {  	s2 =	sadd.s32 s2, s14  }
0x8e: {  	[smem:$0x3FA4] =	sst s2  }
0x8f: {  	_ = 	snop  }
0x90: {  	s2 =	sld [smem:$0x3FD0];
	_ =	sdelay $0x2  }
0x91: {  	s15 =	simm.s32 $0xA;
	s4 =	simm.s32 $0x10  }
0x92: {  	[smem:s4], [sflag:s15] =	dma.local [hbm:s2], $0x1  }
0x93: {  	_ =	swait.eq [sflag:s15], $0x1  }
0x94: {  	[sflag:s15] =	ssyncset.done $0x0  }
0x95: {  	[sflag:s15] =	ssyncadd.s32 $0xFFFFFFFF  }
0x96: {  	s16 =	sld [smem:$0x13];
	(tm) =	ssettm $0x1  }
0x97: {  	s17 =	sld [smem:$0x3FFB];
	_ =	sdelay $0x3  }
0x98: {  	_ =	strace s17  }
0x99: {  	s3 =	sld [smem:$0x3FFC];
	_ =	sdelay $0x3  }
0x9a: {  	_ =	strace s3  }
0x9b: {  	s3 =	sld [smem:$0x3FFD];
	_ =	sdelay $0x3  }
0x9c: {  	_ =	strace s3  }
0x9d: {  	_ =	strace $0x8FFFFFFF  }
0x9e: {  	s18 =	sld [smem:$0x3FDB];
	_ =	sdelay $0x1  }
0x9f: {  	s19 =	simm.s32 $_scs_section_size  }
0xa0: {  	s5 =	simm.s32 $_size__tile_overlayer_lowered;
	s6 =	simm.s32 $_tile_overlayer_lowered  }
0xa1: {  	s22 =	simm.s32 $0x1BFF;
	s21 =	sshll.u32 s6, $0x1;
	s3 =	sadd.s32 s19, s18  }
0xa2: {  	s7 =	simm.s32 $0x0;
	s20 =	sshll.u32 s5, $0x1;
	s5 =	sadd.s32 s21, s3  }
0xa3: {  	[timem:s7], [sflag:s22] =	dma.local [hbm:s5], s20  }
0xa4: {  	_ =	swait.ge [sflag:s22], s20  }
0xa5: {  	s4 =	ssub.s32 $0x0, s20;
	[sflag:s22] =	ssyncset.done $0x0  }
0xa6: {  	[sflag:s22] =	ssyncadd.s32 s4;
	_ =	sdelay $0x1  }
0xa7: {  	s23 =	simm.s32 $0x1B8B  }
0xa8: {  	_ =	swait.ge [sflag:s23], $0x1  }
0xa9: {  	[sflag:s23] =	ssyncset.done $0x0  }
0xaa: {  	s25 =	simm.s32 $0x1B8E;
	s24 =	sld [smem:$0x3FFE];
	[sflag:s23] =	ssyncadd.s32 $0xFFFFFFFF  }
0xab: {  	s26 =	simm.s32 $execute0_lowered;
	[smem:$0x3FD2] =	sst s25  }
0xac: {  	s5 =	sshll.u32 s26, $0x1;
	_ =	strace $0x80000046;
	[dreg:$0x1] =	wrdreg $0xFFFFFFFF  }
0xad: {  	s28 =	simm.s32 $_size_execute0_lowered;
	s3 =	sadd.s32 s3, s5;
	[dreg:$0x0] =	wrdreg $0x0  }
0xae: {  	s5 =	sshll.u32 s28, $0x1;
	[dreg:$0x2] =	wrdreg s3  }
0xaf: {  	[dreg:$0x3] =	wrdreg s5  }
0xb0: {  	[dreg:$0x4] =	wrdreg $0xC0  }
0xb1: {  	_ =	task [dreg:s7], $0x5FFFF  }
0xb2: {  	[dreg:$0x1] =	wrdreg $0xFFFFFFFF  }
0xb3: {  	[dreg:$0x0] =	wrdreg $0x60  }
0xb4: {  	[dreg:$0x2] =	wrdreg s24  }
0xb5: {  	[dreg:$0x3] =	wrdreg s16  }
0xb6: {  	[dreg:$0x4] =	wrdreg $0x9  }
0xb7: {  	_ =	task.clear_ibuf [dreg:s7], $0x5FFFF;
	_ =	strace $0x90000046  }
0xb8: {  	s29 =	simm.s32 $0x9;
	_ =	strace $0x80000048  }
0xb9: {  	_ =	swait.ge [sflag:s29], $0x1  }
0xba: {  	[sflag:s29] =	ssyncadd.s32 $0xFFFFFFFF  }
0xbb: {  	_ =	strace $0x90000048  }
0xbc: {  	_ =	sfence  }
0xbd: {  	s30 =	sld [smem:$0x0];
	_ =	sdelay $0x2  }
0xbe: {  	s31 =	sshll.u32 s1, $0xD;
	s1 =	sshrl.u32 s1, $0x2  }
0xbf: {  	s3 =	sand.u32 $0x4000, s31;
	s1 =	sadd.s32 s1, s30  }
0xc0: {  	s0 =	sor.u32 s3, s0;
	s1 =	sshll.u32 s1, $0x11  }
0xc1: {  	s0 =	sor.u32 s1, s0  }
0xc2: {  	s0 =	sadd.s32 $0x8F2B, s0  }
0xc3: {  	[sflag:s0] =	ssyncadd.remote.s32 $0x1  }
0xc4: {  	_ =	sfence.sel $0xFFFF  }
0xc5: {  	[dreg:$0x0] =	wrdreg $0xFFFFFFFF;
	(pc) =	sbr.abs _section_cstart, $3  }
0xc6: {  	[dreg:$0x1] =	wrdreg $0xFFFFFFFF  }
0xc7: {  	_ =	task.clear_ibuf [dreg:s7], $0x2FFFF;
	_ =	strace $0x9FFFFFFF  }
0xc8: {  	(tm) =	ssettm $0x7FFFFFFF  }
0xc9: {  	_ =	shalt  }
tec
execute0_lowered:
.L_overlay_start_1:
0x0: {  	(tag) =	ssettag $0x1  }
0x1: {  	s0 =	srdreg.scid  }
0x2: {  	s2 =	stileid.u32;
	s1 =	rddreg [dreg:$0x0]  }
0x3: {  	s4 =	rddreg [dreg:$0x1];
	s28 =	simm.s32 $0x5400;
	s29 =	simm.s32 $0x5C00  }
0x4: {  	s30 =	simm.s32 $0x6400;
	s0 =	sand.u32 $0x1, s0;
	s2 =	sshll.u32 s2, $0x1  }
0x5: {  	s31 =	simm.s32 $0x6C00;
	s5 =	sor.u32 s0, s2;
	s2 =	simm.s32 $0x0  }
0x6: {  	s0 =	ssub.s32 $0x2, s0;
	s6 =	sor.u32 $0x20, s5;
	s3 =	sshll.u32 s5, $0x7  }
0x7: {  	[smem:$0x7FF] =	sst s2;
	s24 =	sshll.u32 s5, $0x4;
	s26 =	sor.u32 $0x40, s5  }
0x8: {  	s10 =	sor.u32 $0x60, s5;
	s12 =	sor.u32 $0x80, s5;
	s19 =	sor.u32 $0xA0, s5  }
0x9: {  	s21 =	sor.u32 $0xC0, s5;
	s7 =	sshll.u32 s6, $0x7;
	s8 =	sand.u32 $0x380, s3  }
0xa: {  	_ =	strace $0x80000047;
	s3 =	sadd.s32 $0x45200, s1;
	s15 =	sshll.u32 s26, $0x7  }
0xb: {  	s11 =	sshll.u32 s10, $0x7;
	s13 =	sshll.u32 s12, $0x7;
	s20 =	sshll.u32 s19, $0x7  }
0xc: {  	s14 =	sshll.u32 s21, $0x7;
	s26 =	sshll.u32 s26, $0xC;
	s23 =	sand.u32 $0x1C00, s7  }
0xd: {  	s7 =	sadd.s32 s4, s24;
	s11 =	sand.u32 $0x3C00, s11;
	s13 =	sand.u32 $0x4C00, s13  }
0xe: {  	s14 =	sand.u32 $0x6C00, s14;
	s24 =	sshll.u32 s6, $0xC;
	s6 =	sadd.s32 s3, s26  }
0xf: {  	s26 =	simm.s32 $0x380;
	s9 =	sor.u32 s8, s23;
	[dreg:$0x3] =	wrdreg s7  }
0x10: {  	s7 =	sand.u32 $0x2C00, s15;
	s11 =	sor.u32 s8, s11;
	s13 =	sor.u32 s8, s13  }
0x11: {  	s15 =	sor.u32 $0xE0, s5;
	s14 =	sor.u32 s8, s14;
	[dreg:$0xd] =	wrdreg s6  }
0x12: {  	s5 =	sshll.u32 s5, $0xC;
	[dreg:$0x19] =	wrdreg s26;
	s26 =	simm.s32 $0x3  }
0x13: {  	s6 =	simm.s32 $0x10400;
	s9 =	sshrl.u32 s9, $0x3;
	s7 =	sor.u32 s8, s7  }
0x14: {  	s11 =	sshrl.u32 s11, $0x3;
	s17 =	sshrl.u32 s13, $0x3;
	s14 =	sshrl.u32 s14, $0x3  }
0x15: {  	s23 =	sadd.s32 s3, s5;
	s5 =	simm.s32 $0x4;
	s13 =	simm.s32 $0x1  }
0x16: {  	s25 =	sadd.s32 s4, s9;
	s7 =	sshrl.u32 s7, $0x3;
	s16 =	sadd.s32 s4, s11  }
0x17: {  	s18 =	sadd.s32 s4, s17;
	s22 =	sadd.s32 s4, s14;
	[dreg:$0xb] =	wrdreg s23  }
0x18: {  	s9 =	sshll.u32 s12, $0xC;
	s12 =	sshll.u32 s19, $0xC;
	[dreg:$0x4] =	wrdreg s25  }
0x19: {  	s19 =	simm.s32 $0x80;
	s23 =	simm.s32 $0x280;
	[dreg:$0x6] =	wrdreg s16  }
0x1a: {  	s11 =	simm.s32 $0x12C00;
	s7 =	sadd.s32 s4, s7;
	[dreg:$0x7] =	wrdreg s18  }
0x1b: {  	s16 =	sshll.u32 s15, $0x7;
	[dreg:$0x9] =	wrdreg s22;
	s25 =	sadd.s32 s3, s24  }
0x1c: {  	s14 =	sadd.s32 s3, s12;
	s18 =	sshll.u32 s15, $0xC;
	[dreg:$0x13] =	wrdreg s19  }
0x1d: {  	s22 =	simm.s32 $0x200;
	s24 =	sshrl.u32 s0, $0x1;
	[dreg:$0x17] =	wrdreg s23  }
0x1e: {  	s12 =	simm.s32 $0x13400;
	s15 =	simm.s32 $0x14400;
	[dreg:$0x5] =	wrdreg s7  }
0x1f: {  	s19 =	simm.s32 $0x15400;
	s23 =	simm.s32 $0x16C00;
	[dreg:$0xc] =	wrdreg s25  }
0x20: {  	s7 =	sand.u32 $0x5C00, s20;
	s16 =	sand.u32 $0x7C00, s16;
	[dreg:$0x10] =	wrdreg s14  }
0x21: {  	s20 =	simm.s32 $0x100;
	[dreg:$0x16] =	wrdreg s22;
	s25 =	simm.s32 $0x300  }
0x22: {  	s0 =	ssub.s32 s0, s24;
	s14 =	simm.s32 $0x2;
	s22 =	simm.s32 $0x400  }
0x23: {  	s24 =	simm.s32 $0x17400;
	s7 =	sor.u32 s8, s7;
	s8 =	sor.u32 s8, s16  }
0x24: {  	s16 =	sshll.u32 s21, $0xC;
	[dreg:$0x14] =	wrdreg s20;
	s21 =	simm.s32 $0x180  }
0x25: {  	[dreg:$0x18] =	wrdreg s25;
	s20 =	simm.s32 $0x15C00;
	s25 =	simm.s32 $0x17C00  }
0x26: {  	s7 =	sshrl.u32 s7, $0x3;
	s17 =	sadd.s32 s3, s16;
	[dreg:$0x15] =	wrdreg s21  }
0x27: {  	s8 =	sshrl.u32 s8, $0x3;
	s7 =	sadd.s32 s4, s7;
	[dreg:$0x11] =	wrdreg s17  }
0x28: {  	s21 =	simm.s32 $0x16400;
	s4 =	sadd.s32 s4, s8;
	[dreg:$0x8] =	wrdreg s7  }
0x29: {  	[dreg:$0xa] =	wrdreg s4;
	s7 =	sshll.u32 s10, $0xC;
	s10 =	sadd.s32 s3, s9  }
0x2a: {  	s4 =	smax.u32 s0, $0x1;
	s9 =	simm.s32 $0x11C00;
	s8 =	sadd.s32 s3, s7  }
0x2b: {  	v2 =	vlaneseq.u32;
	[dreg:$0xf] =	wrdreg s10;
	s3 =	sadd.s32 s3, s18;
	s7 =	simm.s32 $0x10C00  }
0x2c: {  	vm0 =	vmmov $0xffff;
	v1 =	vshrl.u32 v2, $0x3;
	s10 =	simm.s32 $0x12400;
	s18 =	simm.s32 $0x14C00;
	[dreg:$0xe] =	wrdreg s8  }
0x2d: {  	v0 =	vand.u32 $0x7, v2;
	v2 =	vor.u32 $0x8, v2;
	v1 =	vmul.u32 $0x8, v1;
	[dreg:$0x12] =	wrdreg s3;
	s3 =	sadd.s32 $0x5000, s1;
	s8 =	simm.s32 $0x11400  }
.LBB2_1:
0x2e: {  	s16 =	rddreg [dreg:$0x3]  }
0x2f: {  	[tilespmem:s2], [sflag:$0x4] =	stream.linear.gather [hbm4b:s16+s2], $0x80, $0x38;
	[tilespmem:$0x18400] =	vst v63  }
0x30: {  	_ =	swait.ge [sflag:s5], $0x80  }
0x31: {  	s1 =	rddreg [dreg:$0x4];
	[sflag:s5] =	ssyncset.done $0x0  }
0x32: {  	s17 =	rddreg [dreg:$0x13];
	[sflag:s5] =	ssyncadd.s32 $0xFFFFFF80  }
0x33: {  	[tilespmem:s17], [sflag:$0x4] =	stream.linear.gather [hbm4b:s1+s2], $0x80, $0x38;
	[tilespmem:$0x18400] =	vst v63  }
0x34: {  	_ =	swait.ge [sflag:s5], $0x80  }
0x35: {  	s0 =	rddreg [dreg:$0x5];
	[sflag:s5] =	ssyncset.done $0x0  }
0x36: {  	s1 =	rddreg [dreg:$0x14];
	[sflag:s5] =	ssyncadd.s32 $0xFFFFFF80  }
0x37: {  	[tilespmem:s1], [sflag:$0x4] =	stream.linear.gather [hbm4b:s0+s2], $0x80, $0x38;
	[tilespmem:$0x18400] =	vst v63  }
0x38: {  	_ =	swait.ge [sflag:s5], $0x80  }
0x39: {  	s0 =	rddreg [dreg:$0x6];
	[sflag:s5] =	ssyncset.done $0x0  }
0x3a: {  	s1 =	rddreg [dreg:$0x15];
	[sflag:s5] =	ssyncadd.s32 $0xFFFFFF80  }
0x3b: {  	[tilespmem:s1], [sflag:$0x4] =	stream.linear.gather [hbm4b:s0+s2], $0x80, $0x38;
	[tilespmem:$0x18400] =	vst v63  }
0x3c: {  	_ =	swait.ge [sflag:s5], $0x80  }
0x3d: {  	s0 =	rddreg [dreg:$0x7];
	[sflag:s5] =	ssyncset.done $0x0  }
0x3e: {  	s1 =	rddreg [dreg:$0x16];
	[sflag:s5] =	ssyncadd.s32 $0xFFFFFF80  }
0x3f: {  	[tilespmem:s1], [sflag:$0x4] =	stream.linear.gather [hbm4b:s0+s2], $0x80, $0x38;
	[tilespmem:$0x18400] =	vst v63  }
0x40: {  	_ =	swait.ge [sflag:s5], $0x80  }
0x41: {  	s0 =	rddreg [dreg:$0x8];
	[sflag:s5] =	ssyncset.done $0x0  }
0x42: {  	s1 =	rddreg [dreg:$0x17];
	[sflag:s5] =	ssyncadd.s32 $0xFFFFFF80  }
0x43: {  	[tilespmem:s1], [sflag:$0x4] =	stream.linear.gather [hbm4b:s0+s2], $0x80, $0x38;
	[tilespmem:$0x18400] =	vst v63  }
0x44: {  	_ =	swait.ge [sflag:s5], $0x80  }
0x45: {  	s0 =	rddreg [dreg:$0x9];
	[sflag:s5] =	ssyncset.done $0x0  }
0x46: {  	s1 =	rddreg [dreg:$0x18];
	[sflag:s5] =	ssyncadd.s32 $0xFFFFFF80  }
0x47: {  	[tilespmem:s1], [sflag:$0x4] =	stream.linear.gather [hbm4b:s0+s2], $0x80, $0x38;
	[tilespmem:$0x18400] =	vst v63  }
0x48: {  	_ =	swait.ge [sflag:s5], $0x80  }
0x49: {  	s17 =	rddreg [dreg:$0xa];
	[sflag:s5] =	ssyncset.done $0x0  }
0x4a: {  	s0 =	rddreg [dreg:$0x19];
	[sflag:s5] =	ssyncadd.s32 $0xFFFFFF80  }
0x4b: {  	[tilespmem:s0], [sflag:$0x4] =	stream.linear.gather [hbm4b:s17+s2], $0x80, $0x38;
	[tilespmem:$0x18400] =	vst v63  }
0x4c: {  	_ =	swait.ge [sflag:s5], $0x80  }
0x4d: {  	[sflag:s5] =	ssyncset.done $0x0  }
0x4e: {  	[sflag:s5] =	ssyncadd.s32 $0xFFFFFF80  }
0x4f: {  	v3 =	vld [tilespmem:$0x0];
	_ =	sdelay $0x4  }
0x50: {  	v4 =	vshll.u32 v3, $0x1  }
0x51: {  	v3 =	vand.u32 $0x7, v3;
	v4 =	vand.u32 $0xFFFFFFF0, v4  }
0x52: {  	v3 =	vor.u32 v3, v4  }
0x53: {  	v4 =	vperm.xlane v3, v0;
	_ =	sdelay $0x1  }
0x54: {  	v3 =	vperm.xlane v3, v2;
	v4 =	vadd.s32 v1, v4;
	_ =	sdelay $0x1  }
0x55: {  	v3 =	vadd.s32 v1, v3;
	_ =	sdelay $0x2  }
0x56: {  	[tilespmem:s22], [sflag:$0x1] =	stream.indirect_vreg.gather [hbm4b:s3+s2], $0x80, v4, vm0, $0xb8;
	[tilespmem:$0x18400] =	vst v63  }
0x57: {  	s17 =	simm.s32 $0xC00  }
0x58: {  	[tilespmem:s17], [sflag:$0x1] =	stream.indirect_vreg.gather [hbm4b:s3+s2], $0x80, v3, vm0, $0xb8;
	[tilespmem:$0x18400] =	vst v63  }
0x59: {  	v3 =	vld [tilespmem:$0x10];
	_ =	sdelay $0x4  }
0x5a: {  	v57 =	vshll.u32 v3, $0x1  }
0x5b: {  	v3 =	vand.u32 $0x7, v3;
	v4 =	vand.u32 $0xFFFFFFF0, v57  }
0x5c: {  	v3 =	vor.u32 v3, v4  }
0x5d: {  	v4 =	vperm.xlane v3, v0;
	_ =	sdelay $0x1  }
0x5e: {  	v3 =	vperm.xlane v3, v2;
	v4 =	vadd.s32 v1, v4;
	_ =	sdelay $0x1  }
0x5f: {  	v3 =	vadd.s32 v1, v3;
	_ =	sdelay $0x1  }
0x60: {  	s0 =	simm.s32 $0x1400  }
0x61: {  	[tilespmem:s0], [sflag:$0x1] =	stream.indirect_vreg.gather [hbm4b:s3+s2], $0x80, v4, vm0, $0xb8;
	[tilespmem:$0x18400] =	vst v63  }
0x62: {  	s1 =	simm.s32 $0x1C00  }
0x63: {  	[tilespmem:s1], [sflag:$0x1] =	stream.indirect_vreg.gather [hbm4b:s3+s2], $0x80, v3, vm0, $0xb8;
	[tilespmem:$0x18400] =	vst v63  }
0x64: {  	v3 =	vld [tilespmem:$0x20];
	_ =	sdelay $0x4  }
0x65: {  	v58 =	vshll.u32 v3, $0x1  }
0x66: {  	v3 =	vand.u32 $0x7, v3;
	v4 =	vand.u32 $0xFFFFFFF0, v58  }
0x67: {  	v3 =	vor.u32 v3, v4  }
0x68: {  	v4 =	vperm.xlane v3, v0;
	_ =	sdelay $0x1  }
0x69: {  	v3 =	vperm.xlane v3, v2;
	v4 =	vadd.s32 v1, v4;
	_ =	sdelay $0x1  }
0x6a: {  	v3 =	vadd.s32 v1, v3;
	_ =	sdelay $0x1  }
0x6b: {  	s16 =	simm.s32 $0x2400  }
0x6c: {  	[tilespmem:s16], [sflag:$0x1] =	stream.indirect_vreg.gather [hbm4b:s3+s2], $0x80, v4, vm0, $0xb8;
	[tilespmem:$0x18400] =	vst v63  }
0x6d: {  	s1 =	simm.s32 $0x2C00  }
0x6e: {  	[tilespmem:s1], [sflag:$0x1] =	stream.indirect_vreg.gather [hbm4b:s3+s2], $0x80, v3, vm0, $0xb8;
	[tilespmem:$0x18400] =	vst v63  }
0x6f: {  	v3 =	vld [tilespmem:$0x30];
	_ =	sdelay $0x4  }
0x70: {  	v59 =	vshll.u32 v3, $0x1  }
0x71: {  	v3 =	vand.u32 $0x7, v3;
	v4 =	vand.u32 $0xFFFFFFF0, v59  }
0x72: {  	v3 =	vor.u32 v3, v4  }
0x73: {  	v4 =	vperm.xlane v3, v0;
	_ =	sdelay $0x1  }
0x74: {  	v3 =	vperm.xlane v3, v2;
	v4 =	vadd.s32 v1, v4;
	_ =	sdelay $0x1  }
0x75: {  	v3 =	vadd.s32 v1, v3;
	_ =	sdelay $0x1  }
0x76: {  	s16 =	simm.s32 $0x3400  }
0x77: {  	[tilespmem:s16], [sflag:$0x1] =	stream.indirect_vreg.gather [hbm4b:s3+s2], $0x80, v4, vm0, $0xb8;
	[tilespmem:$0x18400] =	vst v63  }
0x78: {  	s1 =	simm.s32 $0x3C00  }
0x79: {  	[tilespmem:s1], [sflag:$0x1] =	stream.indirect_vreg.gather [hbm4b:s3+s2], $0x80, v3, vm0, $0xb8;
	[tilespmem:$0x18400] =	vst v63  }
0x7a: {  	v3 =	vld [tilespmem:$0x40];
	_ =	sdelay $0x4  }
0x7b: {  	v60 =	vshll.u32 v3, $0x1  }
0x7c: {  	v3 =	vand.u32 $0x7, v3;
	v4 =	vand.u32 $0xFFFFFFF0, v60  }
0x7d: {  	v3 =	vor.u32 v3, v4  }
0x7e: {  	v4 =	vperm.xlane v3, v0;
	_ =	sdelay $0x1  }
0x7f: {  	v3 =	vperm.xlane v3, v2;
	v4 =	vadd.s32 v1, v4;
	_ =	sdelay $0x1  }
0x80: {  	v3 =	vadd.s32 v1, v3;
	_ =	sdelay $0x1  }
0x81: {  	s16 =	simm.s32 $0x4400  }
0x82: {  	[tilespmem:s16], [sflag:$0x1] =	stream.indirect_vreg.gather [hbm4b:s3+s2], $0x80, v4, vm0, $0xb8;
	[tilespmem:$0x18400] =	vst v63  }
0x83: {  	s1 =	simm.s32 $0x4C00  }
0x84: {  	[tilespmem:s1], [sflag:$0x1] =	stream.indirect_vreg.gather [hbm4b:s3+s2], $0x80, v3, vm0, $0xb8;
	[tilespmem:$0x18400] =	vst v63  }
0x85: {  	v3 =	vld [tilespmem:$0x50];
	_ =	sdelay $0x4  }
0x86: {  	v61 =	vshll.u32 v3, $0x1  }
0x87: {  	v3 =	vand.u32 $0x7, v3;
	v4 =	vand.u32 $0xFFFFFFF0, v61  }
0x88: {  	v3 =	vor.u32 v3, v4  }
0x89: {  	v4 =	vperm.xlane v3, v0;
	_ =	sdelay $0x1  }
0x8a: {  	v3 =	vperm.xlane v3, v2;
	v4 =	vadd.s32 v1, v4;
	_ =	sdelay $0x1  }
0x8b: {  	v3 =	vadd.s32 v1, v3;
	_ =	sdelay $0x2  }
0x8c: {  	[tilespmem:s28], [sflag:$0x1] =	stream.indirect_vreg.gather [hbm4b:s3+s2], $0x80, v4, vm0, $0xb8;
	[tilespmem:$0x18400] =	vst v63  }
0x8d: {  	_ = 	snop  }
0x8e: {  	[tilespmem:s29], [sflag:$0x1] =	stream.indirect_vreg.gather [hbm4b:s3+s2], $0x80, v3, vm0, $0xb8;
	[tilespmem:$0x18400] =	vst v63  }
0x8f: {  	v3 =	vld [tilespmem:$0x60];
	_ =	sdelay $0x4  }
0x90: {  	v62 =	vshll.u32 v3, $0x1  }
0x91: {  	v3 =	vand.u32 $0x7, v3;
	v4 =	vand.u32 $0xFFFFFFF0, v62  }
0x92: {  	v3 =	vor.u32 v3, v4  }
0x93: {  	v4 =	vperm.xlane v3, v0;
	_ =	sdelay $0x1  }
0x94: {  	v3 =	vperm.xlane v3, v2;
	v4 =	vadd.s32 v1, v4;
	_ =	sdelay $0x1  }
0x95: {  	v3 =	vadd.s32 v1, v3;
	_ =	sdelay $0x2  }
0x96: {  	[tilespmem:s30], [sflag:$0x1] =	stream.indirect_vreg.gather [hbm4b:s3+s2], $0x80, v4, vm0, $0xb8;
	[tilespmem:$0x18400] =	vst v63  }
0x97: {  	_ = 	snop  }
0x98: {  	[tilespmem:s31], [sflag:$0x1] =	stream.indirect_vreg.gather [hbm4b:s3+s2], $0x80, v3, vm0, $0xb8;
	[tilespmem:$0x18400] =	vst v63  }
0x99: {  	v3 =	vld [tilespmem:$0x70];
	_ =	sdelay $0x4  }
0x9a: {  	v63 =	vshll.u32 v3, $0x1  }
0x9b: {  	v3 =	vand.u32 $0x7, v3;
	v4 =	vand.u32 $0xFFFFFFF0, v63  }
0x9c: {  	v3 =	vor.u32 v3, v4  }
0x9d: {  	v4 =	vperm.xlane v3, v0;
	_ =	sdelay $0x1  }
0x9e: {  	v3 =	vperm.xlane v3, v2;
	v4 =	vadd.s32 v1, v4;
	_ =	sdelay $0x1  }
0x9f: {  	v3 =	vadd.s32 v1, v3;
	_ =	sdelay $0x1  }
0xa0: {  	s16 =	simm.s32 $0x7400  }
0xa1: {  	[tilespmem:s16], [sflag:$0x1] =	stream.indirect_vreg.gather [hbm4b:s3+s2], $0x80, v4, vm0, $0xb8;
	[tilespmem:$0x18400] =	vst v63  }
0xa2: {  	s1 =	simm.s32 $0x7C00  }
0xa3: {  	[tilespmem:s1], [sflag:$0x1] =	stream.indirect_vreg.gather [hbm4b:s3+s2], $0x80, v3, vm0, $0xb8;
	[tilespmem:$0x18400] =	vst v63  }
0xa4: {  	v3 =	vld [tilespmem:$0x80];
	_ =	sdelay $0x4  }
0xa5: {  	v8 =	vshll.u32 v3, $0x1  }
0xa6: {  	v3 =	vand.u32 $0x7, v3;
	v4 =	vand.u32 $0xFFFFFFF0, v8  }
0xa7: {  	v3 =	vor.u32 v3, v4  }
0xa8: {  	v4 =	vperm.xlane v3, v0;
	_ =	sdelay $0x1  }
0xa9: {  	v3 =	vperm.xlane v3, v2;
	v4 =	vadd.s32 v1, v4;
	_ =	sdelay $0x1  }
0xaa: {  	v3 =	vadd.s32 v1, v3;
	_ =	sdelay $0x1  }
0xab: {  	s0 =	simm.s32 $0x8400  }
0xac: {  	[tilespmem:s0], [sflag:$0x2] =	stream.indirect_vreg.gather [hbm4b:s3+s2], $0x80, v4, vm0, $0xb8;
	[tilespmem:$0x18400] =	vst v63  }
0xad: {  	s1 =	simm.s32 $0x8C00  }
0xae: {  	[tilespmem:s1], [sflag:$0x2] =	stream.indirect_vreg.gather [hbm4b:s3+s2], $0x80, v3, vm0, $0xb8;
	[tilespmem:$0x18400] =	vst v63  }
0xaf: {  	v3 =	vld [tilespmem:$0x90];
	_ =	sdelay $0x4  }
0xb0: {  	v9 =	vshll.u32 v3, $0x1  }
0xb1: {  	v3 =	vand.u32 $0x7, v3;
	v4 =	vand.u32 $0xFFFFFFF0, v9  }
0xb2: {  	v3 =	vor.u32 v3, v4  }
0xb3: {  	v4 =	vperm.xlane v3, v0;
	_ =	sdelay $0x1  }
0xb4: {  	v3 =	vperm.xlane v3, v2;
	v4 =	vadd.s32 v1, v4;
	_ =	sdelay $0x1  }
0xb5: {  	v3 =	vadd.s32 v1, v3;
	_ =	sdelay $0x1  }
0xb6: {  	s16 =	simm.s32 $0x9400  }
0xb7: {  	[tilespmem:s16], [sflag:$0x2] =	stream.indirect_vreg.gather [hbm4b:s3+s2], $0x80, v4, vm0, $0xb8;
	[tilespmem:$0x18400] =	vst v63  }
0xb8: {  	s16 =	simm.s32 $0x9C00  }
0xb9: {  	[tilespmem:s16], [sflag:$0x2] =	stream.indirect_vreg.gather [hbm4b:s3+s2], $0x80, v3, vm0, $0xb8;
	[tilespmem:$0x18400] =	vst v63  }
0xba: {  	v3 =	vld [tilespmem:$0xA0];
	_ =	sdelay $0x4  }
0xbb: {  	v10 =	vshll.u32 v3, $0x1  }
0xbc: {  	v3 =	vand.u32 $0x7, v3;
	v4 =	vand.u32 $0xFFFFFFF0, v10  }
0xbd: {  	v3 =	vor.u32 v3, v4  }
0xbe: {  	v4 =	vperm.xlane v3, v0;
	_ =	sdelay $0x1  }
0xbf: {  	v3 =	vperm.xlane v3, v2;
	v4 =	vadd.s32 v1, v4;
	_ =	sdelay $0x1  }
0xc0: {  	v3 =	vadd.s32 v1, v3;
	_ =	sdelay $0x1  }
0xc1: {  	s16 =	simm.s32 $0xA400  }
0xc2: {  	[tilespmem:s16], [sflag:$0x2] =	stream.indirect_vreg.gather [hbm4b:s3+s2], $0x80, v4, vm0, $0xb8;
	[tilespmem:$0x18400] =	vst v63  }
0xc3: {  	s16 =	simm.s32 $0xAC00  }
0xc4: {  	[tilespmem:s16], [sflag:$0x2] =	stream.indirect_vreg.gather [hbm4b:s3+s2], $0x80, v3, vm0, $0xb8;
	[tilespmem:$0x18400] =	vst v63  }
0xc5: {  	v3 =	vld [tilespmem:$0xB0];
	_ =	sdelay $0x4  }
0xc6: {  	v11 =	vshll.u32 v3, $0x1  }
0xc7: {  	v3 =	vand.u32 $0x7, v3;
	v4 =	vand.u32 $0xFFFFFFF0, v11  }
0xc8: {  	v3 =	vor.u32 v3, v4  }
0xc9: {  	v4 =	vperm.xlane v3, v0;
	_ =	sdelay $0x1  }
0xca: {  	v3 =	vperm.xlane v3, v2;
	v4 =	vadd.s32 v1, v4;
	_ =	sdelay $0x1  }
0xcb: {  	v3 =	vadd.s32 v1, v3;
	_ =	sdelay $0x1  }
0xcc: {  	s16 =	simm.s32 $0xB400  }
0xcd: {  	[tilespmem:s16], [sflag:$0x2] =	stream.indirect_vreg.gather [hbm4b:s3+s2], $0x80, v4, vm0, $0xb8;
	[tilespmem:$0x18400] =	vst v63  }
0xce: {  	s16 =	simm.s32 $0xBC00  }
0xcf: {  	[tilespmem:s16], [sflag:$0x2] =	stream.indirect_vreg.gather [hbm4b:s3+s2], $0x80, v3, vm0, $0xb8;
	[tilespmem:$0x18400] =	vst v63  }
0xd0: {  	v3 =	vld [tilespmem:$0xC0];
	_ =	sdelay $0x4  }
0xd1: {  	v12 =	vshll.u32 v3, $0x1  }
0xd2: {  	v3 =	vand.u32 $0x7, v3;
	v4 =	vand.u32 $0xFFFFFFF0, v12  }
0xd3: {  	v3 =	vor.u32 v3, v4  }
0xd4: {  	v4 =	vperm.xlane v3, v0;
	_ =	sdelay $0x1  }
0xd5: {  	v3 =	vperm.xlane v3, v2;
	v4 =	vadd.s32 v1, v4;
	_ =	sdelay $0x1  }
0xd6: {  	v3 =	vadd.s32 v1, v3;
	_ =	sdelay $0x1  }
0xd7: {  	s16 =	simm.s32 $0xC400  }
0xd8: {  	[tilespmem:s16], [sflag:$0x2] =	stream.indirect_vreg.gather [hbm4b:s3+s2], $0x80, v4, vm0, $0xb8;
	[tilespmem:$0x18400] =	vst v63  }
0xd9: {  	s16 =	simm.s32 $0xCC00  }
0xda: {  	[tilespmem:s16], [sflag:$0x2] =	stream.indirect_vreg.gather [hbm4b:s3+s2], $0x80, v3, vm0, $0xb8;
	[tilespmem:$0x18400] =	vst v63  }
0xdb: {  	v3 =	vld [tilespmem:$0xD0];
	_ =	sdelay $0x4  }
0xdc: {  	v13 =	vshll.u32 v3, $0x1  }
0xdd: {  	v3 =	vand.u32 $0x7, v3;
	v4 =	vand.u32 $0xFFFFFFF0, v13  }
0xde: {  	v3 =	vor.u32 v3, v4  }
0xdf: {  	v4 =	vperm.xlane v3, v0;
	_ =	sdelay $0x1  }
0xe0: {  	v3 =	vperm.xlane v3, v2;
	v4 =	vadd.s32 v1, v4;
	_ =	sdelay $0x1  }
0xe1: {  	v3 =	vadd.s32 v1, v3;
	_ =	sdelay $0x1  }
0xe2: {  	s16 =	simm.s32 $0xD400  }
0xe3: {  	[tilespmem:s16], [sflag:$0x2] =	stream.indirect_vreg.gather [hbm4b:s3+s2], $0x80, v4, vm0, $0xb8;
	[tilespmem:$0x18400] =	vst v63  }
0xe4: {  	s16 =	simm.s32 $0xDC00  }
0xe5: {  	[tilespmem:s16], [sflag:$0x2] =	stream.indirect_vreg.gather [hbm4b:s3+s2], $0x80, v3, vm0, $0xb8;
	[tilespmem:$0x18400] =	vst v63  }
0xe6: {  	v3 =	vld [tilespmem:$0xE0];
	_ =	sdelay $0x4  }
0xe7: {  	v14 =	vshll.u32 v3, $0x1  }
0xe8: {  	v3 =	vand.u32 $0x7, v3;
	v4 =	vand.u32 $0xFFFFFFF0, v14  }
0xe9: {  	v3 =	vor.u32 v3, v4  }
0xea: {  	v4 =	vperm.xlane v3, v0;
	_ =	sdelay $0x1  }
0xeb: {  	v3 =	vperm.xlane v3, v2;
	v4 =	vadd.s32 v1, v4;
	_ =	sdelay $0x1  }
0xec: {  	v3 =	vadd.s32 v1, v3;
	_ =	sdelay $0x1  }
0xed: {  	s16 =	simm.s32 $0xE400  }
0xee: {  	[tilespmem:s16], [sflag:$0x2] =	stream.indirect_vreg.gather [hbm4b:s3+s2], $0x80, v4, vm0, $0xb8;
	[tilespmem:$0x18400] =	vst v63  }
0xef: {  	s16 =	simm.s32 $0xEC00  }
0xf0: {  	[tilespmem:s16], [sflag:$0x2] =	stream.indirect_vreg.gather [hbm4b:s3+s2], $0x80, v3, vm0, $0xb8;
	[tilespmem:$0x18400] =	vst v63  }
0xf1: {  	v3 =	vld [tilespmem:$0xF0];
	_ =	sdelay $0x4  }
0xf2: {  	v15 =	vshll.u32 v3, $0x1  }
0xf3: {  	v3 =	vand.u32 $0x7, v3;
	v4 =	vand.u32 $0xFFFFFFF0, v15  }
0xf4: {  	v3 =	vor.u32 v3, v4  }
0xf5: {  	v4 =	vperm.xlane v3, v0;
	_ =	sdelay $0x1  }
0xf6: {  	v3 =	vperm.xlane v3, v2;
	v4 =	vadd.s32 v1, v4;
	_ =	sdelay $0x1  }
0xf7: {  	v3 =	vadd.s32 v1, v3;
	_ =	sdelay $0x1  }
0xf8: {  	s16 =	simm.s32 $0xF400  }
0xf9: {  	[tilespmem:s16], [sflag:$0x2] =	stream.indirect_vreg.gather [hbm4b:s3+s2], $0x80, v4, vm0, $0xb8;
	[tilespmem:$0x18400] =	vst v63  }
0xfa: {  	s16 =	simm.s32 $0xFC00  }
0xfb: {  	[tilespmem:s16], [sflag:$0x2] =	stream.indirect_vreg.gather [hbm4b:s3+s2], $0x80, v3, vm0, $0xb8;
	[tilespmem:$0x18400] =	vst v63  }
0xfc: {  	v3 =	vld [tilespmem:$0x100];
	_ =	sdelay $0x4  }
0xfd: {  	v16 =	vshll.u32 v3, $0x1  }
0xfe: {  	v3 =	vand.u32 $0x7, v3;
	v4 =	vand.u32 $0xFFFFFFF0, v16  }
0xff: {  	v3 =	vor.u32 v3, v4  }
0x100: {  	v4 =	vperm.xlane v3, v0;
	_ =	sdelay $0x1  }
0x101: {  	v3 =	vperm.xlane v3, v2;
	v4 =	vadd.s32 v1, v4;
	_ =	sdelay $0x1  }
0x102: {  	v3 =	vadd.s32 v1, v3;
	_ =	sdelay $0x2  }
0x103: {  	[tilespmem:s6], [sflag:$0x3] =	stream.indirect_vreg.gather [hbm4b:s3+s2], $0x80, v4, vm0, $0xb8;
	[tilespmem:$0x18400] =	vst v63  }
0x104: {  	_ = 	snop  }
0x105: {  	[tilespmem:s7], [sflag:$0x3] =	stream.indirect_vreg.gather [hbm4b:s3+s2], $0x80, v3, vm0, $0xb8;
	[tilespmem:$0x18400] =	vst v63  }
0x106: {  	v3 =	vld [tilespmem:$0x110];
	_ =	sdelay $0x4  }
0x107: {  	v17 =	vshll.u32 v3, $0x1  }
0x108: {  	v3 =	vand.u32 $0x7, v3;
	v4 =	vand.u32 $0xFFFFFFF0, v17  }
0x109: {  	v3 =	vor.u32 v3, v4  }
0x10a: {  	v4 =	vperm.xlane v3, v0;
	_ =	sdelay $0x1  }
0x10b: {  	v3 =	vperm.xlane v3, v2;
	v4 =	vadd.s32 v1, v4;
	_ =	sdelay $0x1  }
0x10c: {  	v3 =	vadd.s32 v1, v3;
	_ =	sdelay $0x2  }
0x10d: {  	[tilespmem:s8], [sflag:$0x3] =	stream.indirect_vreg.gather [hbm4b:s3+s2], $0x80, v4, vm0, $0xb8;
	[tilespmem:$0x18400] =	vst v63  }
0x10e: {  	_ = 	snop  }
0x10f: {  	[tilespmem:s9], [sflag:$0x3] =	stream.indirect_vreg.gather [hbm4b:s3+s2], $0x80, v3, vm0, $0xb8;
	[tilespmem:$0x18400] =	vst v63  }
0x110: {  	v3 =	vld [tilespmem:$0x120];
	_ =	sdelay $0x4  }
0x111: {  	v18 =	vshll.u32 v3, $0x1  }
0x112: {  	v3 =	vand.u32 $0x7, v3;
	v4 =	vand.u32 $0xFFFFFFF0, v18  }
0x113: {  	v3 =	vor.u32 v3, v4  }
0x114: {  	v4 =	vperm.xlane v3, v0;
	_ =	sdelay $0x1  }
0x115: {  	v3 =	vperm.xlane v3, v2;
	v4 =	vadd.s32 v1, v4;
	_ =	sdelay $0x1  }
0x116: {  	v3 =	vadd.s32 v1, v3;
	_ =	sdelay $0x2  }
0x117: {  	[tilespmem:s10], [sflag:$0x3] =	stream.indirect_vreg.gather [hbm4b:s3+s2], $0x80, v4, vm0, $0xb8;
	[tilespmem:$0x18400] =	vst v63  }
0x118: {  	_ = 	snop  }
0x119: {  	[tilespmem:s11], [sflag:$0x3] =	stream.indirect_vreg.gather [hbm4b:s3+s2], $0x80, v3, vm0, $0xb8;
	[tilespmem:$0x18400] =	vst v63  }
0x11a: {  	v3 =	vld [tilespmem:$0x130];
	_ =	sdelay $0x4  }
0x11b: {  	v19 =	vshll.u32 v3, $0x1  }
0x11c: {  	v3 =	vand.u32 $0x7, v3;
	v4 =	vand.u32 $0xFFFFFFF0, v19  }
0x11d: {  	v3 =	vor.u32 v3, v4  }
0x11e: {  	v4 =	vperm.xlane v3, v0;
	_ =	sdelay $0x1  }
0x11f: {  	v3 =	vperm.xlane v3, v2;
	v4 =	vadd.s32 v1, v4;
	_ =	sdelay $0x1  }
0x120: {  	v3 =	vadd.s32 v1, v3;
	_ =	sdelay $0x2  }
0x121: {  	[tilespmem:s12], [sflag:$0x3] =	stream.indirect_vreg.gather [hbm4b:s3+s2], $0x80, v4, vm0, $0xb8;
	[tilespmem:$0x18400] =	vst v63  }
0x122: {  	s1 =	simm.s32 $0x13C00  }
0x123: {  	[tilespmem:s1], [sflag:$0x3] =	stream.indirect_vreg.gather [hbm4b:s3+s2], $0x80, v3, vm0, $0xb8;
	[tilespmem:$0x18400] =	vst v63  }
0x124: {  	v3 =	vld [tilespmem:$0x140];
	_ =	sdelay $0x4  }
0x125: {  	v20 =	vshll.u32 v3, $0x1  }
0x126: {  	v3 =	vand.u32 $0x7, v3;
	v4 =	vand.u32 $0xFFFFFFF0, v20  }
0x127: {  	v3 =	vor.u32 v3, v4  }
0x128: {  	v4 =	vperm.xlane v3, v0;
	_ =	sdelay $0x1  }
0x129: {  	v3 =	vperm.xlane v3, v2;
	v4 =	vadd.s32 v1, v4;
	_ =	sdelay $0x1  }
0x12a: {  	v3 =	vadd.s32 v1, v3;
	_ =	sdelay $0x2  }
0x12b: {  	[tilespmem:s15], [sflag:$0x3] =	stream.indirect_vreg.gather [hbm4b:s3+s2], $0x80, v4, vm0, $0xb8;
	[tilespmem:$0x18400] =	vst v63  }
0x12c: {  	_ = 	snop  }
0x12d: {  	[tilespmem:s18], [sflag:$0x3] =	stream.indirect_vreg.gather [hbm4b:s3+s2], $0x80, v3, vm0, $0xb8;
	[tilespmem:$0x18400] =	vst v63  }
0x12e: {  	v3 =	vld [tilespmem:$0x150];
	_ =	sdelay $0x4  }
0x12f: {  	v21 =	vshll.u32 v3, $0x1  }
0x130: {  	v3 =	vand.u32 $0x7, v3;
	v4 =	vand.u32 $0xFFFFFFF0, v21  }
0x131: {  	v3 =	vor.u32 v3, v4  }
0x132: {  	v4 =	vperm.xlane v3, v0;
	_ =	sdelay $0x1  }
0x133: {  	v3 =	vperm.xlane v3, v2;
	v4 =	vadd.s32 v1, v4;
	_ =	sdelay $0x1  }
0x134: {  	v3 =	vadd.s32 v1, v3;
	_ =	sdelay $0x2  }
0x135: {  	[tilespmem:s19], [sflag:$0x3] =	stream.indirect_vreg.gather [hbm4b:s3+s2], $0x80, v4, vm0, $0xb8;
	[tilespmem:$0x18400] =	vst v63  }
0x136: {  	_ = 	snop  }
0x137: {  	[tilespmem:s20], [sflag:$0x3] =	stream.indirect_vreg.gather [hbm4b:s3+s2], $0x80, v3, vm0, $0xb8;
	[tilespmem:$0x18400] =	vst v63  }
0x138: {  	v3 =	vld [tilespmem:$0x160];
	_ =	sdelay $0x4  }
0x139: {  	v22 =	vshll.u32 v3, $0x1  }
0x13a: {  	v3 =	vand.u32 $0x7, v3;
	v4 =	vand.u32 $0xFFFFFFF0, v22  }
0x13b: {  	v3 =	vor.u32 v3, v4  }
0x13c: {  	v4 =	vperm.xlane v3, v0;
	_ =	sdelay $0x1  }
0x13d: {  	v3 =	vperm.xlane v3, v2;
	v4 =	vadd.s32 v1, v4;
	_ =	sdelay $0x1  }
0x13e: {  	v3 =	vadd.s32 v1, v3;
	_ =	sdelay $0x2  }
0x13f: {  	[tilespmem:s21], [sflag:$0x3] =	stream.indirect_vreg.gather [hbm4b:s3+s2], $0x80, v4, vm0, $0xb8;
	[tilespmem:$0x18400] =	vst v63  }
0x140: {  	_ = 	snop  }
0x141: {  	[tilespmem:s23], [sflag:$0x3] =	stream.indirect_vreg.gather [hbm4b:s3+s2], $0x80, v3, vm0, $0xb8;
	[tilespmem:$0x18400] =	vst v63  }
0x142: {  	v3 =	vld [tilespmem:$0x170];
	_ =	sdelay $0x4  }
0x143: {  	v23 =	vshll.u32 v3, $0x1  }
0x144: {  	v3 =	vand.u32 $0x7, v3;
	v4 =	vand.u32 $0xFFFFFFF0, v23  }
0x145: {  	v3 =	vor.u32 v3, v4  }
0x146: {  	v4 =	vperm.xlane v3, v0;
	_ =	sdelay $0x1  }
0x147: {  	v3 =	vperm.xlane v3, v2;
	v4 =	vadd.s32 v1, v4;
	_ =	sdelay $0x1  }
0x148: {  	v3 =	vadd.s32 v1, v3;
	_ =	sdelay $0x2  }
0x149: {  	[tilespmem:s24], [sflag:$0x3] =	stream.indirect_vreg.gather [hbm4b:s3+s2], $0x80, v4, vm0, $0xb8;
	[tilespmem:$0x18400] =	vst v63  }
0x14a: {  	_ = 	snop  }
0x14b: {  	[tilespmem:s25], [sflag:$0x3] =	stream.indirect_vreg.gather [hbm4b:s3+s2], $0x80, v3, vm0, $0xb8;
	[tilespmem:$0x18400] =	vst v63  }
0x14c: {  	_ =	swait.ge [sflag:s13], $0x8000  }
0x14d: {  	[sflag:s13] =	ssyncset.done $0x0  }
0x14e: {  	s16 =	rddreg [dreg:$0xb];
	[sflag:s13] =	ssyncadd.s32 $0xFFFF8000  }
0x14f: {  	[hbm4b:s16+s2] =	stream.linear.scatter [tilespmem:s22], [sflag:$0x4], $0x8000, $0x38;
	[tilespmem:$0x18400] =	vst v63  }
0x150: {  	_ =	swait.ge [sflag:s5], $0x8000  }
0x151: {  	[sflag:s5] =	ssyncset.done $0x0  }
0x152: {  	[sflag:s5] =	ssyncadd.s32 $0xFFFF8000  }
0x153: {  	v3 =	vld [tilespmem:$0x180];
	_ =	sdelay $0x4  }
0x154: {  	v24 =	vshll.u32 v3, $0x1  }
0x155: {  	v3 =	vand.u32 $0x7, v3;
	v4 =	vand.u32 $0xFFFFFFF0, v24  }
0x156: {  	v3 =	vor.u32 v3, v4  }
0x157: {  	v4 =	vperm.xlane v3, v0;
	_ =	sdelay $0x1  }
0x158: {  	v3 =	vperm.xlane v3, v2;
	v4 =	vadd.s32 v1, v4;
	_ =	sdelay $0x1  }
0x159: {  	v3 =	vadd.s32 v1, v3;
	_ =	sdelay $0x2  }
0x15a: {  	[tilespmem:s22], [sflag:$0x1] =	stream.indirect_vreg.gather [hbm4b:s3+s2], $0x80, v4, vm0, $0xb8;
	[tilespmem:$0x18400] =	vst v63  }
0x15b: {  	_ = 	snop  }
0x15c: {  	[tilespmem:s17], [sflag:$0x1] =	stream.indirect_vreg.gather [hbm4b:s3+s2], $0x80, v3, vm0, $0xb8;
	[tilespmem:$0x18400] =	vst v63  }
0x15d: {  	v3 =	vld [tilespmem:$0x190];
	_ =	sdelay $0x4  }
0x15e: {  	v25 =	vshll.u32 v3, $0x1  }
0x15f: {  	v3 =	vand.u32 $0x7, v3;
	v4 =	vand.u32 $0xFFFFFFF0, v25  }
0x160: {  	v3 =	vor.u32 v3, v4  }
0x161: {  	v4 =	vperm.xlane v3, v0;
	_ =	sdelay $0x1  }
0x162: {  	v3 =	vperm.xlane v3, v2;
	v4 =	vadd.s32 v1, v4;
	_ =	sdelay $0x1  }
0x163: {  	v3 =	vadd.s32 v1, v3;
	_ =	sdelay $0x1  }
0x164: {  	s16 =	simm.s32 $0x1400  }
0x165: {  	[tilespmem:s16], [sflag:$0x1] =	stream.indirect_vreg.gather [hbm4b:s3+s2], $0x80, v4, vm0, $0xb8;
	[tilespmem:$0x18400] =	vst v63  }
0x166: {  	s16 =	simm.s32 $0x1C00  }
0x167: {  	[tilespmem:s16], [sflag:$0x1] =	stream.indirect_vreg.gather [hbm4b:s3+s2], $0x80, v3, vm0, $0xb8;
	[tilespmem:$0x18400] =	vst v63  }
0x168: {  	v3 =	vld [tilespmem:$0x1A0];
	_ =	sdelay $0x4  }
0x169: {  	v26 =	vshll.u32 v3, $0x1  }
0x16a: {  	v3 =	vand.u32 $0x7, v3;
	v4 =	vand.u32 $0xFFFFFFF0, v26  }
0x16b: {  	v3 =	vor.u32 v3, v4  }
0x16c: {  	v4 =	vperm.xlane v3, v0;
	_ =	sdelay $0x1  }
0x16d: {  	v3 =	vperm.xlane v3, v2;
	v4 =	vadd.s32 v1, v4;
	_ =	sdelay $0x1  }
0x16e: {  	v3 =	vadd.s32 v1, v3;
	_ =	sdelay $0x1  }
0x16f: {  	s16 =	simm.s32 $0x2400  }
0x170: {  	[tilespmem:s16], [sflag:$0x1] =	stream.indirect_vreg.gather [hbm4b:s3+s2], $0x80, v4, vm0, $0xb8;
	[tilespmem:$0x18400] =	vst v63  }
0x171: {  	s16 =	simm.s32 $0x2C00  }
0x172: {  	[tilespmem:s16], [sflag:$0x1] =	stream.indirect_vreg.gather [hbm4b:s3+s2], $0x80, v3, vm0, $0xb8;
	[tilespmem:$0x18400] =	vst v63  }
0x173: {  	v3 =	vld [tilespmem:$0x1B0];
	_ =	sdelay $0x4  }
0x174: {  	v27 =	vshll.u32 v3, $0x1  }
0x175: {  	v3 =	vand.u32 $0x7, v3;
	v4 =	vand.u32 $0xFFFFFFF0, v27  }
0x176: {  	v3 =	vor.u32 v3, v4  }
0x177: {  	v4 =	vperm.xlane v3, v0;
	_ =	sdelay $0x1  }
0x178: {  	v3 =	vperm.xlane v3, v2;
	v4 =	vadd.s32 v1, v4;
	_ =	sdelay $0x1  }
0x179: {  	v3 =	vadd.s32 v1, v3;
	_ =	sdelay $0x1  }
0x17a: {  	s16 =	simm.s32 $0x3400  }
0x17b: {  	[tilespmem:s16], [sflag:$0x1] =	stream.indirect_vreg.gather [hbm4b:s3+s2], $0x80, v4, vm0, $0xb8;
	[tilespmem:$0x18400] =	vst v63  }
0x17c: {  	s16 =	simm.s32 $0x3C00  }
0x17d: {  	[tilespmem:s16], [sflag:$0x1] =	stream.indirect_vreg.gather [hbm4b:s3+s2], $0x80, v3, vm0, $0xb8;
	[tilespmem:$0x18400] =	vst v63  }
0x17e: {  	v3 =	vld [tilespmem:$0x1C0];
	_ =	sdelay $0x4  }
0x17f: {  	v28 =	vshll.u32 v3, $0x1  }
0x180: {  	v3 =	vand.u32 $0x7, v3;
	v4 =	vand.u32 $0xFFFFFFF0, v28  }
0x181: {  	v3 =	vor.u32 v3, v4  }
0x182: {  	v4 =	vperm.xlane v3, v0;
	_ =	sdelay $0x1  }
0x183: {  	v3 =	vperm.xlane v3, v2;
	v4 =	vadd.s32 v1, v4;
	_ =	sdelay $0x1  }
0x184: {  	v3 =	vadd.s32 v1, v3;
	_ =	sdelay $0x1  }
0x185: {  	s16 =	simm.s32 $0x4400  }
0x186: {  	[tilespmem:s16], [sflag:$0x1] =	stream.indirect_vreg.gather [hbm4b:s3+s2], $0x80, v4, vm0, $0xb8;
	[tilespmem:$0x18400] =	vst v63  }
0x187: {  	s16 =	simm.s32 $0x4C00  }
0x188: {  	[tilespmem:s16], [sflag:$0x1] =	stream.indirect_vreg.gather [hbm4b:s3+s2], $0x80, v3, vm0, $0xb8;
	[tilespmem:$0x18400] =	vst v63  }
0x189: {  	v3 =	vld [tilespmem:$0x1D0];
	_ =	sdelay $0x4  }
0x18a: {  	v29 =	vshll.u32 v3, $0x1  }
0x18b: {  	v3 =	vand.u32 $0x7, v3;
	v4 =	vand.u32 $0xFFFFFFF0, v29  }
0x18c: {  	v3 =	vor.u32 v3, v4  }
0x18d: {  	v4 =	vperm.xlane v3, v0;
	_ =	sdelay $0x1  }
0x18e: {  	v3 =	vperm.xlane v3, v2;
	v4 =	vadd.s32 v1, v4;
	_ =	sdelay $0x1  }
0x18f: {  	v3 =	vadd.s32 v1, v3;
	_ =	sdelay $0x2  }
0x190: {  	[tilespmem:s28], [sflag:$0x1] =	stream.indirect_vreg.gather [hbm4b:s3+s2], $0x80, v4, vm0, $0xb8;
	[tilespmem:$0x18400] =	vst v63  }
0x191: {  	_ = 	snop  }
0x192: {  	[tilespmem:s29], [sflag:$0x1] =	stream.indirect_vreg.gather [hbm4b:s3+s2], $0x80, v3, vm0, $0xb8;
	[tilespmem:$0x18400] =	vst v63  }
0x193: {  	v3 =	vld [tilespmem:$0x1E0];
	_ =	sdelay $0x4  }
0x194: {  	v30 =	vshll.u32 v3, $0x1  }
0x195: {  	v3 =	vand.u32 $0x7, v3;
	v4 =	vand.u32 $0xFFFFFFF0, v30  }
0x196: {  	v3 =	vor.u32 v3, v4  }
0x197: {  	v4 =	vperm.xlane v3, v0;
	_ =	sdelay $0x1  }
0x198: {  	v3 =	vperm.xlane v3, v2;
	v4 =	vadd.s32 v1, v4;
	_ =	sdelay $0x1  }
0x199: {  	v3 =	vadd.s32 v1, v3;
	_ =	sdelay $0x2  }
0x19a: {  	[tilespmem:s30], [sflag:$0x1] =	stream.indirect_vreg.gather [hbm4b:s3+s2], $0x80, v4, vm0, $0xb8;
	[tilespmem:$0x18400] =	vst v63  }
0x19b: {  	_ = 	snop  }
0x19c: {  	[tilespmem:s31], [sflag:$0x1] =	stream.indirect_vreg.gather [hbm4b:s3+s2], $0x80, v3, vm0, $0xb8;
	[tilespmem:$0x18400] =	vst v63  }
0x19d: {  	v3 =	vld [tilespmem:$0x1F0];
	_ =	sdelay $0x4  }
0x19e: {  	v31 =	vshll.u32 v3, $0x1  }
0x19f: {  	v3 =	vand.u32 $0x7, v3;
	v4 =	vand.u32 $0xFFFFFFF0, v31  }
0x1a0: {  	v3 =	vor.u32 v3, v4  }
0x1a1: {  	v4 =	vperm.xlane v3, v0;
	_ =	sdelay $0x1  }
0x1a2: {  	v3 =	vperm.xlane v3, v2;
	v4 =	vadd.s32 v1, v4;
	_ =	sdelay $0x1  }
0x1a3: {  	v3 =	vadd.s32 v1, v3;
	_ =	sdelay $0x1  }
0x1a4: {  	s16 =	simm.s32 $0x7400  }
0x1a5: {  	[tilespmem:s16], [sflag:$0x1] =	stream.indirect_vreg.gather [hbm4b:s3+s2], $0x80, v4, vm0, $0xb8;
	[tilespmem:$0x18400] =	vst v63  }
0x1a6: {  	s16 =	simm.s32 $0x7C00  }
0x1a7: {  	[tilespmem:s16], [sflag:$0x1] =	stream.indirect_vreg.gather [hbm4b:s3+s2], $0x80, v3, vm0, $0xb8;
	[tilespmem:$0x18400] =	vst v63  }
0x1a8: {  	_ =	swait.ge [sflag:s14], $0x8000  }
0x1a9: {  	[sflag:s14] =	ssyncset.done $0x0  }
0x1aa: {  	s16 =	rddreg [dreg:$0xc];
	[sflag:s14] =	ssyncadd.s32 $0xFFFF8000  }
0x1ab: {  	[hbm4b:s16+s2] =	stream.linear.scatter [tilespmem:s0], [sflag:$0x4], $0x8000, $0x38;
	[tilespmem:$0x18400] =	vst v63  }
0x1ac: {  	_ =	swait.ge [sflag:s5], $0x8000  }
0x1ad: {  	[sflag:s5] =	ssyncset.done $0x0  }
0x1ae: {  	[sflag:s5] =	ssyncadd.s32 $0xFFFF8000  }
0x1af: {  	v3 =	vld [tilespmem:$0x200];
	_ =	sdelay $0x4  }
0x1b0: {  	v32 =	vshll.u32 v3, $0x1  }
0x1b1: {  	v3 =	vand.u32 $0x7, v3;
	v4 =	vand.u32 $0xFFFFFFF0, v32  }
0x1b2: {  	v3 =	vor.u32 v3, v4  }
0x1b3: {  	v4 =	vperm.xlane v3, v0;
	_ =	sdelay $0x1  }
0x1b4: {  	v3 =	vperm.xlane v3, v2;
	v4 =	vadd.s32 v1, v4;
	_ =	sdelay $0x1  }
0x1b5: {  	v3 =	vadd.s32 v1, v3;
	_ =	sdelay $0x2  }
0x1b6: {  	[tilespmem:s0], [sflag:$0x2] =	stream.indirect_vreg.gather [hbm4b:s3+s2], $0x80, v4, vm0, $0xb8;
	[tilespmem:$0x18400] =	vst v63  }
0x1b7: {  	s16 =	simm.s32 $0x8C00  }
0x1b8: {  	[tilespmem:s16], [sflag:$0x2] =	stream.indirect_vreg.gather [hbm4b:s3+s2], $0x80, v3, vm0, $0xb8;
	[tilespmem:$0x18400] =	vst v63  }
0x1b9: {  	v3 =	vld [tilespmem:$0x210];
	_ =	sdelay $0x4  }
0x1ba: {  	v33 =	vshll.u32 v3, $0x1  }
0x1bb: {  	v3 =	vand.u32 $0x7, v3;
	v4 =	vand.u32 $0xFFFFFFF0, v33  }
0x1bc: {  	v3 =	vor.u32 v3, v4  }
0x1bd: {  	v4 =	vperm.xlane v3, v0;
	_ =	sdelay $0x1  }
0x1be: {  	v3 =	vperm.xlane v3, v2;
	v4 =	vadd.s32 v1, v4;
	_ =	sdelay $0x1  }
0x1bf: {  	v3 =	vadd.s32 v1, v3;
	_ =	sdelay $0x1  }
0x1c0: {  	s16 =	simm.s32 $0x9400  }
0x1c1: {  	[tilespmem:s16], [sflag:$0x2] =	stream.indirect_vreg.gather [hbm4b:s3+s2], $0x80, v4, vm0, $0xb8;
	[tilespmem:$0x18400] =	vst v63  }
0x1c2: {  	s16 =	simm.s32 $0x9C00  }
0x1c3: {  	[tilespmem:s16], [sflag:$0x2] =	stream.indirect_vreg.gather [hbm4b:s3+s2], $0x80, v3, vm0, $0xb8;
	[tilespmem:$0x18400] =	vst v63  }
0x1c4: {  	v3 =	vld [tilespmem:$0x220];
	_ =	sdelay $0x4  }
0x1c5: {  	v34 =	vshll.u32 v3, $0x1  }
0x1c6: {  	v3 =	vand.u32 $0x7, v3;
	v4 =	vand.u32 $0xFFFFFFF0, v34  }
0x1c7: {  	v3 =	vor.u32 v3, v4  }
0x1c8: {  	v4 =	vperm.xlane v3, v0;
	_ =	sdelay $0x1  }
0x1c9: {  	v3 =	vperm.xlane v3, v2;
	v4 =	vadd.s32 v1, v4;
	_ =	sdelay $0x1  }
0x1ca: {  	v3 =	vadd.s32 v1, v3;
	_ =	sdelay $0x1  }
0x1cb: {  	s16 =	simm.s32 $0xA400  }
0x1cc: {  	[tilespmem:s16], [sflag:$0x2] =	stream.indirect_vreg.gather [hbm4b:s3+s2], $0x80, v4, vm0, $0xb8;
	[tilespmem:$0x18400] =	vst v63  }
0x1cd: {  	s16 =	simm.s32 $0xAC00  }
0x1ce: {  	[tilespmem:s16], [sflag:$0x2] =	stream.indirect_vreg.gather [hbm4b:s3+s2], $0x80, v3, vm0, $0xb8;
	[tilespmem:$0x18400] =	vst v63  }
0x1cf: {  	v3 =	vld [tilespmem:$0x230];
	_ =	sdelay $0x4  }
0x1d0: {  	v35 =	vshll.u32 v3, $0x1  }
0x1d1: {  	v3 =	vand.u32 $0x7, v3;
	v4 =	vand.u32 $0xFFFFFFF0, v35  }
0x1d2: {  	v3 =	vor.u32 v3, v4  }
0x1d3: {  	v4 =	vperm.xlane v3, v0;
	_ =	sdelay $0x1  }
0x1d4: {  	v3 =	vperm.xlane v3, v2;
	v4 =	vadd.s32 v1, v4;
	_ =	sdelay $0x1  }
0x1d5: {  	v3 =	vadd.s32 v1, v3;
	_ =	sdelay $0x1  }
0x1d6: {  	s16 =	simm.s32 $0xB400  }
0x1d7: {  	[tilespmem:s16], [sflag:$0x2] =	stream.indirect_vreg.gather [hbm4b:s3+s2], $0x80, v4, vm0, $0xb8;
	[tilespmem:$0x18400] =	vst v63  }
0x1d8: {  	s16 =	simm.s32 $0xBC00  }
0x1d9: {  	[tilespmem:s16], [sflag:$0x2] =	stream.indirect_vreg.gather [hbm4b:s3+s2], $0x80, v3, vm0, $0xb8;
	[tilespmem:$0x18400] =	vst v63  }
0x1da: {  	v3 =	vld [tilespmem:$0x240];
	_ =	sdelay $0x4  }
0x1db: {  	v36 =	vshll.u32 v3, $0x1  }
0x1dc: {  	v3 =	vand.u32 $0x7, v3;
	v4 =	vand.u32 $0xFFFFFFF0, v36  }
0x1dd: {  	v3 =	vor.u32 v3, v4  }
0x1de: {  	v4 =	vperm.xlane v3, v0;
	_ =	sdelay $0x1  }
0x1df: {  	v3 =	vperm.xlane v3, v2;
	v4 =	vadd.s32 v1, v4;
	_ =	sdelay $0x1  }
0x1e0: {  	v3 =	vadd.s32 v1, v3;
	_ =	sdelay $0x1  }
0x1e1: {  	s16 =	simm.s32 $0xC400  }
0x1e2: {  	[tilespmem:s16], [sflag:$0x2] =	stream.indirect_vreg.gather [hbm4b:s3+s2], $0x80, v4, vm0, $0xb8;
	[tilespmem:$0x18400] =	vst v63  }
0x1e3: {  	s16 =	simm.s32 $0xCC00  }
0x1e4: {  	[tilespmem:s16], [sflag:$0x2] =	stream.indirect_vreg.gather [hbm4b:s3+s2], $0x80, v3, vm0, $0xb8;
	[tilespmem:$0x18400] =	vst v63  }
0x1e5: {  	v3 =	vld [tilespmem:$0x250];
	_ =	sdelay $0x4  }
0x1e6: {  	v37 =	vshll.u32 v3, $0x1  }
0x1e7: {  	v3 =	vand.u32 $0x7, v3;
	v4 =	vand.u32 $0xFFFFFFF0, v37  }
0x1e8: {  	v3 =	vor.u32 v3, v4  }
0x1e9: {  	v4 =	vperm.xlane v3, v0;
	_ =	sdelay $0x1  }
0x1ea: {  	v3 =	vperm.xlane v3, v2;
	v4 =	vadd.s32 v1, v4;
	_ =	sdelay $0x1  }
0x1eb: {  	v3 =	vadd.s32 v1, v3;
	_ =	sdelay $0x1  }
0x1ec: {  	s16 =	simm.s32 $0xD400  }
0x1ed: {  	[tilespmem:s16], [sflag:$0x2] =	stream.indirect_vreg.gather [hbm4b:s3+s2], $0x80, v4, vm0, $0xb8;
	[tilespmem:$0x18400] =	vst v63  }
0x1ee: {  	s16 =	simm.s32 $0xDC00  }
0x1ef: {  	[tilespmem:s16], [sflag:$0x2] =	stream.indirect_vreg.gather [hbm4b:s3+s2], $0x80, v3, vm0, $0xb8;
	[tilespmem:$0x18400] =	vst v63  }
0x1f0: {  	v3 =	vld [tilespmem:$0x260];
	_ =	sdelay $0x4  }
0x1f1: {  	v38 =	vshll.u32 v3, $0x1  }
0x1f2: {  	v3 =	vand.u32 $0x7, v3;
	v4 =	vand.u32 $0xFFFFFFF0, v38  }
0x1f3: {  	v3 =	vor.u32 v3, v4  }
0x1f4: {  	v4 =	vperm.xlane v3, v0;
	_ =	sdelay $0x1  }
0x1f5: {  	v3 =	vperm.xlane v3, v2;
	v4 =	vadd.s32 v1, v4;
	_ =	sdelay $0x1  }
0x1f6: {  	v3 =	vadd.s32 v1, v3;
	_ =	sdelay $0x1  }
0x1f7: {  	s16 =	simm.s32 $0xE400  }
0x1f8: {  	[tilespmem:s16], [sflag:$0x2] =	stream.indirect_vreg.gather [hbm4b:s3+s2], $0x80, v4, vm0, $0xb8;
	[tilespmem:$0x18400] =	vst v63  }
0x1f9: {  	s16 =	simm.s32 $0xEC00  }
0x1fa: {  	[tilespmem:s16], [sflag:$0x2] =	stream.indirect_vreg.gather [hbm4b:s3+s2], $0x80, v3, vm0, $0xb8;
	[tilespmem:$0x18400] =	vst v63  }
0x1fb: {  	v3 =	vld [tilespmem:$0x270];
	_ =	sdelay $0x4  }
0x1fc: {  	v39 =	vshll.u32 v3, $0x1  }
0x1fd: {  	v3 =	vand.u32 $0x7, v3;
	v4 =	vand.u32 $0xFFFFFFF0, v39  }
0x1fe: {  	v3 =	vor.u32 v3, v4  }
0x1ff: {  	v4 =	vperm.xlane v3, v0;
	_ =	sdelay $0x1  }
0x200: {  	v3 =	vperm.xlane v3, v2;
	v4 =	vadd.s32 v1, v4;
	_ =	sdelay $0x1  }
0x201: {  	v3 =	vadd.s32 v1, v3;
	_ =	sdelay $0x1  }
0x202: {  	s16 =	simm.s32 $0xF400  }
0x203: {  	[tilespmem:s16], [sflag:$0x2] =	stream.indirect_vreg.gather [hbm4b:s3+s2], $0x80, v4, vm0, $0xb8;
	[tilespmem:$0x18400] =	vst v63  }
0x204: {  	s16 =	simm.s32 $0xFC00  }
0x205: {  	[tilespmem:s16], [sflag:$0x2] =	stream.indirect_vreg.gather [hbm4b:s3+s2], $0x80, v3, vm0, $0xb8;
	[tilespmem:$0x18400] =	vst v63  }
0x206: {  	_ =	swait.ge [sflag:s26], $0x8000  }
0x207: {  	[sflag:s26] =	ssyncset.done $0x0  }
0x208: {  	s16 =	rddreg [dreg:$0xd];
	[sflag:s26] =	ssyncadd.s32 $0xFFFF8000  }
0x209: {  	[hbm4b:s16+s2] =	stream.linear.scatter [tilespmem:s6], [sflag:$0x4], $0x8000, $0x38;
	[tilespmem:$0x18400] =	vst v63  }
0x20a: {  	_ =	swait.ge [sflag:s5], $0x8000  }
0x20b: {  	[sflag:s5] =	ssyncset.done $0x0  }
0x20c: {  	[sflag:s5] =	ssyncadd.s32 $0xFFFF8000  }
0x20d: {  	v3 =	vld [tilespmem:$0x280];
	_ =	sdelay $0x4  }
0x20e: {  	v40 =	vshll.u32 v3, $0x1  }
0x20f: {  	v3 =	vand.u32 $0x7, v3;
	v4 =	vand.u32 $0xFFFFFFF0, v40  }
0x210: {  	v3 =	vor.u32 v3, v4  }
0x211: {  	v4 =	vperm.xlane v3, v0;
	_ =	sdelay $0x1  }
0x212: {  	v3 =	vperm.xlane v3, v2;
	v4 =	vadd.s32 v1, v4;
	_ =	sdelay $0x1  }
0x213: {  	v3 =	vadd.s32 v1, v3;
	_ =	sdelay $0x2  }
0x214: {  	[tilespmem:s6], [sflag:$0x3] =	stream.indirect_vreg.gather [hbm4b:s3+s2], $0x80, v4, vm0, $0xb8;
	[tilespmem:$0x18400] =	vst v63  }
0x215: {  	_ = 	snop  }
0x216: {  	[tilespmem:s7], [sflag:$0x3] =	stream.indirect_vreg.gather [hbm4b:s3+s2], $0x80, v3, vm0, $0xb8;
	[tilespmem:$0x18400] =	vst v63  }
0x217: {  	v3 =	vld [tilespmem:$0x290];
	_ =	sdelay $0x4  }
0x218: {  	v41 =	vshll.u32 v3, $0x1  }
0x219: {  	v3 =	vand.u32 $0x7, v3;
	v4 =	vand.u32 $0xFFFFFFF0, v41  }
0x21a: {  	v3 =	vor.u32 v3, v4  }
0x21b: {  	v4 =	vperm.xlane v3, v0;
	_ =	sdelay $0x1  }
0x21c: {  	v3 =	vperm.xlane v3, v2;
	v4 =	vadd.s32 v1, v4;
	_ =	sdelay $0x1  }
0x21d: {  	v3 =	vadd.s32 v1, v3;
	_ =	sdelay $0x2  }
0x21e: {  	[tilespmem:s8], [sflag:$0x3] =	stream.indirect_vreg.gather [hbm4b:s3+s2], $0x80, v4, vm0, $0xb8;
	[tilespmem:$0x18400] =	vst v63  }
0x21f: {  	_ = 	snop  }
0x220: {  	[tilespmem:s9], [sflag:$0x3] =	stream.indirect_vreg.gather [hbm4b:s3+s2], $0x80, v3, vm0, $0xb8;
	[tilespmem:$0x18400] =	vst v63  }
0x221: {  	v3 =	vld [tilespmem:$0x2A0];
	_ =	sdelay $0x4  }
0x222: {  	v42 =	vshll.u32 v3, $0x1  }
0x223: {  	v3 =	vand.u32 $0x7, v3;
	v4 =	vand.u32 $0xFFFFFFF0, v42  }
0x224: {  	v3 =	vor.u32 v3, v4  }
0x225: {  	v4 =	vperm.xlane v3, v0;
	_ =	sdelay $0x1  }
0x226: {  	v3 =	vperm.xlane v3, v2;
	v4 =	vadd.s32 v1, v4;
	_ =	sdelay $0x1  }
0x227: {  	v3 =	vadd.s32 v1, v3;
	_ =	sdelay $0x2  }
0x228: {  	[tilespmem:s10], [sflag:$0x3] =	stream.indirect_vreg.gather [hbm4b:s3+s2], $0x80, v4, vm0, $0xb8;
	[tilespmem:$0x18400] =	vst v63  }
0x229: {  	_ = 	snop  }
0x22a: {  	[tilespmem:s11], [sflag:$0x3] =	stream.indirect_vreg.gather [hbm4b:s3+s2], $0x80, v3, vm0, $0xb8;
	[tilespmem:$0x18400] =	vst v63  }
0x22b: {  	v3 =	vld [tilespmem:$0x2B0];
	_ =	sdelay $0x4  }
0x22c: {  	v43 =	vshll.u32 v3, $0x1  }
0x22d: {  	v3 =	vand.u32 $0x7, v3;
	v4 =	vand.u32 $0xFFFFFFF0, v43  }
0x22e: {  	v3 =	vor.u32 v3, v4  }
0x22f: {  	v4 =	vperm.xlane v3, v0;
	_ =	sdelay $0x1  }
0x230: {  	v3 =	vperm.xlane v3, v2;
	v4 =	vadd.s32 v1, v4;
	_ =	sdelay $0x1  }
0x231: {  	v3 =	vadd.s32 v1, v3;
	_ =	sdelay $0x2  }
0x232: {  	[tilespmem:s12], [sflag:$0x3] =	stream.indirect_vreg.gather [hbm4b:s3+s2], $0x80, v4, vm0, $0xb8;
	[tilespmem:$0x18400] =	vst v63  }
0x233: {  	_ = 	snop  }
0x234: {  	[tilespmem:s1], [sflag:$0x3] =	stream.indirect_vreg.gather [hbm4b:s3+s2], $0x80, v3, vm0, $0xb8;
	[tilespmem:$0x18400] =	vst v63  }
0x235: {  	v3 =	vld [tilespmem:$0x2C0];
	_ =	sdelay $0x4  }
0x236: {  	v44 =	vshll.u32 v3, $0x1  }
0x237: {  	v3 =	vand.u32 $0x7, v3;
	v4 =	vand.u32 $0xFFFFFFF0, v44  }
0x238: {  	v3 =	vor.u32 v3, v4  }
0x239: {  	v4 =	vperm.xlane v3, v0;
	_ =	sdelay $0x1  }
0x23a: {  	v3 =	vperm.xlane v3, v2;
	v4 =	vadd.s32 v1, v4;
	_ =	sdelay $0x1  }
0x23b: {  	v3 =	vadd.s32 v1, v3;
	_ =	sdelay $0x2  }
0x23c: {  	[tilespmem:s15], [sflag:$0x3] =	stream.indirect_vreg.gather [hbm4b:s3+s2], $0x80, v4, vm0, $0xb8;
	[tilespmem:$0x18400] =	vst v63  }
0x23d: {  	_ = 	snop  }
0x23e: {  	[tilespmem:s18], [sflag:$0x3] =	stream.indirect_vreg.gather [hbm4b:s3+s2], $0x80, v3, vm0, $0xb8;
	[tilespmem:$0x18400] =	vst v63  }
0x23f: {  	v3 =	vld [tilespmem:$0x2D0];
	_ =	sdelay $0x4  }
0x240: {  	v45 =	vshll.u32 v3, $0x1  }
0x241: {  	v3 =	vand.u32 $0x7, v3;
	v4 =	vand.u32 $0xFFFFFFF0, v45  }
0x242: {  	v3 =	vor.u32 v3, v4  }
0x243: {  	v4 =	vperm.xlane v3, v0;
	_ =	sdelay $0x1  }
0x244: {  	v3 =	vperm.xlane v3, v2;
	v4 =	vadd.s32 v1, v4;
	_ =	sdelay $0x1  }
0x245: {  	v3 =	vadd.s32 v1, v3;
	_ =	sdelay $0x2  }
0x246: {  	[tilespmem:s19], [sflag:$0x3] =	stream.indirect_vreg.gather [hbm4b:s3+s2], $0x80, v4, vm0, $0xb8;
	[tilespmem:$0x18400] =	vst v63  }
0x247: {  	_ = 	snop  }
0x248: {  	[tilespmem:s20], [sflag:$0x3] =	stream.indirect_vreg.gather [hbm4b:s3+s2], $0x80, v3, vm0, $0xb8;
	[tilespmem:$0x18400] =	vst v63  }
0x249: {  	v3 =	vld [tilespmem:$0x2E0];
	_ =	sdelay $0x4  }
0x24a: {  	v46 =	vshll.u32 v3, $0x1  }
0x24b: {  	v3 =	vand.u32 $0x7, v3;
	v4 =	vand.u32 $0xFFFFFFF0, v46  }
0x24c: {  	v3 =	vor.u32 v3, v4  }
0x24d: {  	v4 =	vperm.xlane v3, v0;
	_ =	sdelay $0x1  }
0x24e: {  	v3 =	vperm.xlane v3, v2;
	v4 =	vadd.s32 v1, v4;
	_ =	sdelay $0x1  }
0x24f: {  	v3 =	vadd.s32 v1, v3;
	_ =	sdelay $0x2  }
0x250: {  	[tilespmem:s21], [sflag:$0x3] =	stream.indirect_vreg.gather [hbm4b:s3+s2], $0x80, v4, vm0, $0xb8;
	[tilespmem:$0x18400] =	vst v63  }
0x251: {  	_ = 	snop  }
0x252: {  	[tilespmem:s23], [sflag:$0x3] =	stream.indirect_vreg.gather [hbm4b:s3+s2], $0x80, v3, vm0, $0xb8;
	[tilespmem:$0x18400] =	vst v63  }
0x253: {  	v3 =	vld [tilespmem:$0x2F0];
	_ =	sdelay $0x4  }
0x254: {  	v47 =	vshll.u32 v3, $0x1  }
0x255: {  	v3 =	vand.u32 $0x7, v3;
	v4 =	vand.u32 $0xFFFFFFF0, v47  }
0x256: {  	v3 =	vor.u32 v3, v4  }
0x257: {  	v4 =	vperm.xlane v3, v0;
	_ =	sdelay $0x1  }
0x258: {  	v3 =	vperm.xlane v3, v2;
	v4 =	vadd.s32 v1, v4;
	_ =	sdelay $0x1  }
0x259: {  	v3 =	vadd.s32 v1, v3;
	_ =	sdelay $0x2  }
0x25a: {  	[tilespmem:s24], [sflag:$0x3] =	stream.indirect_vreg.gather [hbm4b:s3+s2], $0x80, v4, vm0, $0xb8;
	[tilespmem:$0x18400] =	vst v63  }
0x25b: {  	_ = 	snop  }
0x25c: {  	[tilespmem:s25], [sflag:$0x3] =	stream.indirect_vreg.gather [hbm4b:s3+s2], $0x80, v3, vm0, $0xb8;
	[tilespmem:$0x18400] =	vst v63  }
0x25d: {  	_ =	swait.ge [sflag:s13], $0x8000  }
0x25e: {  	[sflag:s13] =	ssyncset.done $0x0  }
0x25f: {  	s1 =	rddreg [dreg:$0xe];
	[sflag:s13] =	ssyncadd.s32 $0xFFFF8000  }
0x260: {  	[hbm4b:s1+s2] =	stream.linear.scatter [tilespmem:s22], [sflag:$0x4], $0x8000, $0x38;
	[tilespmem:$0x18400] =	vst v63  }
0x261: {  	_ =	swait.ge [sflag:s5], $0x8000  }
0x262: {  	[sflag:s5] =	ssyncset.done $0x0  }
0x263: {  	[sflag:s5] =	ssyncadd.s32 $0xFFFF8000  }
0x264: {  	v3 =	vld [tilespmem:$0x300];
	_ =	sdelay $0x4  }
0x265: {  	v48 =	vshll.u32 v3, $0x1  }
0x266: {  	v3 =	vand.u32 $0x7, v3;
	v4 =	vand.u32 $0xFFFFFFF0, v48  }
0x267: {  	v3 =	vor.u32 v3, v4  }
0x268: {  	v4 =	vperm.xlane v3, v0;
	_ =	sdelay $0x1  }
0x269: {  	v3 =	vperm.xlane v3, v2;
	v4 =	vadd.s32 v1, v4;
	_ =	sdelay $0x1  }
0x26a: {  	v3 =	vadd.s32 v1, v3;
	_ =	sdelay $0x2  }
0x26b: {  	[tilespmem:s22], [sflag:$0x1] =	stream.indirect_vreg.gather [hbm4b:s3+s2], $0x80, v4, vm0, $0xb8;
	[tilespmem:$0x18400] =	vst v63  }
0x26c: {  	_ = 	snop  }
0x26d: {  	[tilespmem:s17], [sflag:$0x1] =	stream.indirect_vreg.gather [hbm4b:s3+s2], $0x80, v3, vm0, $0xb8;
	[tilespmem:$0x18400] =	vst v63  }
0x26e: {  	v3 =	vld [tilespmem:$0x310];
	_ =	sdelay $0x4  }
0x26f: {  	v49 =	vshll.u32 v3, $0x1  }
0x270: {  	v3 =	vand.u32 $0x7, v3;
	v4 =	vand.u32 $0xFFFFFFF0, v49  }
0x271: {  	v3 =	vor.u32 v3, v4  }
0x272: {  	v4 =	vperm.xlane v3, v0;
	_ =	sdelay $0x1  }
0x273: {  	v3 =	vperm.xlane v3, v2;
	v4 =	vadd.s32 v1, v4;
	_ =	sdelay $0x1  }
0x274: {  	v3 =	vadd.s32 v1, v3;
	_ =	sdelay $0x1  }
0x275: {  	s16 =	simm.s32 $0x1400  }
0x276: {  	[tilespmem:s16], [sflag:$0x1] =	stream.indirect_vreg.gather [hbm4b:s3+s2], $0x80, v4, vm0, $0xb8;
	[tilespmem:$0x18400] =	vst v63  }
0x277: {  	s17 =	simm.s32 $0x1C00  }
0x278: {  	[tilespmem:s17], [sflag:$0x1] =	stream.indirect_vreg.gather [hbm4b:s3+s2], $0x80, v3, vm0, $0xb8;
	[tilespmem:$0x18400] =	vst v63  }
0x279: {  	v3 =	vld [tilespmem:$0x320];
	_ =	sdelay $0x4  }
0x27a: {  	v50 =	vshll.u32 v3, $0x1  }
0x27b: {  	v3 =	vand.u32 $0x7, v3;
	v4 =	vand.u32 $0xFFFFFFF0, v50  }
0x27c: {  	v3 =	vor.u32 v3, v4  }
0x27d: {  	v4 =	vperm.xlane v3, v0;
	_ =	sdelay $0x1  }
0x27e: {  	v3 =	vperm.xlane v3, v2;
	v4 =	vadd.s32 v1, v4;
	_ =	sdelay $0x1  }
0x27f: {  	v3 =	vadd.s32 v1, v3;
	_ =	sdelay $0x1  }
0x280: {  	s16 =	simm.s32 $0x2400  }
0x281: {  	[tilespmem:s16], [sflag:$0x1] =	stream.indirect_vreg.gather [hbm4b:s3+s2], $0x80, v4, vm0, $0xb8;
	[tilespmem:$0x18400] =	vst v63  }
0x282: {  	s17 =	simm.s32 $0x2C00  }
0x283: {  	[tilespmem:s17], [sflag:$0x1] =	stream.indirect_vreg.gather [hbm4b:s3+s2], $0x80, v3, vm0, $0xb8;
	[tilespmem:$0x18400] =	vst v63  }
0x284: {  	v3 =	vld [tilespmem:$0x330];
	_ =	sdelay $0x4  }
0x285: {  	v51 =	vshll.u32 v3, $0x1  }
0x286: {  	v3 =	vand.u32 $0x7, v3;
	v4 =	vand.u32 $0xFFFFFFF0, v51  }
0x287: {  	v3 =	vor.u32 v3, v4  }
0x288: {  	v4 =	vperm.xlane v3, v0;
	_ =	sdelay $0x1  }
0x289: {  	v3 =	vperm.xlane v3, v2;
	v4 =	vadd.s32 v1, v4;
	_ =	sdelay $0x1  }
0x28a: {  	v3 =	vadd.s32 v1, v3;
	_ =	sdelay $0x1  }
0x28b: {  	s16 =	simm.s32 $0x3400  }
0x28c: {  	[tilespmem:s16], [sflag:$0x1] =	stream.indirect_vreg.gather [hbm4b:s3+s2], $0x80, v4, vm0, $0xb8;
	[tilespmem:$0x18400] =	vst v63  }
0x28d: {  	s17 =	simm.s32 $0x3C00  }
0x28e: {  	[tilespmem:s17], [sflag:$0x1] =	stream.indirect_vreg.gather [hbm4b:s3+s2], $0x80, v3, vm0, $0xb8;
	[tilespmem:$0x18400] =	vst v63  }
0x28f: {  	v3 =	vld [tilespmem:$0x340];
	_ =	sdelay $0x4  }
0x290: {  	v52 =	vshll.u32 v3, $0x1  }
0x291: {  	v3 =	vand.u32 $0x7, v3;
	v4 =	vand.u32 $0xFFFFFFF0, v52  }
0x292: {  	v3 =	vor.u32 v3, v4  }
0x293: {  	v4 =	vperm.xlane v3, v0;
	_ =	sdelay $0x1  }
0x294: {  	v3 =	vperm.xlane v3, v2;
	v4 =	vadd.s32 v1, v4;
	_ =	sdelay $0x1  }
0x295: {  	v3 =	vadd.s32 v1, v3;
	_ =	sdelay $0x1  }
0x296: {  	s16 =	simm.s32 $0x4400  }
0x297: {  	[tilespmem:s16], [sflag:$0x1] =	stream.indirect_vreg.gather [hbm4b:s3+s2], $0x80, v4, vm0, $0xb8;
	[tilespmem:$0x18400] =	vst v63  }
0x298: {  	s17 =	simm.s32 $0x4C00  }
0x299: {  	[tilespmem:s17], [sflag:$0x1] =	stream.indirect_vreg.gather [hbm4b:s3+s2], $0x80, v3, vm0, $0xb8;
	[tilespmem:$0x18400] =	vst v63  }
0x29a: {  	v3 =	vld [tilespmem:$0x350];
	_ =	sdelay $0x4  }
0x29b: {  	v53 =	vshll.u32 v3, $0x1  }
0x29c: {  	v3 =	vand.u32 $0x7, v3;
	v4 =	vand.u32 $0xFFFFFFF0, v53  }
0x29d: {  	v3 =	vor.u32 v3, v4  }
0x29e: {  	v4 =	vperm.xlane v3, v0;
	_ =	sdelay $0x1  }
0x29f: {  	v3 =	vperm.xlane v3, v2;
	v4 =	vadd.s32 v1, v4;
	_ =	sdelay $0x1  }
0x2a0: {  	v3 =	vadd.s32 v1, v3;
	_ =	sdelay $0x2  }
0x2a1: {  	[tilespmem:s28], [sflag:$0x1] =	stream.indirect_vreg.gather [hbm4b:s3+s2], $0x80, v4, vm0, $0xb8;
	[tilespmem:$0x18400] =	vst v63  }
0x2a2: {  	_ = 	snop  }
0x2a3: {  	[tilespmem:s29], [sflag:$0x1] =	stream.indirect_vreg.gather [hbm4b:s3+s2], $0x80, v3, vm0, $0xb8;
	[tilespmem:$0x18400] =	vst v63  }
0x2a4: {  	v3 =	vld [tilespmem:$0x360];
	_ =	sdelay $0x4  }
0x2a5: {  	v54 =	vshll.u32 v3, $0x1  }
0x2a6: {  	v3 =	vand.u32 $0x7, v3;
	v4 =	vand.u32 $0xFFFFFFF0, v54  }
0x2a7: {  	v3 =	vor.u32 v3, v4  }
0x2a8: {  	v4 =	vperm.xlane v3, v0;
	_ =	sdelay $0x1  }
0x2a9: {  	v3 =	vperm.xlane v3, v2;
	v4 =	vadd.s32 v1, v4;
	_ =	sdelay $0x1  }
0x2aa: {  	v3 =	vadd.s32 v1, v3;
	_ =	sdelay $0x2  }
0x2ab: {  	[tilespmem:s30], [sflag:$0x1] =	stream.indirect_vreg.gather [hbm4b:s3+s2], $0x80, v4, vm0, $0xb8;
	[tilespmem:$0x18400] =	vst v63  }
0x2ac: {  	_ = 	snop  }
0x2ad: {  	[tilespmem:s31], [sflag:$0x1] =	stream.indirect_vreg.gather [hbm4b:s3+s2], $0x80, v3, vm0, $0xb8;
	[tilespmem:$0x18400] =	vst v63  }
0x2ae: {  	v3 =	vld [tilespmem:$0x370];
	_ =	sdelay $0x4  }
0x2af: {  	v55 =	vshll.u32 v3, $0x1  }
0x2b0: {  	v3 =	vand.u32 $0x7, v3;
	v4 =	vand.u32 $0xFFFFFFF0, v55  }
0x2b1: {  	v3 =	vor.u32 v3, v4  }
0x2b2: {  	v4 =	vperm.xlane v3, v0;
	_ =	sdelay $0x1  }
0x2b3: {  	v3 =	vperm.xlane v3, v2;
	v4 =	vadd.s32 v1, v4;
	_ =	sdelay $0x1  }
0x2b4: {  	v3 =	vadd.s32 v1, v3;
	_ =	sdelay $0x1  }
0x2b5: {  	s16 =	simm.s32 $0x7400  }
0x2b6: {  	[tilespmem:s16], [sflag:$0x1] =	stream.indirect_vreg.gather [hbm4b:s3+s2], $0x80, v4, vm0, $0xb8;
	[tilespmem:$0x18400] =	vst v63  }
0x2b7: {  	s17 =	simm.s32 $0x7C00  }
0x2b8: {  	[tilespmem:s17], [sflag:$0x1] =	stream.indirect_vreg.gather [hbm4b:s3+s2], $0x80, v3, vm0, $0xb8;
	[tilespmem:$0x18400] =	vst v63  }
0x2b9: {  	_ =	swait.ge [sflag:s14], $0x8000  }
0x2ba: {  	[sflag:s14] =	ssyncset.done $0x0  }
0x2bb: {  	s1 =	rddreg [dreg:$0xf];
	[sflag:s14] =	ssyncadd.s32 $0xFFFF8000  }
0x2bc: {  	[hbm4b:s1+s2] =	stream.linear.scatter [tilespmem:s0], [sflag:$0x4], $0x8000, $0x38;
	[tilespmem:$0x18400] =	vst v63  }
0x2bd: {  	_ =	swait.ge [sflag:s5], $0x8000  }
0x2be: {  	[sflag:s5] =	ssyncset.done $0x0  }
0x2bf: {  	[sflag:s5] =	ssyncadd.s32 $0xFFFF8000  }
0x2c0: {  	v3 =	vld [tilespmem:$0x380];
	_ =	sdelay $0x4  }
0x2c1: {  	v56 =	vshll.u32 v3, $0x1  }
0x2c2: {  	v3 =	vand.u32 $0x7, v3;
	v4 =	vand.u32 $0xFFFFFFF0, v56  }
0x2c3: {  	v3 =	vor.u32 v3, v4  }
0x2c4: {  	v4 =	vperm.xlane v3, v0;
	_ =	sdelay $0x1  }
0x2c5: {  	v3 =	vperm.xlane v3, v2;
	v4 =	vadd.s32 v1, v4;
	_ =	sdelay $0x1  }
0x2c6: {  	v3 =	vadd.s32 v1, v3;
	_ =	sdelay $0x2  }
0x2c7: {  	[tilespmem:s0], [sflag:$0x2] =	stream.indirect_vreg.gather [hbm4b:s3+s2], $0x80, v4, vm0, $0xb8;
	[tilespmem:$0x18400] =	vst v63  }
0x2c8: {  	s16 =	simm.s32 $0x8C00  }
0x2c9: {  	[tilespmem:s16], [sflag:$0x2] =	stream.indirect_vreg.gather [hbm4b:s3+s2], $0x80, v3, vm0, $0xb8;
	[tilespmem:$0x18400] =	vst v63  }
0x2ca: {  	v3 =	vld [tilespmem:$0x390];
	_ =	sdelay $0x4  }
0x2cb: {  	v57 =	vshll.u32 v3, $0x1  }
0x2cc: {  	v3 =	vand.u32 $0x7, v3;
	v4 =	vand.u32 $0xFFFFFFF0, v57  }
0x2cd: {  	v3 =	vor.u32 v3, v4  }
0x2ce: {  	v4 =	vperm.xlane v3, v0;
	_ =	sdelay $0x1  }
0x2cf: {  	v3 =	vperm.xlane v3, v2;
	v4 =	vadd.s32 v1, v4;
	_ =	sdelay $0x1  }
0x2d0: {  	v3 =	vadd.s32 v1, v3;
	_ =	sdelay $0x1  }
0x2d1: {  	s17 =	simm.s32 $0x9400  }
0x2d2: {  	[tilespmem:s17], [sflag:$0x2] =	stream.indirect_vreg.gather [hbm4b:s3+s2], $0x80, v4, vm0, $0xb8;
	[tilespmem:$0x18400] =	vst v63  }
0x2d3: {  	s16 =	simm.s32 $0x9C00  }
0x2d4: {  	[tilespmem:s16], [sflag:$0x2] =	stream.indirect_vreg.gather [hbm4b:s3+s2], $0x80, v3, vm0, $0xb8;
	[tilespmem:$0x18400] =	vst v63  }
0x2d5: {  	v3 =	vld [tilespmem:$0x3A0];
	_ =	sdelay $0x4  }
0x2d6: {  	v58 =	vshll.u32 v3, $0x1  }
0x2d7: {  	v3 =	vand.u32 $0x7, v3;
	v4 =	vand.u32 $0xFFFFFFF0, v58  }
0x2d8: {  	v3 =	vor.u32 v3, v4  }
0x2d9: {  	v4 =	vperm.xlane v3, v0;
	_ =	sdelay $0x1  }
0x2da: {  	v3 =	vperm.xlane v3, v2;
	v4 =	vadd.s32 v1, v4;
	_ =	sdelay $0x1  }
0x2db: {  	v3 =	vadd.s32 v1, v3;
	_ =	sdelay $0x1  }
0x2dc: {  	s17 =	simm.s32 $0xA400  }
0x2dd: {  	[tilespmem:s17], [sflag:$0x2] =	stream.indirect_vreg.gather [hbm4b:s3+s2], $0x80, v4, vm0, $0xb8;
	[tilespmem:$0x18400] =	vst v63  }
0x2de: {  	s16 =	simm.s32 $0xAC00  }
0x2df: {  	[tilespmem:s16], [sflag:$0x2] =	stream.indirect_vreg.gather [hbm4b:s3+s2], $0x80, v3, vm0, $0xb8;
	[tilespmem:$0x18400] =	vst v63  }
0x2e0: {  	v3 =	vld [tilespmem:$0x3B0];
	_ =	sdelay $0x4  }
0x2e1: {  	v59 =	vshll.u32 v3, $0x1  }
0x2e2: {  	v3 =	vand.u32 $0x7, v3;
	v4 =	vand.u32 $0xFFFFFFF0, v59  }
0x2e3: {  	v3 =	vor.u32 v3, v4  }
0x2e4: {  	v4 =	vperm.xlane v3, v0;
	_ =	sdelay $0x1  }
0x2e5: {  	v3 =	vperm.xlane v3, v2;
	v4 =	vadd.s32 v1, v4;
	_ =	sdelay $0x1  }
0x2e6: {  	v3 =	vadd.s32 v1, v3;
	_ =	sdelay $0x1  }
0x2e7: {  	s17 =	simm.s32 $0xB400  }
0x2e8: {  	[tilespmem:s17], [sflag:$0x2] =	stream.indirect_vreg.gather [hbm4b:s3+s2], $0x80, v4, vm0, $0xb8;
	[tilespmem:$0x18400] =	vst v63  }
0x2e9: {  	s16 =	simm.s32 $0xBC00  }
0x2ea: {  	[tilespmem:s16], [sflag:$0x2] =	stream.indirect_vreg.gather [hbm4b:s3+s2], $0x80, v3, vm0, $0xb8;
	[tilespmem:$0x18400] =	vst v63  }
0x2eb: {  	v3 =	vld [tilespmem:$0x3C0];
	_ =	sdelay $0x4  }
0x2ec: {  	v60 =	vshll.u32 v3, $0x1  }
0x2ed: {  	v3 =	vand.u32 $0x7, v3;
	v4 =	vand.u32 $0xFFFFFFF0, v60  }
0x2ee: {  	v3 =	vor.u32 v3, v4  }
0x2ef: {  	v4 =	vperm.xlane v3, v0;
	_ =	sdelay $0x1  }
0x2f0: {  	v3 =	vperm.xlane v3, v2;
	v4 =	vadd.s32 v1, v4;
	_ =	sdelay $0x1  }
0x2f1: {  	v3 =	vadd.s32 v1, v3;
	_ =	sdelay $0x1  }
0x2f2: {  	s17 =	simm.s32 $0xC400  }
0x2f3: {  	[tilespmem:s17], [sflag:$0x2] =	stream.indirect_vreg.gather [hbm4b:s3+s2], $0x80, v4, vm0, $0xb8;
	[tilespmem:$0x18400] =	vst v63  }
0x2f4: {  	s16 =	simm.s32 $0xCC00  }
0x2f5: {  	[tilespmem:s16], [sflag:$0x2] =	stream.indirect_vreg.gather [hbm4b:s3+s2], $0x80, v3, vm0, $0xb8;
	[tilespmem:$0x18400] =	vst v63  }
0x2f6: {  	v3 =	vld [tilespmem:$0x3D0];
	_ =	sdelay $0x4  }
0x2f7: {  	v61 =	vshll.u32 v3, $0x1  }
0x2f8: {  	v3 =	vand.u32 $0x7, v3;
	v4 =	vand.u32 $0xFFFFFFF0, v61  }
0x2f9: {  	v3 =	vor.u32 v3, v4  }
0x2fa: {  	v4 =	vperm.xlane v3, v0;
	_ =	sdelay $0x1  }
0x2fb: {  	v3 =	vperm.xlane v3, v2;
	v4 =	vadd.s32 v1, v4;
	_ =	sdelay $0x1  }
0x2fc: {  	v3 =	vadd.s32 v1, v3;
	_ =	sdelay $0x1  }
0x2fd: {  	s17 =	simm.s32 $0xD400  }
0x2fe: {  	[tilespmem:s17], [sflag:$0x2] =	stream.indirect_vreg.gather [hbm4b:s3+s2], $0x80, v4, vm0, $0xb8;
	[tilespmem:$0x18400] =	vst v63  }
0x2ff: {  	s16 =	simm.s32 $0xDC00  }
0x300: {  	[tilespmem:s16], [sflag:$0x2] =	stream.indirect_vreg.gather [hbm4b:s3+s2], $0x80, v3, vm0, $0xb8;
	[tilespmem:$0x18400] =	vst v63  }
0x301: {  	v3 =	vld [tilespmem:$0x3E0];
	_ =	sdelay $0x4  }
0x302: {  	v62 =	vshll.u32 v3, $0x1  }
0x303: {  	v3 =	vand.u32 $0x7, v3;
	v4 =	vand.u32 $0xFFFFFFF0, v62  }
0x304: {  	v3 =	vor.u32 v3, v4  }
0x305: {  	v4 =	vperm.xlane v3, v0;
	_ =	sdelay $0x1  }
0x306: {  	v3 =	vperm.xlane v3, v2;
	v4 =	vadd.s32 v1, v4;
	_ =	sdelay $0x1  }
0x307: {  	v3 =	vadd.s32 v1, v3;
	_ =	sdelay $0x1  }
0x308: {  	s17 =	simm.s32 $0xE400  }
0x309: {  	[tilespmem:s17], [sflag:$0x2] =	stream.indirect_vreg.gather [hbm4b:s3+s2], $0x80, v4, vm0, $0xb8;
	[tilespmem:$0x18400] =	vst v63  }
0x30a: {  	s16 =	simm.s32 $0xEC00  }
0x30b: {  	[tilespmem:s16], [sflag:$0x2] =	stream.indirect_vreg.gather [hbm4b:s3+s2], $0x80, v3, vm0, $0xb8;
	[tilespmem:$0x18400] =	vst v63  }
0x30c: {  	v3 =	vld [tilespmem:$0x3F0];
	_ =	sdelay $0x4  }
0x30d: {  	v63 =	vshll.u32 v3, $0x1  }
0x30e: {  	v3 =	vand.u32 $0x7, v3;
	v4 =	vand.u32 $0xFFFFFFF0, v63  }
0x30f: {  	v3 =	vor.u32 v3, v4  }
0x310: {  	v4 =	vperm.xlane v3, v0;
	_ =	sdelay $0x1  }
0x311: {  	v3 =	vperm.xlane v3, v2;
	v4 =	vadd.s32 v1, v4;
	_ =	sdelay $0x1  }
0x312: {  	v3 =	vadd.s32 v1, v3;
	_ =	sdelay $0x1  }
0x313: {  	s17 =	simm.s32 $0xF400  }
0x314: {  	[tilespmem:s17], [sflag:$0x2] =	stream.indirect_vreg.gather [hbm4b:s3+s2], $0x80, v4, vm0, $0xb8;
	[tilespmem:$0x18400] =	vst v63  }
0x315: {  	s16 =	simm.s32 $0xFC00  }
0x316: {  	[tilespmem:s16], [sflag:$0x2] =	stream.indirect_vreg.gather [hbm4b:s3+s2], $0x80, v3, vm0, $0xb8;
	[tilespmem:$0x18400] =	vst v63  }
0x317: {  	_ =	swait.ge [sflag:s26], $0x8000  }
0x318: {  	[sflag:s26] =	ssyncset.done $0x0  }
0x319: {  	s17 =	rddreg [dreg:$0x10];
	[sflag:s26] =	ssyncadd.s32 $0xFFFF8000  }
0x31a: {  	[hbm4b:s17+s2] =	stream.linear.scatter [tilespmem:s6], [sflag:$0x4], $0x8000, $0x38;
	[tilespmem:$0x18400] =	vst v63  }
0x31b: {  	_ =	swait.ge [sflag:s5], $0x8000  }
0x31c: {  	[sflag:s5] =	ssyncset.done $0x0  }
0x31d: {  	[sflag:s5] =	ssyncadd.s32 $0xFFFF8000  }
0x31e: {  	_ =	swait.ge [sflag:s13], $0x8000  }
0x31f: {  	[sflag:s13] =	ssyncset.done $0x0  }
0x320: {  	s1 =	rddreg [dreg:$0x11];
	[sflag:s13] =	ssyncadd.s32 $0xFFFF8000  }
0x321: {  	[hbm4b:s1+s2] =	stream.linear.scatter [tilespmem:s22], [sflag:$0x4], $0x8000, $0x38;
	[tilespmem:$0x18400] =	vst v63  }
0x322: {  	_ =	swait.ge [sflag:s5], $0x8000  }
0x323: {  	[sflag:s5] =	ssyncset.done $0x0  }
0x324: {  	[sflag:s5] =	ssyncadd.s32 $0xFFFF8000  }
0x325: {  	_ =	swait.ge [sflag:s14], $0x8000  }
0x326: {  	p0 =	sne.s32 s4, $0x1;
	[sflag:s14] =	ssyncset.done $0x0  }
.Ltmp0:
0x327: {  	s17 =	rddreg [dreg:$0x12];
	[sflag:s14] =	ssyncadd.s32 $0xFFFF8000;
	(pc) =	sbr.rel @p0 .LBB2_1-.Ltmp0, $4  }
0x328: {  	[hbm4b:s17+s2] =	stream.linear.scatter [tilespmem:s0], [sflag:$0x4], $0x8000, $0x38;
	[tilespmem:$0x18400] =	vst v63  }
0x329: {  	_ =	swait.ge [sflag:s5], $0x8000  }
0x32a: {  	[sflag:s5] =	ssyncset.done $0x0  }
0x32b: {  	s4 =	sadd.s32 $0xFFFFFFFF, s4;
	[sflag:s5] =	ssyncadd.s32 $0xFFFF8000  }
0x32c: {  	_ =	sfence.sel $0x180000  }
0x32d: {  	[bflag:$0x0] =	sbarrier.arrive $0xFFFF  }
0x32e: {  	_ =	strace $0x90000047  }
0x32f: {  	s0 =	stileid.u32;
	[bflag:$0x2] =	sbarrier.arrive $0xFFFF  }
0x330: {  	p0 =	sne.s32 s0, $0x0;
	s0 =	rddreg [dreg:$0x2]  }
0x331: {  	s0 =	sadd.s32 @!p0 $0x100000, s0  }
0x332: {  	[sflag:s0] =	ssyncadd.tile.s32 @!p0 $0x1;
	_ =	shalt  }
.Lfunc_end2:
_tile_overlayer_lowered:
.L_overlay_start_2:
0x333: {  	(tag) =	ssettag $0x2  }
0x334: {  	s0 =	rddreg [dreg:$0x0];
	s2 =	stileid.u32  }
0x335: {  	s1 =	rddreg [dreg:$0x1];
	p0 =	sne.s32 s2, $0x0  }
0x336: {  	s3 =	rddreg [dreg:$0x2];
	[bflag:$0x3] =	sbarrier.arrive $0xFFFF;
	s2 =	simm.s32 @!p0 $0x1C04  }
0x337: {  	[timem:s3], [sflag:s2] =	dma.local @!p0 [hbm:s0], s1  }
0x338: {  	s0 =	simm.s32 @!p0 $0x4  }
0x339: {  	_ =	swait.ge @!p0 [sflag:s0], s1  }
0x33a: {  	s1 =	ssub.s32 @!p0 $0x0, s1;
	[sflag:s0] =	ssyncset.done @!p0 $0x0  }
0x33b: {  	[sflag:s0] =	ssyncadd.s32 @!p0 s1  }
0x33c: {  	[bflag:$0x3] =	sbarrier.arrive $0xFFFF  }
0x33d: {  	_ =	shalt  }

</sc_bundles>
